<compile_context>
chip_gen: v7x
topology: tpu7x:2x2x1
jax: 0.10.2.dev20260603
libtpu: 0.0.44.dev20260713+nightly
codegen_flags: <defaults>
</compile_context>

<pallas_src>
import jax
import jax.numpy as jnp
from jax import lax
from jax.experimental import pallas as pl
from jax.experimental.pallas import tpu as pltpu
from jax.experimental.pallas import tpu_sc as plsc

VOCAB = 100000
D = 128
N_NEGS = 200
ROWS = 16
NFULL = 12
NTILES = NFULL + 1
NLANE = 16
NSEG = D // NLANE
EPS = 1e-5


def _rsqrt(x):
    bits = lax.bitcast_convert_type(x, jnp.int32)
    seed = jnp.int32(0x5F3759DF) - lax.shift_right_logical(bits, 1)
    y = lax.bitcast_convert_type(seed, jnp.float32)
    half_x = 0.5 * x
    for _ in range(2):
        y = y * (1.5 - half_x * y * y)
    return y


def _log1p(y):
    s = y / (2.0 + y)
    s2 = s * s
    p = 1.0 / 5.0 + s2 * (1.0 / 7.0)
    p = 1.0 / 3.0 + s2 * p
    return 2.0 * s * (1.0 + s2 * p)


def _arccosh_vec(g):
    t = g - 1.0
    x = t * (g + 1.0)
    sq = x * _rsqrt(x)
    return _log1p(t + sq)


def _sc_body(uix_hbm, vix_hbm, negix_hbm, emb_hbm,
             loss_hbm, u_hbm, v_hbm, negs_hbm,
             idx_v, uidx_v, vidx_v, rows_v, urow_v, vrow_v,
             nn_sc, un_sc, uvv_sc, shuf_sc, loss_v,
             sem_in, sem_iu, sem_iv, sem_n, sem_u, sem_v,
             sem_o, sem_l, sem_wu, sem_wv):
    wid = lax.axis_index("s")

    @pl.when(wid < NTILES)
    def _work():
        base = jnp.where(wid == NFULL, N_NEGS - ROWS, wid * ROWS)
        ci_n = pltpu.async_copy(negix_hbm.at[pl.ds(base, ROWS)], idx_v,
                                sem_in)
        ci_u = pltpu.async_copy(uix_hbm, uidx_v, sem_iu)
        ci_v = pltpu.async_copy(vix_hbm, vidx_v, sem_iv)
        ci_n.wait()
        cp_n = pltpu.async_copy(emb_hbm.at[idx_v], rows_v, sem_n)
        ci_u.wait()
        cp_u = pltpu.async_copy(emb_hbm.at[uidx_v], urow_v, sem_u)
        ci_v.wait()
        cp_v = pltpu.async_copy(emb_hbm.at[vidx_v], vrow_v, sem_v)

        lanes = lax.iota(jnp.int32, NLANE)
        row8 = lanes & 7
        half = lax.shift_right_logical(lanes, 3)

        def _acc(pairs):
            a = pairs[0][0] * pairs[0][1]
            for x, y in pairs[1:]:
                a = a + x * y
            return a

        def _row_sums8(sc_ref, shuf_row):
            acc = plsc.load_gather(sc_ref, [row8, half])
            for col in range(2, NLANE, 2):
                acc = acc + plsc.load_gather(sc_ref, [row8, half + col])
            shuf_sc[shuf_row] = acc
            other = plsc.load_gather(shuf_sc, [jnp.full((NLANE,), shuf_row,
                                                        jnp.int32), lanes ^ 8])
            return acc + other

        def _row_sums16(sc_ref):
            acc = plsc.load_gather(sc_ref, [lanes,
                                            jnp.zeros((NLANE,), jnp.int32)])
            for col in range(1, NLANE):
                acc = acc + plsc.load_gather(
                    sc_ref, [lanes, jnp.full((NLANE,), col, jnp.int32)])
            return acc

        cp_u.wait()
        cp_v.wait()

        @pl.when(wid == 0)
        def _uv_out():
            pltpu.async_copy(urow_v, u_hbm, sem_wu)
            pltpu.async_copy(vrow_v, v_hbm, sem_wv)

        u_seg = [urow_v[0, pl.ds(k * NLANE, NLANE)] for k in range(NSEG)]
        v_seg = [vrow_v[0, pl.ds(k * NLANE, NLANE)] for k in range(NSEG)]

        uvv_sc[0] = _acc([(uk, uk) for uk in u_seg])
        uvv_sc[1] = _acc([(vk, vk) for vk in v_seg])
        uvv_sc[2] = _acc(list(zip(u_seg, v_seg)))
        misc = _row_sums8(uvv_sc, 2)
        shuf_sc[3] = misc
        row3 = jnp.full((NLANE,), 3, jnp.int32)
        uu = plsc.load_gather(shuf_sc, [row3, jnp.zeros((NLANE,), jnp.int32)])
        vv = plsc.load_gather(shuf_sc, [row3, jnp.ones((NLANE,), jnp.int32)])
        uv = plsc.load_gather(shuf_sc, [row3, jnp.full((NLANE,), 2,
                                                       jnp.int32)])
        alpha = jnp.maximum(1.0 - uu, EPS)
        beta_v = jnp.maximum(1.0 - vv, EPS)
        duv = jnp.maximum(uu + vv - 2.0 * uv, 0.0)
        gamma_uv = 1.0 + 2.0 * duv / (alpha * beta_v)
        d_uv = _arccosh_vec(jnp.maximum(gamma_uv, 1.0 + EPS))

        cp_n.wait()

        @pl.when(wid < NFULL)
        def _out_full():
            pltpu.async_copy(rows_v, negs_hbm.at[pl.ds(base, ROWS)], sem_o)

        @pl.when(wid == NFULL)
        def _out_tail():
            pltpu.async_copy(rows_v.at[pl.ds(8, 8)],
                             negs_hbm.at[pl.ds(N_NEGS - 8, 8)], sem_o)

        for j in range(ROWS):
            n_seg = [rows_v[j, pl.ds(k * NLANE, NLANE)] for k in range(NSEG)]
            nn_sc[j] = _acc([(nk, nk) for nk in n_seg])
            un_sc[j] = _acc(list(zip(u_seg, n_seg)))
        nn_vec = _row_sums16(nn_sc)
        un_vec = _row_sums16(un_sc)

        beta_n = jnp.maximum(1.0 - nn_vec, EPS)
        dn = jnp.maximum(uu + nn_vec - 2.0 * un_vec, 0.0)
        gamma_n = 1.0 + 2.0 * dn / (alpha * beta_n)
        dvec = _arccosh_vec(jnp.maximum(gamma_n, 1.0 + EPS))
        loss_v[...] = d_uv - dvec

        @pl.when(wid < NFULL)
        def _loss_full():
            pltpu.async_copy(loss_v, loss_hbm.at[pl.ds(base, ROWS)], sem_l)

        @pl.when(wid == NFULL)
        def _loss_tail():
            pltpu.async_copy(loss_v.at[pl.ds(8, 8)],
                             loss_hbm.at[pl.ds(N_NEGS - 8, 8)], sem_l)

        @pl.when(wid == 0)
        def _uv_drain():
            pltpu.make_async_copy(urow_v, u_hbm, sem_wu).wait()
            pltpu.make_async_copy(vrow_v, v_hbm, sem_wv).wait()

        @pl.when(wid < NFULL)
        def _drain_full():
            pltpu.make_async_copy(loss_v, loss_hbm.at[pl.ds(base, ROWS)],
                                  sem_l).wait()
            pltpu.make_async_copy(rows_v, negs_hbm.at[pl.ds(base, ROWS)],
                                  sem_o).wait()

        @pl.when(wid == NFULL)
        def _drain_tail():
            pltpu.make_async_copy(loss_v.at[pl.ds(8, 8)],
                                  loss_hbm.at[pl.ds(N_NEGS - 8, 8)],
                                  sem_l).wait()
            pltpu.make_async_copy(rows_v.at[pl.ds(8, 8)],
                                  negs_hbm.at[pl.ds(N_NEGS - 8, 8)],
                                  sem_o).wait()


@jax.jit
def _run(u_ix, v_ix, neg_ixs, embeddings):
    mesh = plsc.VectorSubcoreMesh(core_axis_name="c", subcore_axis_name="s",
                                  num_cores=1, num_subcores=16)
    call = pl.kernel(
        _sc_body,
        out_type=(
            jax.ShapeDtypeStruct((N_NEGS,), jnp.float32),
            jax.ShapeDtypeStruct((1, D), jnp.float32),
            jax.ShapeDtypeStruct((1, D), jnp.float32),
            jax.ShapeDtypeStruct((N_NEGS, D), jnp.float32),
        ),
        mesh=mesh,
        compiler_params=pltpu.CompilerParams(needs_layout_passes=False),
        scratch_types=[
            pltpu.VMEM((ROWS,), jnp.int32),
            pltpu.VMEM((1,), jnp.int32),
            pltpu.VMEM((1,), jnp.int32),
            pltpu.VMEM((ROWS, D), jnp.float32),
            pltpu.VMEM((1, D), jnp.float32),
            pltpu.VMEM((1, D), jnp.float32),
            pltpu.VMEM((ROWS, NLANE), jnp.float32),
            pltpu.VMEM((ROWS, NLANE), jnp.float32),
            pltpu.VMEM((8, NLANE), jnp.float32),
            pltpu.VMEM((4, NLANE), jnp.float32),
            pltpu.VMEM((NLANE,), jnp.float32),
            pltpu.SemaphoreType.DMA,
            pltpu.SemaphoreType.DMA,
            pltpu.SemaphoreType.DMA,
            pltpu.SemaphoreType.DMA,
            pltpu.SemaphoreType.DMA,
            pltpu.SemaphoreType.DMA,
            pltpu.SemaphoreType.DMA,
            pltpu.SemaphoreType.DMA,
            pltpu.SemaphoreType.DMA,
            pltpu.SemaphoreType.DMA,
        ],
    )
    return call(u_ix, v_ix, neg_ixs, embeddings)


def kernel(u_ix, v_ix, neg_ixs, embeddings):
    u_ix = u_ix.astype(jnp.int32)
    v_ix = v_ix.astype(jnp.int32)
    neg_ixs = neg_ixs.astype(jnp.int32)
    loss, u, v, negs = _run(u_ix, v_ix, neg_ixs, embeddings)
    return (loss, u, v, negs)

# --- scband reference (transcript-rebuilt; emitter-appended) ---
"""Pipeline reference for scband-text-model-34359739113 (READ-ONLY COPY).

The authoritative reference and input builder live on the scoring server;
editing this copy changes nothing except your own understanding.
"""

import jax, jax.numpy as jnp
import numpy as np

VOCAB = 100000
EMB_DIM = 128
N_NEGS = 200


def poincare_distance(u, v):
    # d(u, v) = arccosh(1 + 2*||u-v||^2 / ((1-||u||^2)(1-||v||^2)))
    eps = 1e-5
    uu = jnp.sum(u * u, axis=-1)
    vv = jnp.sum(v * v, axis=-1)
    duv = jnp.sum((u - v) ** 2, axis=-1)
    alpha = jnp.clip(1.0 - uu, eps, None)
    beta = jnp.clip(1.0 - vv, eps, None)
    gamma = 1.0 + 2.0 * duv / (alpha * beta)
    return jnp.arccosh(jnp.clip(gamma, 1.0 + eps, None))


def setup_inputs(seed: int = 0) -> dict:
    key = jax.random.key(seed)
    k1, k2, k3, k4 = jax.random.split(key, 4)
    # Learned parameter: embedding table, init uniform(-0.001, 0.001) as in __init__
    embeddings = jax.random.uniform(k1, (VOCAB, EMB_DIM), dtype=jnp.float32, minval=-0.001, maxval=0.001)
    u_ix = jax.random.randint(k2, (1,), 0, VOCAB)
    v_ix = jax.random.randint(k3, (1,), 0, VOCAB)
    neg_ixs = jax.random.randint(k4, (N_NEGS,), 0, VOCAB)
    return {"u_ix": u_ix, "v_ix": v_ix, "neg_ixs": neg_ixs, "embeddings": embeddings}


def reference(u_ix, v_ix, neg_ixs, embeddings):
    # TextModel.forward(ixs): lookups + nickel_loss
    u = jnp.take(embeddings, u_ix, axis=0)        # [1, EMB_DIM]
    v = jnp.take(embeddings, v_ix, axis=0)        # [1, EMB_DIM]
    negs = jnp.take(embeddings, neg_ixs, axis=0)  # [N_NEGS, EMB_DIM]
    # nickel_loss: -log(exp(-d(u,v)) / exp(-d(u,negs)))  (broadcasts over negs)
    loss = -jnp.log(jnp.exp(-poincare_distance(u, v)) / jnp.exp(-poincare_distance(u, negs)))
    return (loss, u, v, negs)

if __name__ == "__main__":
    import jax
    _d = setup_inputs()
    print(jax.jit(kernel)(*tuple(_d.values())))

</pallas_src>

<mosaic_0001>
#map = affine_map<(d0, d1) -> (0)>
#map1 = affine_map<(d0, d1) -> (0, 0)>
module attributes {stable_mosaic.version = 14 : i64} {
  func.func @_sc_body(%arg0: i32, %arg1: i32, %arg2: memref<1xi32, #tpu.memory_space<hbm>>, %arg3: memref<1xi32, #tpu.memory_space<hbm>>, %arg4: memref<200xi32, #tpu.memory_space<hbm>>, %arg5: memref<100000x128xf32, #tpu.memory_space<hbm>>, %arg6: memref<200xf32, #tpu.memory_space<hbm>>, %arg7: memref<1x128xf32, #tpu.memory_space<hbm>>, %arg8: memref<1x128xf32, #tpu.memory_space<hbm>>, %arg9: memref<200x128xf32, #tpu.memory_space<hbm>>, %arg10: memref<16xi32, #tpu.memory_space<vmem>>, %arg11: memref<1xi32, #tpu.memory_space<vmem>>, %arg12: memref<1xi32, #tpu.memory_space<vmem>>, %arg13: memref<16x128xf32, #tpu.memory_space<vmem>>, %arg14: memref<1x128xf32, #tpu.memory_space<vmem>>, %arg15: memref<1x128xf32, #tpu.memory_space<vmem>>, %arg16: memref<16x16xf32, #tpu.memory_space<vmem>>, %arg17: memref<16x16xf32, #tpu.memory_space<vmem>>, %arg18: memref<8x16xf32, #tpu.memory_space<vmem>>, %arg19: memref<4x16xf32, #tpu.memory_space<vmem>>, %arg20: memref<16xf32, #tpu.memory_space<vmem>>, %arg21: memref<!tpu.dma_semaphore, #tpu.memory_space<semaphore_mem>>, %arg22: memref<!tpu.dma_semaphore, #tpu.memory_space<semaphore_mem>>, %arg23: memref<!tpu.dma_semaphore, #tpu.memory_space<semaphore_mem>>, %arg24: memref<!tpu.dma_semaphore, #tpu.memory_space<semaphore_mem>>, %arg25: memref<!tpu.dma_semaphore, #tpu.memory_space<semaphore_mem>>, %arg26: memref<!tpu.dma_semaphore, #tpu.memory_space<semaphore_mem>>, %arg27: memref<!tpu.dma_semaphore, #tpu.memory_space<semaphore_mem>>, %arg28: memref<!tpu.dma_semaphore, #tpu.memory_space<semaphore_mem>>, %arg29: memref<!tpu.dma_semaphore, #tpu.memory_space<semaphore_mem>>, %arg30: memref<!tpu.dma_semaphore, #tpu.memory_space<semaphore_mem>>) attributes {dimension_semantics = [#tpu.dimension_semantics<core_parallel>, #tpu.dimension_semantics<subcore_parallel>], iteration_bounds = array<i64: 1, 16>, scalar_prefetch = 0 : i64, scratch_operands = 21 : i64, tpu.core_type = #tpu.core_type<sc_vector_subcore>, window_params = [{transform_indices = #map}, {transform_indices = #map}, {transform_indices = #map}, {transform_indices = #map1}, {transform_indices = #map}, {transform_indices = #map1}, {transform_indices = #map1}, {transform_indices = #map1}]} {
    %lt3A = arith.constant 13 : i32
    %lt3A_0 = arith.cmpi slt, %arg1, %lt3A : i32
    %convert_element_type3A = arith.extui %lt3A_0 : i1 to i32
    %cond3A = arith.constant 0 : i32
    %cond3A_1 = arith.cmpi ne, %convert_element_type3A, %cond3A : i32
    scf.if %cond3A_1 {
      %eq3A = arith.constant 12 : i32
      %eq3A_2 = arith.cmpi eq, %arg1, %eq3A : i32
      %mul3A = arith.constant 16 : i32
      %mul3A_3 = arith.muli %arg1, %mul3A : i32
      %jit3A = arith.constant 184 : i32
      %select_n3A = arith.select %eq3A_2, %jit3A, %mul3A_3 : i32
      %dma_start3A = tpu.memref_slice %arg4[%select_n3A] : memref<200xi32, #tpu.memory_space<hbm>> -> memref<16xi32, #tpu.memory_space<hbm>>
      %dma_start3A_4 = tpu.memref_slice %arg4[%select_n3A] : memref<200xi32, #tpu.memory_space<hbm>> -> memref<16xi32, #tpu.memory_space<hbm>>
      tpu.enqueue_dma source(%dma_start3A_4 : memref<16xi32, #tpu.memory_space<hbm>>) target(%arg10 : memref<16xi32, #tpu.memory_space<vmem>>) target_semaphore(%arg21 : memref<!tpu.dma_semaphore, #tpu.memory_space<semaphore_mem>>)
      tpu.enqueue_dma source(%arg2 : memref<1xi32, #tpu.memory_space<hbm>>) target(%arg11 : memref<1xi32, #tpu.memory_space<vmem>>) target_semaphore(%arg22 : memref<!tpu.dma_semaphore, #tpu.memory_space<semaphore_mem>>)
      tpu.enqueue_dma source(%arg3 : memref<1xi32, #tpu.memory_space<hbm>>) target(%arg12 : memref<1xi32, #tpu.memory_space<vmem>>) target_semaphore(%arg23 : memref<!tpu.dma_semaphore, #tpu.memory_space<semaphore_mem>>)
      %dma_wait3A = tpu.memref_slice %arg4[%select_n3A] : memref<200xi32, #tpu.memory_space<hbm>> -> memref<16xi32, #tpu.memory_space<hbm>>
      %dma_wait3A_5 = tpu.memref_slice %arg4[%select_n3A] : memref<200xi32, #tpu.memory_space<hbm>> -> memref<16xi32, #tpu.memory_space<hbm>>
      tpu.wait_dma2 semaphore(%arg21 : memref<!tpu.dma_semaphore, #tpu.memory_space<semaphore_mem>>) src(%dma_wait3A_5 : memref<16xi32, #tpu.memory_space<hbm>>) dst(%arg10 : memref<16xi32, #tpu.memory_space<vmem>>)
      %dma_start3A_6 = arith.constant 0 : i32
      %dma_start3A_7 = arith.constant 0 : i32
      %dma_start3A_8 = tpu.memref_slice %arg5[%dma_start3A_6, %dma_start3A_7] : memref<100000x128xf32, #tpu.memory_space<hbm>> -> memref<100000x128xf32, #tpu.memory_space<hbm>>
      tpu.enqueue_indirect_dma source(%dma_start3A_8 : memref<100000x128xf32, #tpu.memory_space<hbm>>) target(%arg13 : memref<16x128xf32, #tpu.memory_space<vmem>>) offsets(%arg10 : memref<16xi32, #tpu.memory_space<vmem>>) semaphore(%arg24 : memref<!tpu.dma_semaphore, #tpu.memory_space<semaphore_mem>>)
      tpu.wait_dma2 semaphore(%arg22 : memref<!tpu.dma_semaphore, #tpu.memory_space<semaphore_mem>>) src(%arg2 : memref<1xi32, #tpu.memory_space<hbm>>) dst(%arg11 : memref<1xi32, #tpu.memory_space<vmem>>)
      %dma_start3A_9 = arith.constant 0 : i32
      %dma_start3A_10 = arith.constant 0 : i32
      %dma_start3A_11 = tpu.memref_slice %arg5[%dma_start3A_9, %dma_start3A_10] : memref<100000x128xf32, #tpu.memory_space<hbm>> -> memref<100000x128xf32, #tpu.memory_space<hbm>>
      tpu.enqueue_indirect_dma source(%dma_start3A_11 : memref<100000x128xf32, #tpu.memory_space<hbm>>) target(%arg14 : memref<1x128xf32, #tpu.memory_space<vmem>>) offsets(%arg11 : memref<1xi32, #tpu.memory_space<vmem>>) semaphore(%arg25 : memref<!tpu.dma_semaphore, #tpu.memory_space<semaphore_mem>>)
      tpu.wait_dma2 semaphore(%arg23 : memref<!tpu.dma_semaphore, #tpu.memory_space<semaphore_mem>>) src(%arg3 : memref<1xi32, #tpu.memory_space<hbm>>) dst(%arg12 : memref<1xi32, #tpu.memory_space<vmem>>)
      %dma_start3A_12 = arith.constant 0 : i32
      %dma_start3A_13 = arith.constant 0 : i32
      %dma_start3A_14 = tpu.memref_slice %arg5[%dma_start3A_12, %dma_start3A_13] : memref<100000x128xf32, #tpu.memory_space<hbm>> -> memref<100000x128xf32, #tpu.memory_space<hbm>>
      tpu.enqueue_indirect_dma source(%dma_start3A_14 : memref<100000x128xf32, #tpu.memory_space<hbm>>) target(%arg15 : memref<1x128xf32, #tpu.memory_space<vmem>>) offsets(%arg12 : memref<1xi32, #tpu.memory_space<vmem>>) semaphore(%arg26 : memref<!tpu.dma_semaphore, #tpu.memory_space<semaphore_mem>>)
      %iota3A = tpu.iota {dimensions = array<i32: 0>} : vector<16xi32>
      %and3A = arith.constant 7 : i32
      %and3A_15 = vector.broadcast %and3A : i32 to vector<16xi32>
      %and3A_16 = arith.andi %iota3A, %and3A_15 : vector<16xi32>
      %shift_right_logical3A = arith.constant 3 : i32
      %shift_right_logical3A_17 = vector.broadcast %shift_right_logical3A : i32 to vector<16xi32>
      %shift_right_logical3A_18 = arith.shrui %iota3A, %shift_right_logical3A_17 : vector<16xi32>
      %dma_wait3A_19 = arith.constant 0 : i32
      %dma_wait3A_20 = arith.constant 0 : i32
      %dma_wait3A_21 = tpu.memref_slice %arg5[%dma_wait3A_19, %dma_wait3A_20] : memref<100000x128xf32, #tpu.memory_space<hbm>> -> memref<100000x128xf32, #tpu.memory_space<hbm>>
      tpu.wait_indirect_dma semaphore(%arg25 : memref<!tpu.dma_semaphore, #tpu.memory_space<semaphore_mem>>) src(%dma_wait3A_21 : memref<100000x128xf32, #tpu.memory_space<hbm>>) dst(%arg14 : memref<1x128xf32, #tpu.memory_space<vmem>>)
      %dma_wait3A_22 = arith.constant 0 : i32
      %dma_wait3A_23 = arith.constant 0 : i32
      %dma_wait3A_24 = tpu.memref_slice %arg5[%dma_wait3A_22, %dma_wait3A_23] : memref<100000x128xf32, #tpu.memory_space<hbm>> -> memref<100000x128xf32, #tpu.memory_space<hbm>>
      tpu.wait_indirect_dma semaphore(%arg26 : memref<!tpu.dma_semaphore, #tpu.memory_space<semaphore_mem>>) src(%dma_wait3A_24 : memref<100000x128xf32, #tpu.memory_space<hbm>>) dst(%arg15 : memref<1x128xf32, #tpu.memory_space<vmem>>)
      %eq3A_25 = arith.constant 0 : i32
      %eq3A_26 = arith.cmpi eq, %arg1, %eq3A_25 : i32
      %convert_element_type3A_27 = arith.extui %eq3A_26 : i1 to i32
      %cond3A_28 = arith.constant 0 : i32
      %cond3A_29 = arith.cmpi ne, %convert_element_type3A_27, %cond3A_28 : i32
      scf.if %cond3A_29 {
        tpu.enqueue_dma source(%arg14 : memref<1x128xf32, #tpu.memory_space<vmem>>) target(%arg7 : memref<1x128xf32, #tpu.memory_space<hbm>>) target_semaphore(%arg29 : memref<!tpu.dma_semaphore, #tpu.memory_space<semaphore_mem>>)
        tpu.enqueue_dma source(%arg15 : memref<1x128xf32, #tpu.memory_space<vmem>>) target(%arg8 : memref<1x128xf32, #tpu.memory_space<hbm>>) target_semaphore(%arg30 : memref<!tpu.dma_semaphore, #tpu.memory_space<semaphore_mem>>)
      } else {
      }
      %get3A = arith.constant 0 : i32
      %get3A_30 = arith.index_cast %get3A : i32 to index
      %get3A_31 = arith.constant 0 : index
      %get3A_32 = tpu.vector_load %arg14[%get3A_30, %get3A_31] {strides = array<i32>} : memref<1x128xf32, #tpu.memory_space<vmem>>, vector<16xf32>,
      %get3A_33 = arith.constant 0 : i32
      %get3A_34 = arith.index_cast %get3A_33 : i32 to index
      %get3A_35 = arith.constant 16 : index
      %get3A_36 = tpu.vector_load %arg14[%get3A_34, %get3A_35] {strides = array<i32>} : memref<1x128xf32, #tpu.memory_space<vmem>>, vector<16xf32>,
      %get3A_37 = arith.constant 0 : i32
      %get3A_38 = arith.index_cast %get3A_37 : i32 to index
      %get3A_39 = arith.constant 32 : index
      %get3A_40 = tpu.vector_load %arg14[%get3A_38, %get3A_39] {strides = array<i32>} : memref<1x128xf32, #tpu.memory_space<vmem>>, vector<16xf32>,
      %get3A_41 = arith.constant 0 : i32
      %get3A_42 = arith.index_cast %get3A_41 : i32 to index
      %get3A_43 = arith.constant 48 : index
      %get3A_44 = tpu.vector_load %arg14[%get3A_42, %get3A_43] {strides = array<i32>} : memref<1x128xf32, #tpu.memory_space<vmem>>, vector<16xf32>,
      %get3A_45 = arith.constant 0 : i32
      %get3A_46 = arith.index_cast %get3A_45 : i32 to index
      %get3A_47 = arith.constant 64 : index
      %get3A_48 = tpu.vector_load %arg14[%get3A_46, %get3A_47] {strides = array<i32>} : memref<1x128xf32, #tpu.memory_space<vmem>>, vector<16xf32>,
      %get3A_49 = arith.constant 0 : i32
      %get3A_50 = arith.index_cast %get3A_49 : i32 to index
      %get3A_51 = arith.constant 80 : index
      %get3A_52 = tpu.vector_load %arg14[%get3A_50, %get3A_51] {strides = array<i32>} : memref<1x128xf32, #tpu.memory_space<vmem>>, vector<16xf32>,
      %get3A_53 = arith.constant 0 : i32
      %get3A_54 = arith.index_cast %get3A_53 : i32 to index
      %get3A_55 = arith.constant 96 : index
      %get3A_56 = tpu.vector_load %arg14[%get3A_54, %get3A_55] {strides = array<i32>} : memref<1x128xf32, #tpu.memory_space<vmem>>, vector<16xf32>,
      %get3A_57 = arith.constant 0 : i32
      %get3A_58 = arith.index_cast %get3A_57 : i32 to index
      %get3A_59 = arith.constant 112 : index
      %get3A_60 = tpu.vector_load %arg14[%get3A_58, %get3A_59] {strides = array<i32>} : memref<1x128xf32, #tpu.memory_space<vmem>>, vector<16xf32>,
      %get3A_61 = arith.constant 0 : i32
      %get3A_62 = arith.index_cast %get3A_61 : i32 to index
      %get3A_63 = arith.constant 0 : index
      %get3A_64 = tpu.vector_load %arg15[%get3A_62, %get3A_63] {strides = array<i32>} : memref<1x128xf32, #tpu.memory_space<vmem>>, vector<16xf32>,
      %get3A_65 = arith.constant 0 : i32
      %get3A_66 = arith.index_cast %get3A_65 : i32 to index
      %get3A_67 = arith.constant 16 : index
      %get3A_68 = tpu.vector_load %arg15[%get3A_66, %get3A_67] {strides = array<i32>} : memref<1x128xf32, #tpu.memory_space<vmem>>, vector<16xf32>,
      %get3A_69 = arith.constant 0 : i32
      %get3A_70 = arith.index_cast %get3A_69 : i32 to index
      %get3A_71 = arith.constant 32 : index
      %get3A_72 = tpu.vector_load %arg15[%get3A_70, %get3A_71] {strides = array<i32>} : memref<1x128xf32, #tpu.memory_space<vmem>>, vector<16xf32>,
      %get3A_73 = arith.constant 0 : i32
      %get3A_74 = arith.index_cast %get3A_73 : i32 to index
      %get3A_75 = arith.constant 48 : index
      %get3A_76 = tpu.vector_load %arg15[%get3A_74, %get3A_75] {strides = array<i32>} : memref<1x128xf32, #tpu.memory_space<vmem>>, vector<16xf32>,
      %get3A_77 = arith.constant 0 : i32
      %get3A_78 = arith.index_cast %get3A_77 : i32 to index
      %get3A_79 = arith.constant 64 : index
      %get3A_80 = tpu.vector_load %arg15[%get3A_78, %get3A_79] {strides = array<i32>} : memref<1x128xf32, #tpu.memory_space<vmem>>, vector<16xf32>,
      %get3A_81 = arith.constant 0 : i32
      %get3A_82 = arith.index_cast %get3A_81 : i32 to index
      %get3A_83 = arith.constant 80 : index
      %get3A_84 = tpu.vector_load %arg15[%get3A_82, %get3A_83] {strides = array<i32>} : memref<1x128xf32, #tpu.memory_space<vmem>>, vector<16xf32>,
      %get3A_85 = arith.constant 0 : i32
      %get3A_86 = arith.index_cast %get3A_85 : i32 to index
      %get3A_87 = arith.constant 96 : index
      %get3A_88 = tpu.vector_load %arg15[%get3A_86, %get3A_87] {strides = array<i32>} : memref<1x128xf32, #tpu.memory_space<vmem>>, vector<16xf32>,
      %get3A_89 = arith.constant 0 : i32
      %get3A_90 = arith.index_cast %get3A_89 : i32 to index
      %get3A_91 = arith.constant 112 : index
      %get3A_92 = tpu.vector_load %arg15[%get3A_90, %get3A_91] {strides = array<i32>} : memref<1x128xf32, #tpu.memory_space<vmem>>, vector<16xf32>,
      %mul3A_93 = arith.mulf %get3A_32, %get3A_32 : vector<16xf32>
      %mul3A_94 = arith.mulf %get3A_36, %get3A_36 : vector<16xf32>
      %add3A = arith.addf %mul3A_93, %mul3A_94 : vector<16xf32>
      %mul3A_95 = arith.mulf %get3A_40, %get3A_40 : vector<16xf32>
      %add3A_96 = arith.addf %add3A, %mul3A_95 : vector<16xf32>
      %mul3A_97 = arith.mulf %get3A_44, %get3A_44 : vector<16xf32>
      %add3A_98 = arith.addf %add3A_96, %mul3A_97 : vector<16xf32>
      %mul3A_99 = arith.mulf %get3A_48, %get3A_48 : vector<16xf32>
      %add3A_100 = arith.addf %add3A_98, %mul3A_99 : vector<16xf32>
      %mul3A_101 = arith.mulf %get3A_52, %get3A_52 : vector<16xf32>
      %add3A_102 = arith.addf %add3A_100, %mul3A_101 : vector<16xf32>
      %mul3A_103 = arith.mulf %get3A_56, %get3A_56 : vector<16xf32>
      %add3A_104 = arith.addf %add3A_102, %mul3A_103 : vector<16xf32>
      %mul3A_105 = arith.mulf %get3A_60, %get3A_60 : vector<16xf32>
      %add3A_106 = arith.addf %add3A_104, %mul3A_105 : vector<16xf32>
      %swap3A = arith.constant 0 : i32
      %swap3A_107 = arith.index_cast %swap3A : i32 to index
      %swap3A_108 = arith.constant 0 : index
      %swap3A_109 = tpu.vector_load %arg18[%swap3A_107, %swap3A_108] {strides = array<i32>} : memref<8x16xf32, #tpu.memory_space<vmem>>, vector<16xf32>,
      tpu.vector_store %arg18[%swap3A_107, %swap3A_108], %add3A_106 {strides = array<i32>} : memref<8x16xf32, #tpu.memory_space<vmem>>, vector<16xf32>,
      %mul3A_110 = arith.mulf %get3A_64, %get3A_64 : vector<16xf32>
      %mul3A_111 = arith.mulf %get3A_68, %get3A_68 : vector<16xf32>
      %add3A_112 = arith.addf %mul3A_110, %mul3A_111 : vector<16xf32>
      %mul3A_113 = arith.mulf %get3A_72, %get3A_72 : vector<16xf32>
      %add3A_114 = arith.addf %add3A_112, %mul3A_113 : vector<16xf32>
      %mul3A_115 = arith.mulf %get3A_76, %get3A_76 : vector<16xf32>
      %add3A_116 = arith.addf %add3A_114, %mul3A_115 : vector<16xf32>
      %mul3A_117 = arith.mulf %get3A_80, %get3A_80 : vector<16xf32>
      %add3A_118 = arith.addf %add3A_116, %mul3A_117 : vector<16xf32>
      %mul3A_119 = arith.mulf %get3A_84, %get3A_84 : vector<16xf32>
      %add3A_120 = arith.addf %add3A_118, %mul3A_119 : vector<16xf32>
      %mul3A_121 = arith.mulf %get3A_88, %get3A_88 : vector<16xf32>
      %add3A_122 = arith.addf %add3A_120, %mul3A_121 : vector<16xf32>
      %mul3A_123 = arith.mulf %get3A_92, %get3A_92 : vector<16xf32>
      %add3A_124 = arith.addf %add3A_122, %mul3A_123 : vector<16xf32>
      %swap3A_125 = arith.constant 1 : i32
      %swap3A_126 = arith.index_cast %swap3A_125 : i32 to index
      %swap3A_127 = arith.constant 0 : index
      %swap3A_128 = tpu.vector_load %arg18[%swap3A_126, %swap3A_127] {strides = array<i32>} : memref<8x16xf32, #tpu.memory_space<vmem>>, vector<16xf32>,
      tpu.vector_store %arg18[%swap3A_126, %swap3A_127], %add3A_124 {strides = array<i32>} : memref<8x16xf32, #tpu.memory_space<vmem>>, vector<16xf32>,
      %mul3A_129 = arith.mulf %get3A_32, %get3A_64 : vector<16xf32>
      %mul3A_130 = arith.mulf %get3A_36, %get3A_68 : vector<16xf32>
      %add3A_131 = arith.addf %mul3A_129, %mul3A_130 : vector<16xf32>
      %mul3A_132 = arith.mulf %get3A_40, %get3A_72 : vector<16xf32>
      %add3A_133 = arith.addf %add3A_131, %mul3A_132 : vector<16xf32>
      %mul3A_134 = arith.mulf %get3A_44, %get3A_76 : vector<16xf32>
      %add3A_135 = arith.addf %add3A_133, %mul3A_134 : vector<16xf32>
      %mul3A_136 = arith.mulf %get3A_48, %get3A_80 : vector<16xf32>
      %add3A_137 = arith.addf %add3A_135, %mul3A_136 : vector<16xf32>
      %mul3A_138 = arith.mulf %get3A_52, %get3A_84 : vector<16xf32>
      %add3A_139 = arith.addf %add3A_137, %mul3A_138 : vector<16xf32>
      %mul3A_140 = arith.mulf %get3A_56, %get3A_88 : vector<16xf32>
      %add3A_141 = arith.addf %add3A_139, %mul3A_140 : vector<16xf32>
      %mul3A_142 = arith.mulf %get3A_60, %get3A_92 : vector<16xf32>
      %add3A_143 = arith.addf %add3A_141, %mul3A_142 : vector<16xf32>
      %swap3A_144 = arith.constant 2 : i32
      %swap3A_145 = arith.index_cast %swap3A_144 : i32 to index
      %swap3A_146 = arith.constant 0 : index
      %swap3A_147 = tpu.vector_load %arg18[%swap3A_145, %swap3A_146] {strides = array<i32>} : memref<8x16xf32, #tpu.memory_space<vmem>>, vector<16xf32>,
      tpu.vector_store %arg18[%swap3A_145, %swap3A_146], %add3A_143 {strides = array<i32>} : memref<8x16xf32, #tpu.memory_space<vmem>>, vector<16xf32>,
      %gather3A = tpu.vector_load_idx %arg18[%and3A_16, %shift_right_logical3A_18] : memref<8x16xf32, #tpu.memory_space<vmem>>[vector<16xi32>, vector<16xi32>], vector<16xf32>,
      %add3A_148 = arith.constant 2 : i32
      %add3A_149 = vector.broadcast %add3A_148 : i32 to vector<16xi32>
      %add3A_150 = arith.addi %shift_right_logical3A_18, %add3A_149 : vector<16xi32>
      %gather3A_151 = tpu.vector_load_idx %arg18[%and3A_16, %add3A_150] : memref<8x16xf32, #tpu.memory_space<vmem>>[vector<16xi32>, vector<16xi32>], vector<16xf32>,
      %add3A_152 = arith.addf %gather3A, %gather3A_151 : vector<16xf32>
      %add3A_153 = arith.constant 4 : i32
      %add3A_154 = vector.broadcast %add3A_153 : i32 to vector<16xi32>
      %add3A_155 = arith.addi %shift_right_logical3A_18, %add3A_154 : vector<16xi32>
      %gather3A_156 = tpu.vector_load_idx %arg18[%and3A_16, %add3A_155] : memref<8x16xf32, #tpu.memory_space<vmem>>[vector<16xi32>, vector<16xi32>], vector<16xf32>,
      %add3A_157 = arith.addf %add3A_152, %gather3A_156 : vector<16xf32>
      %add3A_158 = arith.constant 6 : i32
      %add3A_159 = vector.broadcast %add3A_158 : i32 to vector<16xi32>
      %add3A_160 = arith.addi %shift_right_logical3A_18, %add3A_159 : vector<16xi32>
      %gather3A_161 = tpu.vector_load_idx %arg18[%and3A_16, %add3A_160] : memref<8x16xf32, #tpu.memory_space<vmem>>[vector<16xi32>, vector<16xi32>], vector<16xf32>,
      %add3A_162 = arith.addf %add3A_157, %gather3A_161 : vector<16xf32>
      %add3A_163 = arith.constant 8 : i32
      %add3A_164 = vector.broadcast %add3A_163 : i32 to vector<16xi32>
      %add3A_165 = arith.addi %shift_right_logical3A_18, %add3A_164 : vector<16xi32>
      %gather3A_166 = tpu.vector_load_idx %arg18[%and3A_16, %add3A_165] : memref<8x16xf32, #tpu.memory_space<vmem>>[vector<16xi32>, vector<16xi32>], vector<16xf32>,
      %add3A_167 = arith.addf %add3A_162, %gather3A_166 : vector<16xf32>
      %add3A_168 = arith.constant 10 : i32
      %add3A_169 = vector.broadcast %add3A_168 : i32 to vector<16xi32>
      %add3A_170 = arith.addi %shift_right_logical3A_18, %add3A_169 : vector<16xi32>
      %gather3A_171 = tpu.vector_load_idx %arg18[%and3A_16, %add3A_170] : memref<8x16xf32, #tpu.memory_space<vmem>>[vector<16xi32>, vector<16xi32>], vector<16xf32>,
      %add3A_172 = arith.addf %add3A_167, %gather3A_171 : vector<16xf32>
      %add3A_173 = arith.constant 12 : i32
      %add3A_174 = vector.broadcast %add3A_173 : i32 to vector<16xi32>
      %add3A_175 = arith.addi %shift_right_logical3A_18, %add3A_174 : vector<16xi32>
      %gather3A_176 = tpu.vector_load_idx %arg18[%and3A_16, %add3A_175] : memref<8x16xf32, #tpu.memory_space<vmem>>[vector<16xi32>, vector<16xi32>], vector<16xf32>,
      %add3A_177 = arith.addf %add3A_172, %gather3A_176 : vector<16xf32>
      %add3A_178 = arith.constant 14 : i32
      %add3A_179 = vector.broadcast %add3A_178 : i32 to vector<16xi32>
      %add3A_180 = arith.addi %shift_right_logical3A_18, %add3A_179 : vector<16xi32>
      %gather3A_181 = tpu.vector_load_idx %arg18[%and3A_16, %add3A_180] : memref<8x16xf32, #tpu.memory_space<vmem>>[vector<16xi32>, vector<16xi32>], vector<16xf32>,
      %add3A_182 = arith.addf %add3A_177, %gather3A_181 : vector<16xf32>
      %swap3A_183 = arith.constant 2 : i32
      %swap3A_184 = arith.index_cast %swap3A_183 : i32 to index
      %swap3A_185 = arith.constant 0 : index
      %swap3A_186 = tpu.vector_load %arg19[%swap3A_184, %swap3A_185] {strides = array<i32>} : memref<4x16xf32, #tpu.memory_space<vmem>>, vector<16xf32>,
      tpu.vector_store %arg19[%swap3A_184, %swap3A_185], %add3A_182 {strides = array<i32>} : memref<4x16xf32, #tpu.memory_space<vmem>>, vector<16xf32>,
      %broadcast_in_dim3A = arith.constant 2 : i32
      %broadcast_in_dim3A_187 = vector.broadcast %broadcast_in_dim3A : i32 to vector<16xi32>
      %xor3A = arith.constant 8 : i32
      %xor3A_188 = vector.broadcast %xor3A : i32 to vector<16xi32>
      %xor3A_189 = arith.xori %iota3A, %xor3A_188 : vector<16xi32>
      %gather3A_190 = tpu.vector_load_idx %arg19[%broadcast_in_dim3A_187, %xor3A_189] : memref<4x16xf32, #tpu.memory_space<vmem>>[vector<16xi32>, vector<16xi32>], vector<16xf32>,
      %add3A_191 = arith.addf %add3A_182, %gather3A_190 : vector<16xf32>
      %swap3A_192 = arith.constant 3 : i32
      %swap3A_193 = arith.index_cast %swap3A_192 : i32 to index
      %swap3A_194 = arith.constant 0 : index
      %swap3A_195 = tpu.vector_load %arg19[%swap3A_193, %swap3A_194] {strides = array<i32>} : memref<4x16xf32, #tpu.memory_space<vmem>>, vector<16xf32>,
      tpu.vector_store %arg19[%swap3A_193, %swap3A_194], %add3A_191 {strides = array<i32>} : memref<4x16xf32, #tpu.memory_space<vmem>>, vector<16xf32>,
      %broadcast_in_dim3A_196 = arith.constant 3 : i32
      %broadcast_in_dim3A_197 = vector.broadcast %broadcast_in_dim3A_196 : i32 to vector<16xi32>
      %broadcast_in_dim3A_198 = arith.constant 0 : i32
      %broadcast_in_dim3A_199 = vector.broadcast %broadcast_in_dim3A_198 : i32 to vector<16xi32>
      %gather3A_200 = tpu.vector_load_idx %arg19[%broadcast_in_dim3A_197, %broadcast_in_dim3A_199] : memref<4x16xf32, #tpu.memory_space<vmem>>[vector<16xi32>, vector<16xi32>], vector<16xf32>,
      %broadcast_in_dim3A_201 = arith.constant 1 : i32
      %broadcast_in_dim3A_202 = vector.broadcast %broadcast_in_dim3A_201 : i32 to vector<16xi32>
      %gather3A_203 = tpu.vector_load_idx %arg19[%broadcast_in_dim3A_197, %broadcast_in_dim3A_202] : memref<4x16xf32, #tpu.memory_space<vmem>>[vector<16xi32>, vector<16xi32>], vector<16xf32>,
      %broadcast_in_dim3A_204 = arith.constant 2 : i32
      %broadcast_in_dim3A_205 = vector.broadcast %broadcast_in_dim3A_204 : i32 to vector<16xi32>
      %gather3A_206 = tpu.vector_load_idx %arg19[%broadcast_in_dim3A_197, %broadcast_in_dim3A_205] : memref<4x16xf32, #tpu.memory_space<vmem>>[vector<16xi32>, vector<16xi32>], vector<16xf32>,
      %sub3A = arith.constant 1.000000e+00 : f32
      %sub3A_207 = vector.broadcast %sub3A : f32 to vector<16xf32>
      %sub3A_208 = arith.subf %sub3A_207, %gather3A_200 : vector<16xf32>
      %max3A = arith.constant 9.99999974E-6 : f32
      %max3A_209 = vector.broadcast %max3A : f32 to vector<16xf32>
      %max3A_210 = arith.maximumf %sub3A_208, %max3A_209 : vector<16xf32>
      %sub3A_211 = arith.constant 1.000000e+00 : f32
      %sub3A_212 = vector.broadcast %sub3A_211 : f32 to vector<16xf32>
      %sub3A_213 = arith.subf %sub3A_212, %gather3A_203 : vector<16xf32>
      %max3A_214 = arith.constant 9.99999974E-6 : f32
      %max3A_215 = vector.broadcast %max3A_214 : f32 to vector<16xf32>
      %max3A_216 = arith.maximumf %sub3A_213, %max3A_215 : vector<16xf32>
      %add3A_217 = arith.addf %gather3A_200, %gather3A_203 : vector<16xf32>
      %mul3A_218 = arith.constant 2.000000e+00 : f32
      %mul3A_219 = vector.broadcast %mul3A_218 : f32 to vector<16xf32>
      %mul3A_220 = arith.mulf %mul3A_219, %gather3A_206 : vector<16xf32>
      %sub3A_221 = arith.subf %add3A_217, %mul3A_220 : vector<16xf32>
      %max3A_222 = arith.constant 0.000000e+00 : f32
      %max3A_223 = vector.broadcast %max3A_222 : f32 to vector<16xf32>
      %max3A_224 = arith.maximumf %sub3A_221, %max3A_223 : vector<16xf32>
      %mul3A_225 = arith.constant 2.000000e+00 : f32
      %mul3A_226 = vector.broadcast %mul3A_225 : f32 to vector<16xf32>
      %mul3A_227 = arith.mulf %mul3A_226, %max3A_224 : vector<16xf32>
      %mul3A_228 = arith.mulf %max3A_210, %max3A_216 : vector<16xf32>
      %div3A = arith.divf %mul3A_227, %mul3A_228 : vector<16xf32>
      %add3A_229 = arith.constant 1.000000e+00 : f32
      %add3A_230 = vector.broadcast %add3A_229 : f32 to vector<16xf32>
      %add3A_231 = arith.addf %add3A_230, %div3A : vector<16xf32>
      %max3A_232 = arith.constant 1.000010e+00 : f32
      %max3A_233 = vector.broadcast %max3A_232 : f32 to vector<16xf32>
      %max3A_234 = arith.maximumf %add3A_231, %max3A_233 : vector<16xf32>
      %sub3A_235 = arith.constant 1.000000e+00 : f32
      %sub3A_236 = vector.broadcast %sub3A_235 : f32 to vector<16xf32>
      %sub3A_237 = arith.subf %max3A_234, %sub3A_236 : vector<16xf32>
      %add3A_238 = arith.constant 1.000000e+00 : f32
      %add3A_239 = vector.broadcast %add3A_238 : f32 to vector<16xf32>
      %add3A_240 = arith.addf %max3A_234, %add3A_239 : vector<16xf32>
      %mul3A_241 = arith.mulf %sub3A_237, %add3A_240 : vector<16xf32>
      %bitcast_convert_type3A = tpu.bitcast %mul3A_241 : vector<16xf32> -> vector<16xi32>
      %shift_right_logical3A_242 = arith.constant 1 : i32
      %shift_right_logical3A_243 = vector.broadcast %shift_right_logical3A_242 : i32 to vector<16xi32>
      %shift_right_logical3A_244 = arith.shrui %bitcast_convert_type3A, %shift_right_logical3A_243 : vector<16xi32>
      %sub3A_245 = arith.constant 1597463007 : i32
      %sub3A_246 = vector.broadcast %sub3A_245 : i32 to vector<16xi32>
      %sub3A_247 = arith.subi %sub3A_246, %shift_right_logical3A_244 : vector<16xi32>
      %bitcast_convert_type3A_248 = tpu.bitcast %sub3A_247 : vector<16xi32> -> vector<16xf32>
      %mul3A_249 = arith.constant 5.000000e-01 : f32
      %mul3A_250 = vector.broadcast %mul3A_249 : f32 to vector<16xf32>
      %mul3A_251 = arith.mulf %mul3A_250, %mul3A_241 : vector<16xf32>
      %mul3A_252 = arith.mulf %mul3A_251, %bitcast_convert_type3A_248 : vector<16xf32>
      %mul3A_253 = arith.mulf %mul3A_252, %bitcast_convert_type3A_248 : vector<16xf32>
      %sub3A_254 = arith.constant 1.500000e+00 : f32
      %sub3A_255 = vector.broadcast %sub3A_254 : f32 to vector<16xf32>
      %sub3A_256 = arith.subf %sub3A_255, %mul3A_253 : vector<16xf32>
      %mul3A_257 = arith.mulf %bitcast_convert_type3A_248, %sub3A_256 : vector<16xf32>
      %mul3A_258 = arith.mulf %mul3A_251, %mul3A_257 : vector<16xf32>
      %mul3A_259 = arith.mulf %mul3A_258, %mul3A_257 : vector<16xf32>
      %sub3A_260 = arith.constant 1.500000e+00 : f32
      %sub3A_261 = vector.broadcast %sub3A_260 : f32 to vector<16xf32>
      %sub3A_262 = arith.subf %sub3A_261, %mul3A_259 : vector<16xf32>
      %mul3A_263 = arith.mulf %mul3A_257, %sub3A_262 : vector<16xf32>
      %mul3A_264 = arith.mulf %mul3A_241, %mul3A_263 : vector<16xf32>
      %add3A_265 = arith.addf %sub3A_237, %mul3A_264 : vector<16xf32>
      %add3A_266 = arith.constant 2.000000e+00 : f32
      %add3A_267 = vector.broadcast %add3A_266 : f32 to vector<16xf32>
      %add3A_268 = arith.addf %add3A_267, %add3A_265 : vector<16xf32>
      %div3A_269 = arith.divf %add3A_265, %add3A_268 : vector<16xf32>
      %mul3A_270 = arith.mulf %div3A_269, %div3A_269 : vector<16xf32>
      %mul3A_271 = arith.constant 0.142857149 : f32
      %mul3A_272 = vector.broadcast %mul3A_271 : f32 to vector<16xf32>
      %mul3A_273 = arith.mulf %mul3A_270, %mul3A_272 : vector<16xf32>
      %add3A_274 = arith.constant 2.000000e-01 : f32
      %add3A_275 = vector.broadcast %add3A_274 : f32 to vector<16xf32>
      %add3A_276 = arith.addf %add3A_275, %mul3A_273 : vector<16xf32>
      %mul3A_277 = arith.mulf %mul3A_270, %add3A_276 : vector<16xf32>
      %add3A_278 = arith.constant 0.333333343 : f32
      %add3A_279 = vector.broadcast %add3A_278 : f32 to vector<16xf32>
      %add3A_280 = arith.addf %add3A_279, %mul3A_277 : vector<16xf32>
      %mul3A_281 = arith.constant 2.000000e+00 : f32
      %mul3A_282 = vector.broadcast %mul3A_281 : f32 to vector<16xf32>
      %mul3A_283 = arith.mulf %mul3A_282, %div3A_269 : vector<16xf32>
      %mul3A_284 = arith.mulf %mul3A_270, %add3A_280 : vector<16xf32>
      %add3A_285 = arith.constant 1.000000e+00 : f32
      %add3A_286 = vector.broadcast %add3A_285 : f32 to vector<16xf32>
      %add3A_287 = arith.addf %add3A_286, %mul3A_284 : vector<16xf32>
      %mul3A_288 = arith.mulf %mul3A_283, %add3A_287 : vector<16xf32>
      %dma_wait3A_289 = arith.constant 0 : i32
      %dma_wait3A_290 = arith.constant 0 : i32
      %dma_wait3A_291 = tpu.memref_slice %arg5[%dma_wait3A_289, %dma_wait3A_290] : memref<100000x128xf32, #tpu.memory_space<hbm>> -> memref<100000x128xf32, #tpu.memory_space<hbm>>
      tpu.wait_indirect_dma semaphore(%arg24 : memref<!tpu.dma_semaphore, #tpu.memory_space<semaphore_mem>>) src(%dma_wait3A_291 : memref<100000x128xf32, #tpu.memory_space<hbm>>) dst(%arg13 : memref<16x128xf32, #tpu.memory_space<vmem>>)
      %lt3A_292 = arith.constant 12 : i32
      %lt3A_293 = arith.cmpi slt, %arg1, %lt3A_292 : i32
      %convert_element_type3A_294 = arith.extui %lt3A_293 : i1 to i32
      %cond3A_295 = arith.constant 0 : i32
      %cond3A_296 = arith.cmpi ne, %convert_element_type3A_294, %cond3A_295 : i32
      scf.if %cond3A_296 {
        %dma_start3A_1656 = arith.constant 0 : i32
        %dma_start3A_1657 = tpu.memref_slice %arg9[%select_n3A, %dma_start3A_1656] : memref<200x128xf32, #tpu.memory_space<hbm>> -> memref<16x128xf32, #tpu.memory_space<hbm>>
        %dma_start3A_1658 = arith.constant 0 : i32
        %dma_start3A_1659 = tpu.memref_slice %arg9[%select_n3A, %dma_start3A_1658] : memref<200x128xf32, #tpu.memory_space<hbm>> -> memref<16x128xf32, #tpu.memory_space<hbm>>
        tpu.enqueue_dma source(%arg13 : memref<16x128xf32, #tpu.memory_space<vmem>>) target(%dma_start3A_1659 : memref<16x128xf32, #tpu.memory_space<hbm>>) target_semaphore(%arg27 : memref<!tpu.dma_semaphore, #tpu.memory_space<semaphore_mem>>)
      } else {
      }
      %eq3A_297 = arith.constant 12 : i32
      %eq3A_298 = arith.cmpi eq, %arg1, %eq3A_297 : i32
      %convert_element_type3A_299 = arith.extui %eq3A_298 : i1 to i32
      %cond3A_300 = arith.constant 0 : i32
      %cond3A_301 = arith.cmpi ne, %convert_element_type3A_299, %cond3A_300 : i32
      scf.if %cond3A_301 {
        %dma_start3A_1656 = arith.constant 8 : i32
        %dma_start3A_1657 = arith.constant 0 : i32
        %dma_start3A_1658 = tpu.memref_slice %arg13[%dma_start3A_1656, %dma_start3A_1657] : memref<16x128xf32, #tpu.memory_space<vmem>> -> memref<8x128xf32, #tpu.memory_space<vmem>>
        %dma_start3A_1659 = arith.constant 192 : i32
        %dma_start3A_1660 = arith.constant 0 : i32
        %dma_start3A_1661 = tpu.memref_slice %arg9[%dma_start3A_1659, %dma_start3A_1660] : memref<200x128xf32, #tpu.memory_space<hbm>> -> memref<8x128xf32, #tpu.memory_space<hbm>>
        %dma_start3A_1662 = arith.constant 192 : i32
        %dma_start3A_1663 = arith.constant 0 : i32
        %dma_start3A_1664 = tpu.memref_slice %arg9[%dma_start3A_1662, %dma_start3A_1663] : memref<200x128xf32, #tpu.memory_space<hbm>> -> memref<8x128xf32, #tpu.memory_space<hbm>>
        %dma_start3A_1665 = arith.constant 8 : i32
        %dma_start3A_1666 = arith.constant 0 : i32
        %dma_start3A_1667 = tpu.memref_slice %arg13[%dma_start3A_1665, %dma_start3A_1666] : memref<16x128xf32, #tpu.memory_space<vmem>> -> memref<8x128xf32, #tpu.memory_space<vmem>>
        tpu.enqueue_dma source(%dma_start3A_1667 : memref<8x128xf32, #tpu.memory_space<vmem>>) target(%dma_start3A_1664 : memref<8x128xf32, #tpu.memory_space<hbm>>) target_semaphore(%arg27 : memref<!tpu.dma_semaphore, #tpu.memory_space<semaphore_mem>>)
      } else {
      }
      %get3A_302 = arith.constant 0 : i32
      %get3A_303 = arith.index_cast %get3A_302 : i32 to index
      %get3A_304 = arith.constant 0 : index
      %get3A_305 = tpu.vector_load %arg13[%get3A_303, %get3A_304] {strides = array<i32>} : memref<16x128xf32, #tpu.memory_space<vmem>>, vector<16xf32>,
      %get3A_306 = arith.constant 0 : i32
      %get3A_307 = arith.index_cast %get3A_306 : i32 to index
      %get3A_308 = arith.constant 16 : index
      %get3A_309 = tpu.vector_load %arg13[%get3A_307, %get3A_308] {strides = array<i32>} : memref<16x128xf32, #tpu.memory_space<vmem>>, vector<16xf32>,
      %get3A_310 = arith.constant 0 : i32
      %get3A_311 = arith.index_cast %get3A_310 : i32 to index
      %get3A_312 = arith.constant 32 : index
      %get3A_313 = tpu.vector_load %arg13[%get3A_311, %get3A_312] {strides = array<i32>} : memref<16x128xf32, #tpu.memory_space<vmem>>, vector<16xf32>,
      %get3A_314 = arith.constant 0 : i32
      %get3A_315 = arith.index_cast %get3A_314 : i32 to index
      %get3A_316 = arith.constant 48 : index
      %get3A_317 = tpu.vector_load %arg13[%get3A_315, %get3A_316] {strides = array<i32>} : memref<16x128xf32, #tpu.memory_space<vmem>>, vector<16xf32>,
      %get3A_318 = arith.constant 0 : i32
      %get3A_319 = arith.index_cast %get3A_318 : i32 to index
      %get3A_320 = arith.constant 64 : index
      %get3A_321 = tpu.vector_load %arg13[%get3A_319, %get3A_320] {strides = array<i32>} : memref<16x128xf32, #tpu.memory_space<vmem>>, vector<16xf32>,
      %get3A_322 = arith.constant 0 : i32
      %get3A_323 = arith.index_cast %get3A_322 : i32 to index
      %get3A_324 = arith.constant 80 : index
      %get3A_325 = tpu.vector_load %arg13[%get3A_323, %get3A_324] {strides = array<i32>} : memref<16x128xf32, #tpu.memory_space<vmem>>, vector<16xf32>,
      %get3A_326 = arith.constant 0 : i32
      %get3A_327 = arith.index_cast %get3A_326 : i32 to index
      %get3A_328 = arith.constant 96 : index
      %get3A_329 = tpu.vector_load %arg13[%get3A_327, %get3A_328] {strides = array<i32>} : memref<16x128xf32, #tpu.memory_space<vmem>>, vector<16xf32>,
      %get3A_330 = arith.constant 0 : i32
      %get3A_331 = arith.index_cast %get3A_330 : i32 to index
      %get3A_332 = arith.constant 112 : index
      %get3A_333 = tpu.vector_load %arg13[%get3A_331, %get3A_332] {strides = array<i32>} : memref<16x128xf32, #tpu.memory_space<vmem>>, vector<16xf32>,
      %mul3A_334 = arith.mulf %get3A_305, %get3A_305 : vector<16xf32>
      %mul3A_335 = arith.mulf %get3A_309, %get3A_309 : vector<16xf32>
      %add3A_336 = arith.addf %mul3A_334, %mul3A_335 : vector<16xf32>
      %mul3A_337 = arith.mulf %get3A_313, %get3A_313 : vector<16xf32>
      %add3A_338 = arith.addf %add3A_336, %mul3A_337 : vector<16xf32>
      %mul3A_339 = arith.mulf %get3A_317, %get3A_317 : vector<16xf32>
      %add3A_340 = arith.addf %add3A_338, %mul3A_339 : vector<16xf32>
      %mul3A_341 = arith.mulf %get3A_321, %get3A_321 : vector<16xf32>
      %add3A_342 = arith.addf %add3A_340, %mul3A_341 : vector<16xf32>
      %mul3A_343 = arith.mulf %get3A_325, %get3A_325 : vector<16xf32>
      %add3A_344 = arith.addf %add3A_342, %mul3A_343 : vector<16xf32>
      %mul3A_345 = arith.mulf %get3A_329, %get3A_329 : vector<16xf32>
      %add3A_346 = arith.addf %add3A_344, %mul3A_345 : vector<16xf32>
      %mul3A_347 = arith.mulf %get3A_333, %get3A_333 : vector<16xf32>
      %add3A_348 = arith.addf %add3A_346, %mul3A_347 : vector<16xf32>
      %swap3A_349 = arith.constant 0 : i32
      %swap3A_350 = arith.index_cast %swap3A_349 : i32 to index
      %swap3A_351 = arith.constant 0 : index
      %swap3A_352 = tpu.vector_load %arg16[%swap3A_350, %swap3A_351] {strides = array<i32>} : memref<16x16xf32, #tpu.memory_space<vmem>>, vector<16xf32>,
      tpu.vector_store %arg16[%swap3A_350, %swap3A_351], %add3A_348 {strides = array<i32>} : memref<16x16xf32, #tpu.memory_space<vmem>>, vector<16xf32>,
      %mul3A_353 = arith.mulf %get3A_32, %get3A_305 : vector<16xf32>
      %mul3A_354 = arith.mulf %get3A_36, %get3A_309 : vector<16xf32>
      %add3A_355 = arith.addf %mul3A_353, %mul3A_354 : vector<16xf32>
      %mul3A_356 = arith.mulf %get3A_40, %get3A_313 : vector<16xf32>
      %add3A_357 = arith.addf %add3A_355, %mul3A_356 : vector<16xf32>
      %mul3A_358 = arith.mulf %get3A_44, %get3A_317 : vector<16xf32>
      %add3A_359 = arith.addf %add3A_357, %mul3A_358 : vector<16xf32>
      %mul3A_360 = arith.mulf %get3A_48, %get3A_321 : vector<16xf32>
      %add3A_361 = arith.addf %add3A_359, %mul3A_360 : vector<16xf32>
      %mul3A_362 = arith.mulf %get3A_52, %get3A_325 : vector<16xf32>
      %add3A_363 = arith.addf %add3A_361, %mul3A_362 : vector<16xf32>
      %mul3A_364 = arith.mulf %get3A_56, %get3A_329 : vector<16xf32>
      %add3A_365 = arith.addf %add3A_363, %mul3A_364 : vector<16xf32>
      %mul3A_366 = arith.mulf %get3A_60, %get3A_333 : vector<16xf32>
      %add3A_367 = arith.addf %add3A_365, %mul3A_366 : vector<16xf32>
      %swap3A_368 = arith.constant 0 : i32
      %swap3A_369 = arith.index_cast %swap3A_368 : i32 to index
      %swap3A_370 = arith.constant 0 : index
      %swap3A_371 = tpu.vector_load %arg17[%swap3A_369, %swap3A_370] {strides = array<i32>} : memref<16x16xf32, #tpu.memory_space<vmem>>, vector<16xf32>,
      tpu.vector_store %arg17[%swap3A_369, %swap3A_370], %add3A_367 {strides = array<i32>} : memref<16x16xf32, #tpu.memory_space<vmem>>, vector<16xf32>,
      %get3A_372 = arith.constant 1 : i32
      %get3A_373 = arith.index_cast %get3A_372 : i32 to index
      %get3A_374 = arith.constant 0 : index
      %get3A_375 = tpu.vector_load %arg13[%get3A_373, %get3A_374] {strides = array<i32>} : memref<16x128xf32, #tpu.memory_space<vmem>>, vector<16xf32>,
      %get3A_376 = arith.constant 1 : i32
      %get3A_377 = arith.index_cast %get3A_376 : i32 to index
      %get3A_378 = arith.constant 16 : index
      %get3A_379 = tpu.vector_load %arg13[%get3A_377, %get3A_378] {strides = array<i32>} : memref<16x128xf32, #tpu.memory_space<vmem>>, vector<16xf32>,
      %get3A_380 = arith.constant 1 : i32
      %get3A_381 = arith.index_cast %get3A_380 : i32 to index
      %get3A_382 = arith.constant 32 : index
      %get3A_383 = tpu.vector_load %arg13[%get3A_381, %get3A_382] {strides = array<i32>} : memref<16x128xf32, #tpu.memory_space<vmem>>, vector<16xf32>,
      %get3A_384 = arith.constant 1 : i32
      %get3A_385 = arith.index_cast %get3A_384 : i32 to index
      %get3A_386 = arith.constant 48 : index
      %get3A_387 = tpu.vector_load %arg13[%get3A_385, %get3A_386] {strides = array<i32>} : memref<16x128xf32, #tpu.memory_space<vmem>>, vector<16xf32>,
      %get3A_388 = arith.constant 1 : i32
      %get3A_389 = arith.index_cast %get3A_388 : i32 to index
      %get3A_390 = arith.constant 64 : index
      %get3A_391 = tpu.vector_load %arg13[%get3A_389, %get3A_390] {strides = array<i32>} : memref<16x128xf32, #tpu.memory_space<vmem>>, vector<16xf32>,
      %get3A_392 = arith.constant 1 : i32
      %get3A_393 = arith.index_cast %get3A_392 : i32 to index
      %get3A_394 = arith.constant 80 : index
      %get3A_395 = tpu.vector_load %arg13[%get3A_393, %get3A_394] {strides = array<i32>} : memref<16x128xf32, #tpu.memory_space<vmem>>, vector<16xf32>,
      %get3A_396 = arith.constant 1 : i32
      %get3A_397 = arith.index_cast %get3A_396 : i32 to index
      %get3A_398 = arith.constant 96 : index
      %get3A_399 = tpu.vector_load %arg13[%get3A_397, %get3A_398] {strides = array<i32>} : memref<16x128xf32, #tpu.memory_space<vmem>>, vector<16xf32>,
      %get3A_400 = arith.constant 1 : i32
      %get3A_401 = arith.index_cast %get3A_400 : i32 to index
      %get3A_402 = arith.constant 112 : index
      %get3A_403 = tpu.vector_load %arg13[%get3A_401, %get3A_402] {strides = array<i32>} : memref<16x128xf32, #tpu.memory_space<vmem>>, vector<16xf32>,
      %mul3A_404 = arith.mulf %get3A_375, %get3A_375 : vector<16xf32>
      %mul3A_405 = arith.mulf %get3A_379, %get3A_379 : vector<16xf32>
      %add3A_406 = arith.addf %mul3A_404, %mul3A_405 : vector<16xf32>
      %mul3A_407 = arith.mulf %get3A_383, %get3A_383 : vector<16xf32>
      %add3A_408 = arith.addf %add3A_406, %mul3A_407 : vector<16xf32>
      %mul3A_409 = arith.mulf %get3A_387, %get3A_387 : vector<16xf32>
      %add3A_410 = arith.addf %add3A_408, %mul3A_409 : vector<16xf32>
      %mul3A_411 = arith.mulf %get3A_391, %get3A_391 : vector<16xf32>
      %add3A_412 = arith.addf %add3A_410, %mul3A_411 : vector<16xf32>
      %mul3A_413 = arith.mulf %get3A_395, %get3A_395 : vector<16xf32>
      %add3A_414 = arith.addf %add3A_412, %mul3A_413 : vector<16xf32>
      %mul3A_415 = arith.mulf %get3A_399, %get3A_399 : vector<16xf32>
      %add3A_416 = arith.addf %add3A_414, %mul3A_415 : vector<16xf32>
      %mul3A_417 = arith.mulf %get3A_403, %get3A_403 : vector<16xf32>
      %add3A_418 = arith.addf %add3A_416, %mul3A_417 : vector<16xf32>
      %swap3A_419 = arith.constant 1 : i32
      %swap3A_420 = arith.index_cast %swap3A_419 : i32 to index
      %swap3A_421 = arith.constant 0 : index
      %swap3A_422 = tpu.vector_load %arg16[%swap3A_420, %swap3A_421] {strides = array<i32>} : memref<16x16xf32, #tpu.memory_space<vmem>>, vector<16xf32>,
      tpu.vector_store %arg16[%swap3A_420, %swap3A_421], %add3A_418 {strides = array<i32>} : memref<16x16xf32, #tpu.memory_space<vmem>>, vector<16xf32>,
      %mul3A_423 = arith.mulf %get3A_32, %get3A_375 : vector<16xf32>
      %mul3A_424 = arith.mulf %get3A_36, %get3A_379 : vector<16xf32>
      %add3A_425 = arith.addf %mul3A_423, %mul3A_424 : vector<16xf32>
      %mul3A_426 = arith.mulf %get3A_40, %get3A_383 : vector<16xf32>
      %add3A_427 = arith.addf %add3A_425, %mul3A_426 : vector<16xf32>
      %mul3A_428 = arith.mulf %get3A_44, %get3A_387 : vector<16xf32>
      %add3A_429 = arith.addf %add3A_427, %mul3A_428 : vector<16xf32>
      %mul3A_430 = arith.mulf %get3A_48, %get3A_391 : vector<16xf32>
      %add3A_431 = arith.addf %add3A_429, %mul3A_430 : vector<16xf32>
      %mul3A_432 = arith.mulf %get3A_52, %get3A_395 : vector<16xf32>
      %add3A_433 = arith.addf %add3A_431, %mul3A_432 : vector<16xf32>
      %mul3A_434 = arith.mulf %get3A_56, %get3A_399 : vector<16xf32>
      %add3A_435 = arith.addf %add3A_433, %mul3A_434 : vector<16xf32>
      %mul3A_436 = arith.mulf %get3A_60, %get3A_403 : vector<16xf32>
      %add3A_437 = arith.addf %add3A_435, %mul3A_436 : vector<16xf32>
      %swap3A_438 = arith.constant 1 : i32
      %swap3A_439 = arith.index_cast %swap3A_438 : i32 to index
      %swap3A_440 = arith.constant 0 : index
      %swap3A_441 = tpu.vector_load %arg17[%swap3A_439, %swap3A_440] {strides = array<i32>} : memref<16x16xf32, #tpu.memory_space<vmem>>, vector<16xf32>,
      tpu.vector_store %arg17[%swap3A_439, %swap3A_440], %add3A_437 {strides = array<i32>} : memref<16x16xf32, #tpu.memory_space<vmem>>, vector<16xf32>,
      %get3A_442 = arith.constant 2 : i32
      %get3A_443 = arith.index_cast %get3A_442 : i32 to index
      %get3A_444 = arith.constant 0 : index
      %get3A_445 = tpu.vector_load %arg13[%get3A_443, %get3A_444] {strides = array<i32>} : memref<16x128xf32, #tpu.memory_space<vmem>>, vector<16xf32>,
      %get3A_446 = arith.constant 2 : i32
      %get3A_447 = arith.index_cast %get3A_446 : i32 to index
      %get3A_448 = arith.constant 16 : index
      %get3A_449 = tpu.vector_load %arg13[%get3A_447, %get3A_448] {strides = array<i32>} : memref<16x128xf32, #tpu.memory_space<vmem>>, vector<16xf32>,
      %get3A_450 = arith.constant 2 : i32
      %get3A_451 = arith.index_cast %get3A_450 : i32 to index
      %get3A_452 = arith.constant 32 : index
      %get3A_453 = tpu.vector_load %arg13[%get3A_451, %get3A_452] {strides = array<i32>} : memref<16x128xf32, #tpu.memory_space<vmem>>, vector<16xf32>,
      %get3A_454 = arith.constant 2 : i32
      %get3A_455 = arith.index_cast %get3A_454 : i32 to index
      %get3A_456 = arith.constant 48 : index
      %get3A_457 = tpu.vector_load %arg13[%get3A_455, %get3A_456] {strides = array<i32>} : memref<16x128xf32, #tpu.memory_space<vmem>>, vector<16xf32>,
      %get3A_458 = arith.constant 2 : i32
      %get3A_459 = arith.index_cast %get3A_458 : i32 to index
      %get3A_460 = arith.constant 64 : index
      %get3A_461 = tpu.vector_load %arg13[%get3A_459, %get3A_460] {strides = array<i32>} : memref<16x128xf32, #tpu.memory_space<vmem>>, vector<16xf32>,
      %get3A_462 = arith.constant 2 : i32
      %get3A_463 = arith.index_cast %get3A_462 : i32 to index
      %get3A_464 = arith.constant 80 : index
      %get3A_465 = tpu.vector_load %arg13[%get3A_463, %get3A_464] {strides = array<i32>} : memref<16x128xf32, #tpu.memory_space<vmem>>, vector<16xf32>,
      %get3A_466 = arith.constant 2 : i32
      %get3A_467 = arith.index_cast %get3A_466 : i32 to index
      %get3A_468 = arith.constant 96 : index
      %get3A_469 = tpu.vector_load %arg13[%get3A_467, %get3A_468] {strides = array<i32>} : memref<16x128xf32, #tpu.memory_space<vmem>>, vector<16xf32>,
      %get3A_470 = arith.constant 2 : i32
      %get3A_471 = arith.index_cast %get3A_470 : i32 to index
      %get3A_472 = arith.constant 112 : index
      %get3A_473 = tpu.vector_load %arg13[%get3A_471, %get3A_472] {strides = array<i32>} : memref<16x128xf32, #tpu.memory_space<vmem>>, vector<16xf32>,
      %mul3A_474 = arith.mulf %get3A_445, %get3A_445 : vector<16xf32>
      %mul3A_475 = arith.mulf %get3A_449, %get3A_449 : vector<16xf32>
      %add3A_476 = arith.addf %mul3A_474, %mul3A_475 : vector<16xf32>
      %mul3A_477 = arith.mulf %get3A_453, %get3A_453 : vector<16xf32>
      %add3A_478 = arith.addf %add3A_476, %mul3A_477 : vector<16xf32>
      %mul3A_479 = arith.mulf %get3A_457, %get3A_457 : vector<16xf32>
      %add3A_480 = arith.addf %add3A_478, %mul3A_479 : vector<16xf32>
      %mul3A_481 = arith.mulf %get3A_461, %get3A_461 : vector<16xf32>
      %add3A_482 = arith.addf %add3A_480, %mul3A_481 : vector<16xf32>
      %mul3A_483 = arith.mulf %get3A_465, %get3A_465 : vector<16xf32>
      %add3A_484 = arith.addf %add3A_482, %mul3A_483 : vector<16xf32>
      %mul3A_485 = arith.mulf %get3A_469, %get3A_469 : vector<16xf32>
      %add3A_486 = arith.addf %add3A_484, %mul3A_485 : vector<16xf32>
      %mul3A_487 = arith.mulf %get3A_473, %get3A_473 : vector<16xf32>
      %add3A_488 = arith.addf %add3A_486, %mul3A_487 : vector<16xf32>
      %swap3A_489 = arith.constant 2 : i32
      %swap3A_490 = arith.index_cast %swap3A_489 : i32 to index
      %swap3A_491 = arith.constant 0 : index
      %swap3A_492 = tpu.vector_load %arg16[%swap3A_490, %swap3A_491] {strides = array<i32>} : memref<16x16xf32, #tpu.memory_space<vmem>>, vector<16xf32>,
      tpu.vector_store %arg16[%swap3A_490, %swap3A_491], %add3A_488 {strides = array<i32>} : memref<16x16xf32, #tpu.memory_space<vmem>>, vector<16xf32>,
      %mul3A_493 = arith.mulf %get3A_32, %get3A_445 : vector<16xf32>
      %mul3A_494 = arith.mulf %get3A_36, %get3A_449 : vector<16xf32>
      %add3A_495 = arith.addf %mul3A_493, %mul3A_494 : vector<16xf32>
      %mul3A_496 = arith.mulf %get3A_40, %get3A_453 : vector<16xf32>
      %add3A_497 = arith.addf %add3A_495, %mul3A_496 : vector<16xf32>
      %mul3A_498 = arith.mulf %get3A_44, %get3A_457 : vector<16xf32>
      %add3A_499 = arith.addf %add3A_497, %mul3A_498 : vector<16xf32>
      %mul3A_500 = arith.mulf %get3A_48, %get3A_461 : vector<16xf32>
      %add3A_501 = arith.addf %add3A_499, %mul3A_500 : vector<16xf32>
      %mul3A_502 = arith.mulf %get3A_52, %get3A_465 : vector<16xf32>
      %add3A_503 = arith.addf %add3A_501, %mul3A_502 : vector<16xf32>
      %mul3A_504 = arith.mulf %get3A_56, %get3A_469 : vector<16xf32>
      %add3A_505 = arith.addf %add3A_503, %mul3A_504 : vector<16xf32>
      %mul3A_506 = arith.mulf %get3A_60, %get3A_473 : vector<16xf32>
      %add3A_507 = arith.addf %add3A_505, %mul3A_506 : vector<16xf32>
      %swap3A_508 = arith.constant 2 : i32
      %swap3A_509 = arith.index_cast %swap3A_508 : i32 to index
      %swap3A_510 = arith.constant 0 : index
      %swap3A_511 = tpu.vector_load %arg17[%swap3A_509, %swap3A_510] {strides = array<i32>} : memref<16x16xf32, #tpu.memory_space<vmem>>, vector<16xf32>,
      tpu.vector_store %arg17[%swap3A_509, %swap3A_510], %add3A_507 {strides = array<i32>} : memref<16x16xf32, #tpu.memory_space<vmem>>, vector<16xf32>,
      %get3A_512 = arith.constant 3 : i32
      %get3A_513 = arith.index_cast %get3A_512 : i32 to index
      %get3A_514 = arith.constant 0 : index
      %get3A_515 = tpu.vector_load %arg13[%get3A_513, %get3A_514] {strides = array<i32>} : memref<16x128xf32, #tpu.memory_space<vmem>>, vector<16xf32>,
      %get3A_516 = arith.constant 3 : i32
      %get3A_517 = arith.index_cast %get3A_516 : i32 to index
      %get3A_518 = arith.constant 16 : index
      %get3A_519 = tpu.vector_load %arg13[%get3A_517, %get3A_518] {strides = array<i32>} : memref<16x128xf32, #tpu.memory_space<vmem>>, vector<16xf32>,
      %get3A_520 = arith.constant 3 : i32
      %get3A_521 = arith.index_cast %get3A_520 : i32 to index
      %get3A_522 = arith.constant 32 : index
      %get3A_523 = tpu.vector_load %arg13[%get3A_521, %get3A_522] {strides = array<i32>} : memref<16x128xf32, #tpu.memory_space<vmem>>, vector<16xf32>,
      %get3A_524 = arith.constant 3 : i32
      %get3A_525 = arith.index_cast %get3A_524 : i32 to index
      %get3A_526 = arith.constant 48 : index
      %get3A_527 = tpu.vector_load %arg13[%get3A_525, %get3A_526] {strides = array<i32>} : memref<16x128xf32, #tpu.memory_space<vmem>>, vector<16xf32>,
      %get3A_528 = arith.constant 3 : i32
      %get3A_529 = arith.index_cast %get3A_528 : i32 to index
      %get3A_530 = arith.constant 64 : index
      %get3A_531 = tpu.vector_load %arg13[%get3A_529, %get3A_530] {strides = array<i32>} : memref<16x128xf32, #tpu.memory_space<vmem>>, vector<16xf32>,
      %get3A_532 = arith.constant 3 : i32
      %get3A_533 = arith.index_cast %get3A_532 : i32 to index
      %get3A_534 = arith.constant 80 : index
      %get3A_535 = tpu.vector_load %arg13[%get3A_533, %get3A_534] {strides = array<i32>} : memref<16x128xf32, #tpu.memory_space<vmem>>, vector<16xf32>,
      %get3A_536 = arith.constant 3 : i32
      %get3A_537 = arith.index_cast %get3A_536 : i32 to index
      %get3A_538 = arith.constant 96 : index
      %get3A_539 = tpu.vector_load %arg13[%get3A_537, %get3A_538] {strides = array<i32>} : memref<16x128xf32, #tpu.memory_space<vmem>>, vector<16xf32>,
      %get3A_540 = arith.constant 3 : i32
      %get3A_541 = arith.index_cast %get3A_540 : i32 to index
      %get3A_542 = arith.constant 112 : index
      %get3A_543 = tpu.vector_load %arg13[%get3A_541, %get3A_542] {strides = array<i32>} : memref<16x128xf32, #tpu.memory_space<vmem>>, vector<16xf32>,
      %mul3A_544 = arith.mulf %get3A_515, %get3A_515 : vector<16xf32>
      %mul3A_545 = arith.mulf %get3A_519, %get3A_519 : vector<16xf32>
      %add3A_546 = arith.addf %mul3A_544, %mul3A_545 : vector<16xf32>
      %mul3A_547 = arith.mulf %get3A_523, %get3A_523 : vector<16xf32>
      %add3A_548 = arith.addf %add3A_546, %mul3A_547 : vector<16xf32>
      %mul3A_549 = arith.mulf %get3A_527, %get3A_527 : vector<16xf32>
      %add3A_550 = arith.addf %add3A_548, %mul3A_549 : vector<16xf32>
      %mul3A_551 = arith.mulf %get3A_531, %get3A_531 : vector<16xf32>
      %add3A_552 = arith.addf %add3A_550, %mul3A_551 : vector<16xf32>
      %mul3A_553 = arith.mulf %get3A_535, %get3A_535 : vector<16xf32>
      %add3A_554 = arith.addf %add3A_552, %mul3A_553 : vector<16xf32>
      %mul3A_555 = arith.mulf %get3A_539, %get3A_539 : vector<16xf32>
      %add3A_556 = arith.addf %add3A_554, %mul3A_555 : vector<16xf32>
      %mul3A_557 = arith.mulf %get3A_543, %get3A_543 : vector<16xf32>
      %add3A_558 = arith.addf %add3A_556, %mul3A_557 : vector<16xf32>
      %swap3A_559 = arith.constant 3 : i32
      %swap3A_560 = arith.index_cast %swap3A_559 : i32 to index
      %swap3A_561 = arith.constant 0 : index
      %swap3A_562 = tpu.vector_load %arg16[%swap3A_560, %swap3A_561] {strides = array<i32>} : memref<16x16xf32, #tpu.memory_space<vmem>>, vector<16xf32>,
      tpu.vector_store %arg16[%swap3A_560, %swap3A_561], %add3A_558 {strides = array<i32>} : memref<16x16xf32, #tpu.memory_space<vmem>>, vector<16xf32>,
      %mul3A_563 = arith.mulf %get3A_32, %get3A_515 : vector<16xf32>
      %mul3A_564 = arith.mulf %get3A_36, %get3A_519 : vector<16xf32>
      %add3A_565 = arith.addf %mul3A_563, %mul3A_564 : vector<16xf32>
      %mul3A_566 = arith.mulf %get3A_40, %get3A_523 : vector<16xf32>
      %add3A_567 = arith.addf %add3A_565, %mul3A_566 : vector<16xf32>
      %mul3A_568 = arith.mulf %get3A_44, %get3A_527 : vector<16xf32>
      %add3A_569 = arith.addf %add3A_567, %mul3A_568 : vector<16xf32>
      %mul3A_570 = arith.mulf %get3A_48, %get3A_531 : vector<16xf32>
      %add3A_571 = arith.addf %add3A_569, %mul3A_570 : vector<16xf32>
      %mul3A_572 = arith.mulf %get3A_52, %get3A_535 : vector<16xf32>
      %add3A_573 = arith.addf %add3A_571, %mul3A_572 : vector<16xf32>
      %mul3A_574 = arith.mulf %get3A_56, %get3A_539 : vector<16xf32>
      %add3A_575 = arith.addf %add3A_573, %mul3A_574 : vector<16xf32>
      %mul3A_576 = arith.mulf %get3A_60, %get3A_543 : vector<16xf32>
      %add3A_577 = arith.addf %add3A_575, %mul3A_576 : vector<16xf32>
      %swap3A_578 = arith.constant 3 : i32
      %swap3A_579 = arith.index_cast %swap3A_578 : i32 to index
      %swap3A_580 = arith.constant 0 : index
      %swap3A_581 = tpu.vector_load %arg17[%swap3A_579, %swap3A_580] {strides = array<i32>} : memref<16x16xf32, #tpu.memory_space<vmem>>, vector<16xf32>,
      tpu.vector_store %arg17[%swap3A_579, %swap3A_580], %add3A_577 {strides = array<i32>} : memref<16x16xf32, #tpu.memory_space<vmem>>, vector<16xf32>,
      %get3A_582 = arith.constant 4 : i32
      %get3A_583 = arith.index_cast %get3A_582 : i32 to index
      %get3A_584 = arith.constant 0 : index
      %get3A_585 = tpu.vector_load %arg13[%get3A_583, %get3A_584] {strides = array<i32>} : memref<16x128xf32, #tpu.memory_space<vmem>>, vector<16xf32>,
      %get3A_586 = arith.constant 4 : i32
      %get3A_587 = arith.index_cast %get3A_586 : i32 to index
      %get3A_588 = arith.constant 16 : index
      %get3A_589 = tpu.vector_load %arg13[%get3A_587, %get3A_588] {strides = array<i32>} : memref<16x128xf32, #tpu.memory_space<vmem>>, vector<16xf32>,
      %get3A_590 = arith.constant 4 : i32
      %get3A_591 = arith.index_cast %get3A_590 : i32 to index
      %get3A_592 = arith.constant 32 : index
      %get3A_593 = tpu.vector_load %arg13[%get3A_591, %get3A_592] {strides = array<i32>} : memref<16x128xf32, #tpu.memory_space<vmem>>, vector<16xf32>,
      %get3A_594 = arith.constant 4 : i32
      %get3A_595 = arith.index_cast %get3A_594 : i32 to index
      %get3A_596 = arith.constant 48 : index
      %get3A_597 = tpu.vector_load %arg13[%get3A_595, %get3A_596] {strides = array<i32>} : memref<16x128xf32, #tpu.memory_space<vmem>>, vector<16xf32>,
      %get3A_598 = arith.constant 4 : i32
      %get3A_599 = arith.index_cast %get3A_598 : i32 to index
      %get3A_600 = arith.constant 64 : index
      %get3A_601 = tpu.vector_load %arg13[%get3A_599, %get3A_600] {strides = array<i32>} : memref<16x128xf32, #tpu.memory_space<vmem>>, vector<16xf32>,
      %get3A_602 = arith.constant 4 : i32
      %get3A_603 = arith.index_cast %get3A_602 : i32 to index
      %get3A_604 = arith.constant 80 : index
      %get3A_605 = tpu.vector_load %arg13[%get3A_603, %get3A_604] {strides = array<i32>} : memref<16x128xf32, #tpu.memory_space<vmem>>, vector<16xf32>,
      %get3A_606 = arith.constant 4 : i32
      %get3A_607 = arith.index_cast %get3A_606 : i32 to index
      %get3A_608 = arith.constant 96 : index
      %get3A_609 = tpu.vector_load %arg13[%get3A_607, %get3A_608] {strides = array<i32>} : memref<16x128xf32, #tpu.memory_space<vmem>>, vector<16xf32>,
      %get3A_610 = arith.constant 4 : i32
      %get3A_611 = arith.index_cast %get3A_610 : i32 to index
      %get3A_612 = arith.constant 112 : index
      %get3A_613 = tpu.vector_load %arg13[%get3A_611, %get3A_612] {strides = array<i32>} : memref<16x128xf32, #tpu.memory_space<vmem>>, vector<16xf32>,
      %mul3A_614 = arith.mulf %get3A_585, %get3A_585 : vector<16xf32>
      %mul3A_615 = arith.mulf %get3A_589, %get3A_589 : vector<16xf32>
      %add3A_616 = arith.addf %mul3A_614, %mul3A_615 : vector<16xf32>
      %mul3A_617 = arith.mulf %get3A_593, %get3A_593 : vector<16xf32>
      %add3A_618 = arith.addf %add3A_616, %mul3A_617 : vector<16xf32>
      %mul3A_619 = arith.mulf %get3A_597, %get3A_597 : vector<16xf32>
      %add3A_620 = arith.addf %add3A_618, %mul3A_619 : vector<16xf32>
      %mul3A_621 = arith.mulf %get3A_601, %get3A_601 : vector<16xf32>
      %add3A_622 = arith.addf %add3A_620, %mul3A_621 : vector<16xf32>
      %mul3A_623 = arith.mulf %get3A_605, %get3A_605 : vector<16xf32>
      %add3A_624 = arith.addf %add3A_622, %mul3A_623 : vector<16xf32>
      %mul3A_625 = arith.mulf %get3A_609, %get3A_609 : vector<16xf32>
      %add3A_626 = arith.addf %add3A_624, %mul3A_625 : vector<16xf32>
      %mul3A_627 = arith.mulf %get3A_613, %get3A_613 : vector<16xf32>
      %add3A_628 = arith.addf %add3A_626, %mul3A_627 : vector<16xf32>
      %swap3A_629 = arith.constant 4 : i32
      %swap3A_630 = arith.index_cast %swap3A_629 : i32 to index
      %swap3A_631 = arith.constant 0 : index
      %swap3A_632 = tpu.vector_load %arg16[%swap3A_630, %swap3A_631] {strides = array<i32>} : memref<16x16xf32, #tpu.memory_space<vmem>>, vector<16xf32>,
      tpu.vector_store %arg16[%swap3A_630, %swap3A_631], %add3A_628 {strides = array<i32>} : memref<16x16xf32, #tpu.memory_space<vmem>>, vector<16xf32>,
      %mul3A_633 = arith.mulf %get3A_32, %get3A_585 : vector<16xf32>
      %mul3A_634 = arith.mulf %get3A_36, %get3A_589 : vector<16xf32>
      %add3A_635 = arith.addf %mul3A_633, %mul3A_634 : vector<16xf32>
      %mul3A_636 = arith.mulf %get3A_40, %get3A_593 : vector<16xf32>
      %add3A_637 = arith.addf %add3A_635, %mul3A_636 : vector<16xf32>
      %mul3A_638 = arith.mulf %get3A_44, %get3A_597 : vector<16xf32>
      %add3A_639 = arith.addf %add3A_637, %mul3A_638 : vector<16xf32>
      %mul3A_640 = arith.mulf %get3A_48, %get3A_601 : vector<16xf32>
      %add3A_641 = arith.addf %add3A_639, %mul3A_640 : vector<16xf32>
      %mul3A_642 = arith.mulf %get3A_52, %get3A_605 : vector<16xf32>
      %add3A_643 = arith.addf %add3A_641, %mul3A_642 : vector<16xf32>
      %mul3A_644 = arith.mulf %get3A_56, %get3A_609 : vector<16xf32>
      %add3A_645 = arith.addf %add3A_643, %mul3A_644 : vector<16xf32>
      %mul3A_646 = arith.mulf %get3A_60, %get3A_613 : vector<16xf32>
      %add3A_647 = arith.addf %add3A_645, %mul3A_646 : vector<16xf32>
      %swap3A_648 = arith.constant 4 : i32
      %swap3A_649 = arith.index_cast %swap3A_648 : i32 to index
      %swap3A_650 = arith.constant 0 : index
      %swap3A_651 = tpu.vector_load %arg17[%swap3A_649, %swap3A_650] {strides = array<i32>} : memref<16x16xf32, #tpu.memory_space<vmem>>, vector<16xf32>,
      tpu.vector_store %arg17[%swap3A_649, %swap3A_650], %add3A_647 {strides = array<i32>} : memref<16x16xf32, #tpu.memory_space<vmem>>, vector<16xf32>,
      %get3A_652 = arith.constant 5 : i32
      %get3A_653 = arith.index_cast %get3A_652 : i32 to index
      %get3A_654 = arith.constant 0 : index
      %get3A_655 = tpu.vector_load %arg13[%get3A_653, %get3A_654] {strides = array<i32>} : memref<16x128xf32, #tpu.memory_space<vmem>>, vector<16xf32>,
      %get3A_656 = arith.constant 5 : i32
      %get3A_657 = arith.index_cast %get3A_656 : i32 to index
      %get3A_658 = arith.constant 16 : index
      %get3A_659 = tpu.vector_load %arg13[%get3A_657, %get3A_658] {strides = array<i32>} : memref<16x128xf32, #tpu.memory_space<vmem>>, vector<16xf32>,
      %get3A_660 = arith.constant 5 : i32
      %get3A_661 = arith.index_cast %get3A_660 : i32 to index
      %get3A_662 = arith.constant 32 : index
      %get3A_663 = tpu.vector_load %arg13[%get3A_661, %get3A_662] {strides = array<i32>} : memref<16x128xf32, #tpu.memory_space<vmem>>, vector<16xf32>,
      %get3A_664 = arith.constant 5 : i32
      %get3A_665 = arith.index_cast %get3A_664 : i32 to index
      %get3A_666 = arith.constant 48 : index
      %get3A_667 = tpu.vector_load %arg13[%get3A_665, %get3A_666] {strides = array<i32>} : memref<16x128xf32, #tpu.memory_space<vmem>>, vector<16xf32>,
      %get3A_668 = arith.constant 5 : i32
      %get3A_669 = arith.index_cast %get3A_668 : i32 to index
      %get3A_670 = arith.constant 64 : index
      %get3A_671 = tpu.vector_load %arg13[%get3A_669, %get3A_670] {strides = array<i32>} : memref<16x128xf32, #tpu.memory_space<vmem>>, vector<16xf32>,
      %get3A_672 = arith.constant 5 : i32
      %get3A_673 = arith.index_cast %get3A_672 : i32 to index
      %get3A_674 = arith.constant 80 : index
      %get3A_675 = tpu.vector_load %arg13[%get3A_673, %get3A_674] {strides = array<i32>} : memref<16x128xf32, #tpu.memory_space<vmem>>, vector<16xf32>,
      %get3A_676 = arith.constant 5 : i32
      %get3A_677 = arith.index_cast %get3A_676 : i32 to index
      %get3A_678 = arith.constant 96 : index
      %get3A_679 = tpu.vector_load %arg13[%get3A_677, %get3A_678] {strides = array<i32>} : memref<16x128xf32, #tpu.memory_space<vmem>>, vector<16xf32>,
      %get3A_680 = arith.constant 5 : i32
      %get3A_681 = arith.index_cast %get3A_680 : i32 to index
      %get3A_682 = arith.constant 112 : index
      %get3A_683 = tpu.vector_load %arg13[%get3A_681, %get3A_682] {strides = array<i32>} : memref<16x128xf32, #tpu.memory_space<vmem>>, vector<16xf32>,
      %mul3A_684 = arith.mulf %get3A_655, %get3A_655 : vector<16xf32>
      %mul3A_685 = arith.mulf %get3A_659, %get3A_659 : vector<16xf32>
      %add3A_686 = arith.addf %mul3A_684, %mul3A_685 : vector<16xf32>
      %mul3A_687 = arith.mulf %get3A_663, %get3A_663 : vector<16xf32>
      %add3A_688 = arith.addf %add3A_686, %mul3A_687 : vector<16xf32>
      %mul3A_689 = arith.mulf %get3A_667, %get3A_667 : vector<16xf32>
      %add3A_690 = arith.addf %add3A_688, %mul3A_689 : vector<16xf32>
      %mul3A_691 = arith.mulf %get3A_671, %get3A_671 : vector<16xf32>
      %add3A_692 = arith.addf %add3A_690, %mul3A_691 : vector<16xf32>
      %mul3A_693 = arith.mulf %get3A_675, %get3A_675 : vector<16xf32>
      %add3A_694 = arith.addf %add3A_692, %mul3A_693 : vector<16xf32>
      %mul3A_695 = arith.mulf %get3A_679, %get3A_679 : vector<16xf32>
      %add3A_696 = arith.addf %add3A_694, %mul3A_695 : vector<16xf32>
      %mul3A_697 = arith.mulf %get3A_683, %get3A_683 : vector<16xf32>
      %add3A_698 = arith.addf %add3A_696, %mul3A_697 : vector<16xf32>
      %swap3A_699 = arith.constant 5 : i32
      %swap3A_700 = arith.index_cast %swap3A_699 : i32 to index
      %swap3A_701 = arith.constant 0 : index
      %swap3A_702 = tpu.vector_load %arg16[%swap3A_700, %swap3A_701] {strides = array<i32>} : memref<16x16xf32, #tpu.memory_space<vmem>>, vector<16xf32>,
      tpu.vector_store %arg16[%swap3A_700, %swap3A_701], %add3A_698 {strides = array<i32>} : memref<16x16xf32, #tpu.memory_space<vmem>>, vector<16xf32>,
      %mul3A_703 = arith.mulf %get3A_32, %get3A_655 : vector<16xf32>
      %mul3A_704 = arith.mulf %get3A_36, %get3A_659 : vector<16xf32>
      %add3A_705 = arith.addf %mul3A_703, %mul3A_704 : vector<16xf32>
      %mul3A_706 = arith.mulf %get3A_40, %get3A_663 : vector<16xf32>
      %add3A_707 = arith.addf %add3A_705, %mul3A_706 : vector<16xf32>
      %mul3A_708 = arith.mulf %get3A_44, %get3A_667 : vector<16xf32>
      %add3A_709 = arith.addf %add3A_707, %mul3A_708 : vector<16xf32>
      %mul3A_710 = arith.mulf %get3A_48, %get3A_671 : vector<16xf32>
      %add3A_711 = arith.addf %add3A_709, %mul3A_710 : vector<16xf32>
      %mul3A_712 = arith.mulf %get3A_52, %get3A_675 : vector<16xf32>
      %add3A_713 = arith.addf %add3A_711, %mul3A_712 : vector<16xf32>
      %mul3A_714 = arith.mulf %get3A_56, %get3A_679 : vector<16xf32>
      %add3A_715 = arith.addf %add3A_713, %mul3A_714 : vector<16xf32>
      %mul3A_716 = arith.mulf %get3A_60, %get3A_683 : vector<16xf32>
      %add3A_717 = arith.addf %add3A_715, %mul3A_716 : vector<16xf32>
      %swap3A_718 = arith.constant 5 : i32
      %swap3A_719 = arith.index_cast %swap3A_718 : i32 to index
      %swap3A_720 = arith.constant 0 : index
      %swap3A_721 = tpu.vector_load %arg17[%swap3A_719, %swap3A_720] {strides = array<i32>} : memref<16x16xf32, #tpu.memory_space<vmem>>, vector<16xf32>,
      tpu.vector_store %arg17[%swap3A_719, %swap3A_720], %add3A_717 {strides = array<i32>} : memref<16x16xf32, #tpu.memory_space<vmem>>, vector<16xf32>,
      %get3A_722 = arith.constant 6 : i32
      %get3A_723 = arith.index_cast %get3A_722 : i32 to index
      %get3A_724 = arith.constant 0 : index
      %get3A_725 = tpu.vector_load %arg13[%get3A_723, %get3A_724] {strides = array<i32>} : memref<16x128xf32, #tpu.memory_space<vmem>>, vector<16xf32>,
      %get3A_726 = arith.constant 6 : i32
      %get3A_727 = arith.index_cast %get3A_726 : i32 to index
      %get3A_728 = arith.constant 16 : index
      %get3A_729 = tpu.vector_load %arg13[%get3A_727, %get3A_728] {strides = array<i32>} : memref<16x128xf32, #tpu.memory_space<vmem>>, vector<16xf32>,
      %get3A_730 = arith.constant 6 : i32
      %get3A_731 = arith.index_cast %get3A_730 : i32 to index
      %get3A_732 = arith.constant 32 : index
      %get3A_733 = tpu.vector_load %arg13[%get3A_731, %get3A_732] {strides = array<i32>} : memref<16x128xf32, #tpu.memory_space<vmem>>, vector<16xf32>,
      %get3A_734 = arith.constant 6 : i32
      %get3A_735 = arith.index_cast %get3A_734 : i32 to index
      %get3A_736 = arith.constant 48 : index
      %get3A_737 = tpu.vector_load %arg13[%get3A_735, %get3A_736] {strides = array<i32>} : memref<16x128xf32, #tpu.memory_space<vmem>>, vector<16xf32>,
      %get3A_738 = arith.constant 6 : i32
      %get3A_739 = arith.index_cast %get3A_738 : i32 to index
      %get3A_740 = arith.constant 64 : index
      %get3A_741 = tpu.vector_load %arg13[%get3A_739, %get3A_740] {strides = array<i32>} : memref<16x128xf32, #tpu.memory_space<vmem>>, vector<16xf32>,
      %get3A_742 = arith.constant 6 : i32
      %get3A_743 = arith.index_cast %get3A_742 : i32 to index
      %get3A_744 = arith.constant 80 : index
      %get3A_745 = tpu.vector_load %arg13[%get3A_743, %get3A_744] {strides = array<i32>} : memref<16x128xf32, #tpu.memory_space<vmem>>, vector<16xf32>,
      %get3A_746 = arith.constant 6 : i32
      %get3A_747 = arith.index_cast %get3A_746 : i32 to index
      %get3A_748 = arith.constant 96 : index
      %get3A_749 = tpu.vector_load %arg13[%get3A_747, %get3A_748] {strides = array<i32>} : memref<16x128xf32, #tpu.memory_space<vmem>>, vector<16xf32>,
      %get3A_750 = arith.constant 6 : i32
      %get3A_751 = arith.index_cast %get3A_750 : i32 to index
      %get3A_752 = arith.constant 112 : index
      %get3A_753 = tpu.vector_load %arg13[%get3A_751, %get3A_752] {strides = array<i32>} : memref<16x128xf32, #tpu.memory_space<vmem>>, vector<16xf32>,
      %mul3A_754 = arith.mulf %get3A_725, %get3A_725 : vector<16xf32>
      %mul3A_755 = arith.mulf %get3A_729, %get3A_729 : vector<16xf32>
      %add3A_756 = arith.addf %mul3A_754, %mul3A_755 : vector<16xf32>
      %mul3A_757 = arith.mulf %get3A_733, %get3A_733 : vector<16xf32>
      %add3A_758 = arith.addf %add3A_756, %mul3A_757 : vector<16xf32>
      %mul3A_759 = arith.mulf %get3A_737, %get3A_737 : vector<16xf32>
      %add3A_760 = arith.addf %add3A_758, %mul3A_759 : vector<16xf32>
      %mul3A_761 = arith.mulf %get3A_741, %get3A_741 : vector<16xf32>
      %add3A_762 = arith.addf %add3A_760, %mul3A_761 : vector<16xf32>
      %mul3A_763 = arith.mulf %get3A_745, %get3A_745 : vector<16xf32>
      %add3A_764 = arith.addf %add3A_762, %mul3A_763 : vector<16xf32>
      %mul3A_765 = arith.mulf %get3A_749, %get3A_749 : vector<16xf32>
      %add3A_766 = arith.addf %add3A_764, %mul3A_765 : vector<16xf32>
      %mul3A_767 = arith.mulf %get3A_753, %get3A_753 : vector<16xf32>
      %add3A_768 = arith.addf %add3A_766, %mul3A_767 : vector<16xf32>
      %swap3A_769 = arith.constant 6 : i32
      %swap3A_770 = arith.index_cast %swap3A_769 : i32 to index
      %swap3A_771 = arith.constant 0 : index
      %swap3A_772 = tpu.vector_load %arg16[%swap3A_770, %swap3A_771] {strides = array<i32>} : memref<16x16xf32, #tpu.memory_space<vmem>>, vector<16xf32>,
      tpu.vector_store %arg16[%swap3A_770, %swap3A_771], %add3A_768 {strides = array<i32>} : memref<16x16xf32, #tpu.memory_space<vmem>>, vector<16xf32>,
      %mul3A_773 = arith.mulf %get3A_32, %get3A_725 : vector<16xf32>
      %mul3A_774 = arith.mulf %get3A_36, %get3A_729 : vector<16xf32>
      %add3A_775 = arith.addf %mul3A_773, %mul3A_774 : vector<16xf32>
      %mul3A_776 = arith.mulf %get3A_40, %get3A_733 : vector<16xf32>
      %add3A_777 = arith.addf %add3A_775, %mul3A_776 : vector<16xf32>
      %mul3A_778 = arith.mulf %get3A_44, %get3A_737 : vector<16xf32>
      %add3A_779 = arith.addf %add3A_777, %mul3A_778 : vector<16xf32>
      %mul3A_780 = arith.mulf %get3A_48, %get3A_741 : vector<16xf32>
      %add3A_781 = arith.addf %add3A_779, %mul3A_780 : vector<16xf32>
      %mul3A_782 = arith.mulf %get3A_52, %get3A_745 : vector<16xf32>
      %add3A_783 = arith.addf %add3A_781, %mul3A_782 : vector<16xf32>
      %mul3A_784 = arith.mulf %get3A_56, %get3A_749 : vector<16xf32>
      %add3A_785 = arith.addf %add3A_783, %mul3A_784 : vector<16xf32>
      %mul3A_786 = arith.mulf %get3A_60, %get3A_753 : vector<16xf32>
      %add3A_787 = arith.addf %add3A_785, %mul3A_786 : vector<16xf32>
      %swap3A_788 = arith.constant 6 : i32
      %swap3A_789 = arith.index_cast %swap3A_788 : i32 to index
      %swap3A_790 = arith.constant 0 : index
      %swap3A_791 = tpu.vector_load %arg17[%swap3A_789, %swap3A_790] {strides = array<i32>} : memref<16x16xf32, #tpu.memory_space<vmem>>, vector<16xf32>,
      tpu.vector_store %arg17[%swap3A_789, %swap3A_790], %add3A_787 {strides = array<i32>} : memref<16x16xf32, #tpu.memory_space<vmem>>, vector<16xf32>,
      %get3A_792 = arith.constant 7 : i32
      %get3A_793 = arith.index_cast %get3A_792 : i32 to index
      %get3A_794 = arith.constant 0 : index
      %get3A_795 = tpu.vector_load %arg13[%get3A_793, %get3A_794] {strides = array<i32>} : memref<16x128xf32, #tpu.memory_space<vmem>>, vector<16xf32>,
      %get3A_796 = arith.constant 7 : i32
      %get3A_797 = arith.index_cast %get3A_796 : i32 to index
      %get3A_798 = arith.constant 16 : index
      %get3A_799 = tpu.vector_load %arg13[%get3A_797, %get3A_798] {strides = array<i32>} : memref<16x128xf32, #tpu.memory_space<vmem>>, vector<16xf32>,
      %get3A_800 = arith.constant 7 : i32
      %get3A_801 = arith.index_cast %get3A_800 : i32 to index
      %get3A_802 = arith.constant 32 : index
      %get3A_803 = tpu.vector_load %arg13[%get3A_801, %get3A_802] {strides = array<i32>} : memref<16x128xf32, #tpu.memory_space<vmem>>, vector<16xf32>,
      %get3A_804 = arith.constant 7 : i32
      %get3A_805 = arith.index_cast %get3A_804 : i32 to index
      %get3A_806 = arith.constant 48 : index
      %get3A_807 = tpu.vector_load %arg13[%get3A_805, %get3A_806] {strides = array<i32>} : memref<16x128xf32, #tpu.memory_space<vmem>>, vector<16xf32>,
      %get3A_808 = arith.constant 7 : i32
      %get3A_809 = arith.index_cast %get3A_808 : i32 to index
      %get3A_810 = arith.constant 64 : index
      %get3A_811 = tpu.vector_load %arg13[%get3A_809, %get3A_810] {strides = array<i32>} : memref<16x128xf32, #tpu.memory_space<vmem>>, vector<16xf32>,
      %get3A_812 = arith.constant 7 : i32
      %get3A_813 = arith.index_cast %get3A_812 : i32 to index
      %get3A_814 = arith.constant 80 : index
      %get3A_815 = tpu.vector_load %arg13[%get3A_813, %get3A_814] {strides = array<i32>} : memref<16x128xf32, #tpu.memory_space<vmem>>, vector<16xf32>,
      %get3A_816 = arith.constant 7 : i32
      %get3A_817 = arith.index_cast %get3A_816 : i32 to index
      %get3A_818 = arith.constant 96 : index
      %get3A_819 = tpu.vector_load %arg13[%get3A_817, %get3A_818] {strides = array<i32>} : memref<16x128xf32, #tpu.memory_space<vmem>>, vector<16xf32>,
      %get3A_820 = arith.constant 7 : i32
      %get3A_821 = arith.index_cast %get3A_820 : i32 to index
      %get3A_822 = arith.constant 112 : index
      %get3A_823 = tpu.vector_load %arg13[%get3A_821, %get3A_822] {strides = array<i32>} : memref<16x128xf32, #tpu.memory_space<vmem>>, vector<16xf32>,
      %mul3A_824 = arith.mulf %get3A_795, %get3A_795 : vector<16xf32>
      %mul3A_825 = arith.mulf %get3A_799, %get3A_799 : vector<16xf32>
      %add3A_826 = arith.addf %mul3A_824, %mul3A_825 : vector<16xf32>
      %mul3A_827 = arith.mulf %get3A_803, %get3A_803 : vector<16xf32>
      %add3A_828 = arith.addf %add3A_826, %mul3A_827 : vector<16xf32>
      %mul3A_829 = arith.mulf %get3A_807, %get3A_807 : vector<16xf32>
      %add3A_830 = arith.addf %add3A_828, %mul3A_829 : vector<16xf32>
      %mul3A_831 = arith.mulf %get3A_811, %get3A_811 : vector<16xf32>
      %add3A_832 = arith.addf %add3A_830, %mul3A_831 : vector<16xf32>
      %mul3A_833 = arith.mulf %get3A_815, %get3A_815 : vector<16xf32>
      %add3A_834 = arith.addf %add3A_832, %mul3A_833 : vector<16xf32>
      %mul3A_835 = arith.mulf %get3A_819, %get3A_819 : vector<16xf32>
      %add3A_836 = arith.addf %add3A_834, %mul3A_835 : vector<16xf32>
      %mul3A_837 = arith.mulf %get3A_823, %get3A_823 : vector<16xf32>
      %add3A_838 = arith.addf %add3A_836, %mul3A_837 : vector<16xf32>
      %swap3A_839 = arith.constant 7 : i32
      %swap3A_840 = arith.index_cast %swap3A_839 : i32 to index
      %swap3A_841 = arith.constant 0 : index
      %swap3A_842 = tpu.vector_load %arg16[%swap3A_840, %swap3A_841] {strides = array<i32>} : memref<16x16xf32, #tpu.memory_space<vmem>>, vector<16xf32>,
      tpu.vector_store %arg16[%swap3A_840, %swap3A_841], %add3A_838 {strides = array<i32>} : memref<16x16xf32, #tpu.memory_space<vmem>>, vector<16xf32>,
      %mul3A_843 = arith.mulf %get3A_32, %get3A_795 : vector<16xf32>
      %mul3A_844 = arith.mulf %get3A_36, %get3A_799 : vector<16xf32>
      %add3A_845 = arith.addf %mul3A_843, %mul3A_844 : vector<16xf32>
      %mul3A_846 = arith.mulf %get3A_40, %get3A_803 : vector<16xf32>
      %add3A_847 = arith.addf %add3A_845, %mul3A_846 : vector<16xf32>
      %mul3A_848 = arith.mulf %get3A_44, %get3A_807 : vector<16xf32>
      %add3A_849 = arith.addf %add3A_847, %mul3A_848 : vector<16xf32>
      %mul3A_850 = arith.mulf %get3A_48, %get3A_811 : vector<16xf32>
      %add3A_851 = arith.addf %add3A_849, %mul3A_850 : vector<16xf32>
      %mul3A_852 = arith.mulf %get3A_52, %get3A_815 : vector<16xf32>
      %add3A_853 = arith.addf %add3A_851, %mul3A_852 : vector<16xf32>
      %mul3A_854 = arith.mulf %get3A_56, %get3A_819 : vector<16xf32>
      %add3A_855 = arith.addf %add3A_853, %mul3A_854 : vector<16xf32>
      %mul3A_856 = arith.mulf %get3A_60, %get3A_823 : vector<16xf32>
      %add3A_857 = arith.addf %add3A_855, %mul3A_856 : vector<16xf32>
      %swap3A_858 = arith.constant 7 : i32
      %swap3A_859 = arith.index_cast %swap3A_858 : i32 to index
      %swap3A_860 = arith.constant 0 : index
      %swap3A_861 = tpu.vector_load %arg17[%swap3A_859, %swap3A_860] {strides = array<i32>} : memref<16x16xf32, #tpu.memory_space<vmem>>, vector<16xf32>,
      tpu.vector_store %arg17[%swap3A_859, %swap3A_860], %add3A_857 {strides = array<i32>} : memref<16x16xf32, #tpu.memory_space<vmem>>, vector<16xf32>,
      %get3A_862 = arith.constant 8 : i32
      %get3A_863 = arith.index_cast %get3A_862 : i32 to index
      %get3A_864 = arith.constant 0 : index
      %get3A_865 = tpu.vector_load %arg13[%get3A_863, %get3A_864] {strides = array<i32>} : memref<16x128xf32, #tpu.memory_space<vmem>>, vector<16xf32>,
      %get3A_866 = arith.constant 8 : i32
      %get3A_867 = arith.index_cast %get3A_866 : i32 to index
      %get3A_868 = arith.constant 16 : index
      %get3A_869 = tpu.vector_load %arg13[%get3A_867, %get3A_868] {strides = array<i32>} : memref<16x128xf32, #tpu.memory_space<vmem>>, vector<16xf32>,
      %get3A_870 = arith.constant 8 : i32
      %get3A_871 = arith.index_cast %get3A_870 : i32 to index
      %get3A_872 = arith.constant 32 : index
      %get3A_873 = tpu.vector_load %arg13[%get3A_871, %get3A_872] {strides = array<i32>} : memref<16x128xf32, #tpu.memory_space<vmem>>, vector<16xf32>,
      %get3A_874 = arith.constant 8 : i32
      %get3A_875 = arith.index_cast %get3A_874 : i32 to index
      %get3A_876 = arith.constant 48 : index
      %get3A_877 = tpu.vector_load %arg13[%get3A_875, %get3A_876] {strides = array<i32>} : memref<16x128xf32, #tpu.memory_space<vmem>>, vector<16xf32>,
      %get3A_878 = arith.constant 8 : i32
      %get3A_879 = arith.index_cast %get3A_878 : i32 to index
      %get3A_880 = arith.constant 64 : index
      %get3A_881 = tpu.vector_load %arg13[%get3A_879, %get3A_880] {strides = array<i32>} : memref<16x128xf32, #tpu.memory_space<vmem>>, vector<16xf32>,
      %get3A_882 = arith.constant 8 : i32
      %get3A_883 = arith.index_cast %get3A_882 : i32 to index
      %get3A_884 = arith.constant 80 : index
      %get3A_885 = tpu.vector_load %arg13[%get3A_883, %get3A_884] {strides = array<i32>} : memref<16x128xf32, #tpu.memory_space<vmem>>, vector<16xf32>,
      %get3A_886 = arith.constant 8 : i32
      %get3A_887 = arith.index_cast %get3A_886 : i32 to index
      %get3A_888 = arith.constant 96 : index
      %get3A_889 = tpu.vector_load %arg13[%get3A_887, %get3A_888] {strides = array<i32>} : memref<16x128xf32, #tpu.memory_space<vmem>>, vector<16xf32>,
      %get3A_890 = arith.constant 8 : i32
      %get3A_891 = arith.index_cast %get3A_890 : i32 to index
      %get3A_892 = arith.constant 112 : index
      %get3A_893 = tpu.vector_load %arg13[%get3A_891, %get3A_892] {strides = array<i32>} : memref<16x128xf32, #tpu.memory_space<vmem>>, vector<16xf32>,
      %mul3A_894 = arith.mulf %get3A_865, %get3A_865 : vector<16xf32>
      %mul3A_895 = arith.mulf %get3A_869, %get3A_869 : vector<16xf32>
      %add3A_896 = arith.addf %mul3A_894, %mul3A_895 : vector<16xf32>
      %mul3A_897 = arith.mulf %get3A_873, %get3A_873 : vector<16xf32>
      %add3A_898 = arith.addf %add3A_896, %mul3A_897 : vector<16xf32>
      %mul3A_899 = arith.mulf %get3A_877, %get3A_877 : vector<16xf32>
      %add3A_900 = arith.addf %add3A_898, %mul3A_899 : vector<16xf32>
      %mul3A_901 = arith.mulf %get3A_881, %get3A_881 : vector<16xf32>
      %add3A_902 = arith.addf %add3A_900, %mul3A_901 : vector<16xf32>
      %mul3A_903 = arith.mulf %get3A_885, %get3A_885 : vector<16xf32>
      %add3A_904 = arith.addf %add3A_902, %mul3A_903 : vector<16xf32>
      %mul3A_905 = arith.mulf %get3A_889, %get3A_889 : vector<16xf32>
      %add3A_906 = arith.addf %add3A_904, %mul3A_905 : vector<16xf32>
      %mul3A_907 = arith.mulf %get3A_893, %get3A_893 : vector<16xf32>
      %add3A_908 = arith.addf %add3A_906, %mul3A_907 : vector<16xf32>
      %swap3A_909 = arith.constant 8 : i32
      %swap3A_910 = arith.index_cast %swap3A_909 : i32 to index
      %swap3A_911 = arith.constant 0 : index
      %swap3A_912 = tpu.vector_load %arg16[%swap3A_910, %swap3A_911] {strides = array<i32>} : memref<16x16xf32, #tpu.memory_space<vmem>>, vector<16xf32>,
      tpu.vector_store %arg16[%swap3A_910, %swap3A_911], %add3A_908 {strides = array<i32>} : memref<16x16xf32, #tpu.memory_space<vmem>>, vector<16xf32>,
      %mul3A_913 = arith.mulf %get3A_32, %get3A_865 : vector<16xf32>
      %mul3A_914 = arith.mulf %get3A_36, %get3A_869 : vector<16xf32>
      %add3A_915 = arith.addf %mul3A_913, %mul3A_914 : vector<16xf32>
      %mul3A_916 = arith.mulf %get3A_40, %get3A_873 : vector<16xf32>
      %add3A_917 = arith.addf %add3A_915, %mul3A_916 : vector<16xf32>
      %mul3A_918 = arith.mulf %get3A_44, %get3A_877 : vector<16xf32>
      %add3A_919 = arith.addf %add3A_917, %mul3A_918 : vector<16xf32>
      %mul3A_920 = arith.mulf %get3A_48, %get3A_881 : vector<16xf32>
      %add3A_921 = arith.addf %add3A_919, %mul3A_920 : vector<16xf32>
      %mul3A_922 = arith.mulf %get3A_52, %get3A_885 : vector<16xf32>
      %add3A_923 = arith.addf %add3A_921, %mul3A_922 : vector<16xf32>
      %mul3A_924 = arith.mulf %get3A_56, %get3A_889 : vector<16xf32>
      %add3A_925 = arith.addf %add3A_923, %mul3A_924 : vector<16xf32>
      %mul3A_926 = arith.mulf %get3A_60, %get3A_893 : vector<16xf32>
      %add3A_927 = arith.addf %add3A_925, %mul3A_926 : vector<16xf32>
      %swap3A_928 = arith.constant 8 : i32
      %swap3A_929 = arith.index_cast %swap3A_928 : i32 to index
      %swap3A_930 = arith.constant 0 : index
      %swap3A_931 = tpu.vector_load %arg17[%swap3A_929, %swap3A_930] {strides = array<i32>} : memref<16x16xf32, #tpu.memory_space<vmem>>, vector<16xf32>,
      tpu.vector_store %arg17[%swap3A_929, %swap3A_930], %add3A_927 {strides = array<i32>} : memref<16x16xf32, #tpu.memory_space<vmem>>, vector<16xf32>,
      %get3A_932 = arith.constant 9 : i32
      %get3A_933 = arith.index_cast %get3A_932 : i32 to index
      %get3A_934 = arith.constant 0 : index
      %get3A_935 = tpu.vector_load %arg13[%get3A_933, %get3A_934] {strides = array<i32>} : memref<16x128xf32, #tpu.memory_space<vmem>>, vector<16xf32>,
      %get3A_936 = arith.constant 9 : i32
      %get3A_937 = arith.index_cast %get3A_936 : i32 to index
      %get3A_938 = arith.constant 16 : index
      %get3A_939 = tpu.vector_load %arg13[%get3A_937, %get3A_938] {strides = array<i32>} : memref<16x128xf32, #tpu.memory_space<vmem>>, vector<16xf32>,
      %get3A_940 = arith.constant 9 : i32
      %get3A_941 = arith.index_cast %get3A_940 : i32 to index
      %get3A_942 = arith.constant 32 : index
      %get3A_943 = tpu.vector_load %arg13[%get3A_941, %get3A_942] {strides = array<i32>} : memref<16x128xf32, #tpu.memory_space<vmem>>, vector<16xf32>,
      %get3A_944 = arith.constant 9 : i32
      %get3A_945 = arith.index_cast %get3A_944 : i32 to index
      %get3A_946 = arith.constant 48 : index
      %get3A_947 = tpu.vector_load %arg13[%get3A_945, %get3A_946] {strides = array<i32>} : memref<16x128xf32, #tpu.memory_space<vmem>>, vector<16xf32>,
      %get3A_948 = arith.constant 9 : i32
      %get3A_949 = arith.index_cast %get3A_948 : i32 to index
      %get3A_950 = arith.constant 64 : index
      %get3A_951 = tpu.vector_load %arg13[%get3A_949, %get3A_950] {strides = array<i32>} : memref<16x128xf32, #tpu.memory_space<vmem>>, vector<16xf32>,
      %get3A_952 = arith.constant 9 : i32
      %get3A_953 = arith.index_cast %get3A_952 : i32 to index
      %get3A_954 = arith.constant 80 : index
      %get3A_955 = tpu.vector_load %arg13[%get3A_953, %get3A_954] {strides = array<i32>} : memref<16x128xf32, #tpu.memory_space<vmem>>, vector<16xf32>,
      %get3A_956 = arith.constant 9 : i32
      %get3A_957 = arith.index_cast %get3A_956 : i32 to index
      %get3A_958 = arith.constant 96 : index
      %get3A_959 = tpu.vector_load %arg13[%get3A_957, %get3A_958] {strides = array<i32>} : memref<16x128xf32, #tpu.memory_space<vmem>>, vector<16xf32>,
      %get3A_960 = arith.constant 9 : i32
      %get3A_961 = arith.index_cast %get3A_960 : i32 to index
      %get3A_962 = arith.constant 112 : index
      %get3A_963 = tpu.vector_load %arg13[%get3A_961, %get3A_962] {strides = array<i32>} : memref<16x128xf32, #tpu.memory_space<vmem>>, vector<16xf32>,
      %mul3A_964 = arith.mulf %get3A_935, %get3A_935 : vector<16xf32>
      %mul3A_965 = arith.mulf %get3A_939, %get3A_939 : vector<16xf32>
      %add3A_966 = arith.addf %mul3A_964, %mul3A_965 : vector<16xf32>
      %mul3A_967 = arith.mulf %get3A_943, %get3A_943 : vector<16xf32>
      %add3A_968 = arith.addf %add3A_966, %mul3A_967 : vector<16xf32>
      %mul3A_969 = arith.mulf %get3A_947, %get3A_947 : vector<16xf32>
      %add3A_970 = arith.addf %add3A_968, %mul3A_969 : vector<16xf32>
      %mul3A_971 = arith.mulf %get3A_951, %get3A_951 : vector<16xf32>
      %add3A_972 = arith.addf %add3A_970, %mul3A_971 : vector<16xf32>
      %mul3A_973 = arith.mulf %get3A_955, %get3A_955 : vector<16xf32>
      %add3A_974 = arith.addf %add3A_972, %mul3A_973 : vector<16xf32>
      %mul3A_975 = arith.mulf %get3A_959, %get3A_959 : vector<16xf32>
      %add3A_976 = arith.addf %add3A_974, %mul3A_975 : vector<16xf32>
      %mul3A_977 = arith.mulf %get3A_963, %get3A_963 : vector<16xf32>
      %add3A_978 = arith.addf %add3A_976, %mul3A_977 : vector<16xf32>
      %swap3A_979 = arith.constant 9 : i32
      %swap3A_980 = arith.index_cast %swap3A_979 : i32 to index
      %swap3A_981 = arith.constant 0 : index
      %swap3A_982 = tpu.vector_load %arg16[%swap3A_980, %swap3A_981] {strides = array<i32>} : memref<16x16xf32, #tpu.memory_space<vmem>>, vector<16xf32>,
      tpu.vector_store %arg16[%swap3A_980, %swap3A_981], %add3A_978 {strides = array<i32>} : memref<16x16xf32, #tpu.memory_space<vmem>>, vector<16xf32>,
      %mul3A_983 = arith.mulf %get3A_32, %get3A_935 : vector<16xf32>
      %mul3A_984 = arith.mulf %get3A_36, %get3A_939 : vector<16xf32>
      %add3A_985 = arith.addf %mul3A_983, %mul3A_984 : vector<16xf32>
      %mul3A_986 = arith.mulf %get3A_40, %get3A_943 : vector<16xf32>
      %add3A_987 = arith.addf %add3A_985, %mul3A_986 : vector<16xf32>
      %mul3A_988 = arith.mulf %get3A_44, %get3A_947 : vector<16xf32>
      %add3A_989 = arith.addf %add3A_987, %mul3A_988 : vector<16xf32>
      %mul3A_990 = arith.mulf %get3A_48, %get3A_951 : vector<16xf32>
      %add3A_991 = arith.addf %add3A_989, %mul3A_990 : vector<16xf32>
      %mul3A_992 = arith.mulf %get3A_52, %get3A_955 : vector<16xf32>
      %add3A_993 = arith.addf %add3A_991, %mul3A_992 : vector<16xf32>
      %mul3A_994 = arith.mulf %get3A_56, %get3A_959 : vector<16xf32>
      %add3A_995 = arith.addf %add3A_993, %mul3A_994 : vector<16xf32>
      %mul3A_996 = arith.mulf %get3A_60, %get3A_963 : vector<16xf32>
      %add3A_997 = arith.addf %add3A_995, %mul3A_996 : vector<16xf32>
      %swap3A_998 = arith.constant 9 : i32
      %swap3A_999 = arith.index_cast %swap3A_998 : i32 to index
      %swap3A_1000 = arith.constant 0 : index
      %swap3A_1001 = tpu.vector_load %arg17[%swap3A_999, %swap3A_1000] {strides = array<i32>} : memref<16x16xf32, #tpu.memory_space<vmem>>, vector<16xf32>,
      tpu.vector_store %arg17[%swap3A_999, %swap3A_1000], %add3A_997 {strides = array<i32>} : memref<16x16xf32, #tpu.memory_space<vmem>>, vector<16xf32>,
      %get3A_1002 = arith.constant 10 : i32
      %get3A_1003 = arith.index_cast %get3A_1002 : i32 to index
      %get3A_1004 = arith.constant 0 : index
      %get3A_1005 = tpu.vector_load %arg13[%get3A_1003, %get3A_1004] {strides = array<i32>} : memref<16x128xf32, #tpu.memory_space<vmem>>, vector<16xf32>,
      %get3A_1006 = arith.constant 10 : i32
      %get3A_1007 = arith.index_cast %get3A_1006 : i32 to index
      %get3A_1008 = arith.constant 16 : index
      %get3A_1009 = tpu.vector_load %arg13[%get3A_1007, %get3A_1008] {strides = array<i32>} : memref<16x128xf32, #tpu.memory_space<vmem>>, vector<16xf32>,
      %get3A_1010 = arith.constant 10 : i32
      %get3A_1011 = arith.index_cast %get3A_1010 : i32 to index
      %get3A_1012 = arith.constant 32 : index
      %get3A_1013 = tpu.vector_load %arg13[%get3A_1011, %get3A_1012] {strides = array<i32>} : memref<16x128xf32, #tpu.memory_space<vmem>>, vector<16xf32>,
      %get3A_1014 = arith.constant 10 : i32
      %get3A_1015 = arith.index_cast %get3A_1014 : i32 to index
      %get3A_1016 = arith.constant 48 : index
      %get3A_1017 = tpu.vector_load %arg13[%get3A_1015, %get3A_1016] {strides = array<i32>} : memref<16x128xf32, #tpu.memory_space<vmem>>, vector<16xf32>,
      %get3A_1018 = arith.constant 10 : i32
      %get3A_1019 = arith.index_cast %get3A_1018 : i32 to index
      %get3A_1020 = arith.constant 64 : index
      %get3A_1021 = tpu.vector_load %arg13[%get3A_1019, %get3A_1020] {strides = array<i32>} : memref<16x128xf32, #tpu.memory_space<vmem>>, vector<16xf32>,
      %get3A_1022 = arith.constant 10 : i32
      %get3A_1023 = arith.index_cast %get3A_1022 : i32 to index
      %get3A_1024 = arith.constant 80 : index
      %get3A_1025 = tpu.vector_load %arg13[%get3A_1023, %get3A_1024] {strides = array<i32>} : memref<16x128xf32, #tpu.memory_space<vmem>>, vector<16xf32>,
      %get3A_1026 = arith.constant 10 : i32
      %get3A_1027 = arith.index_cast %get3A_1026 : i32 to index
      %get3A_1028 = arith.constant 96 : index
      %get3A_1029 = tpu.vector_load %arg13[%get3A_1027, %get3A_1028] {strides = array<i32>} : memref<16x128xf32, #tpu.memory_space<vmem>>, vector<16xf32>,
      %get3A_1030 = arith.constant 10 : i32
      %get3A_1031 = arith.index_cast %get3A_1030 : i32 to index
      %get3A_1032 = arith.constant 112 : index
      %get3A_1033 = tpu.vector_load %arg13[%get3A_1031, %get3A_1032] {strides = array<i32>} : memref<16x128xf32, #tpu.memory_space<vmem>>, vector<16xf32>,
      %mul3A_1034 = arith.mulf %get3A_1005, %get3A_1005 : vector<16xf32>
      %mul3A_1035 = arith.mulf %get3A_1009, %get3A_1009 : vector<16xf32>
      %add3A_1036 = arith.addf %mul3A_1034, %mul3A_1035 : vector<16xf32>
      %mul3A_1037 = arith.mulf %get3A_1013, %get3A_1013 : vector<16xf32>
      %add3A_1038 = arith.addf %add3A_1036, %mul3A_1037 : vector<16xf32>
      %mul3A_1039 = arith.mulf %get3A_1017, %get3A_1017 : vector<16xf32>
      %add3A_1040 = arith.addf %add3A_1038, %mul3A_1039 : vector<16xf32>
      %mul3A_1041 = arith.mulf %get3A_1021, %get3A_1021 : vector<16xf32>
      %add3A_1042 = arith.addf %add3A_1040, %mul3A_1041 : vector<16xf32>
      %mul3A_1043 = arith.mulf %get3A_1025, %get3A_1025 : vector<16xf32>
      %add3A_1044 = arith.addf %add3A_1042, %mul3A_1043 : vector<16xf32>
      %mul3A_1045 = arith.mulf %get3A_1029, %get3A_1029 : vector<16xf32>
      %add3A_1046 = arith.addf %add3A_1044, %mul3A_1045 : vector<16xf32>
      %mul3A_1047 = arith.mulf %get3A_1033, %get3A_1033 : vector<16xf32>
      %add3A_1048 = arith.addf %add3A_1046, %mul3A_1047 : vector<16xf32>
      %swap3A_1049 = arith.constant 10 : i32
      %swap3A_1050 = arith.index_cast %swap3A_1049 : i32 to index
      %swap3A_1051 = arith.constant 0 : index
      %swap3A_1052 = tpu.vector_load %arg16[%swap3A_1050, %swap3A_1051] {strides = array<i32>} : memref<16x16xf32, #tpu.memory_space<vmem>>, vector<16xf32>,
      tpu.vector_store %arg16[%swap3A_1050, %swap3A_1051], %add3A_1048 {strides = array<i32>} : memref<16x16xf32, #tpu.memory_space<vmem>>, vector<16xf32>,
      %mul3A_1053 = arith.mulf %get3A_32, %get3A_1005 : vector<16xf32>
      %mul3A_1054 = arith.mulf %get3A_36, %get3A_1009 : vector<16xf32>
      %add3A_1055 = arith.addf %mul3A_1053, %mul3A_1054 : vector<16xf32>
      %mul3A_1056 = arith.mulf %get3A_40, %get3A_1013 : vector<16xf32>
      %add3A_1057 = arith.addf %add3A_1055, %mul3A_1056 : vector<16xf32>
      %mul3A_1058 = arith.mulf %get3A_44, %get3A_1017 : vector<16xf32>
      %add3A_1059 = arith.addf %add3A_1057, %mul3A_1058 : vector<16xf32>
      %mul3A_1060 = arith.mulf %get3A_48, %get3A_1021 : vector<16xf32>
      %add3A_1061 = arith.addf %add3A_1059, %mul3A_1060 : vector<16xf32>
      %mul3A_1062 = arith.mulf %get3A_52, %get3A_1025 : vector<16xf32>
      %add3A_1063 = arith.addf %add3A_1061, %mul3A_1062 : vector<16xf32>
      %mul3A_1064 = arith.mulf %get3A_56, %get3A_1029 : vector<16xf32>
      %add3A_1065 = arith.addf %add3A_1063, %mul3A_1064 : vector<16xf32>
      %mul3A_1066 = arith.mulf %get3A_60, %get3A_1033 : vector<16xf32>
      %add3A_1067 = arith.addf %add3A_1065, %mul3A_1066 : vector<16xf32>
      %swap3A_1068 = arith.constant 10 : i32
      %swap3A_1069 = arith.index_cast %swap3A_1068 : i32 to index
      %swap3A_1070 = arith.constant 0 : index
      %swap3A_1071 = tpu.vector_load %arg17[%swap3A_1069, %swap3A_1070] {strides = array<i32>} : memref<16x16xf32, #tpu.memory_space<vmem>>, vector<16xf32>,
      tpu.vector_store %arg17[%swap3A_1069, %swap3A_1070], %add3A_1067 {strides = array<i32>} : memref<16x16xf32, #tpu.memory_space<vmem>>, vector<16xf32>,
      %get3A_1072 = arith.constant 11 : i32
      %get3A_1073 = arith.index_cast %get3A_1072 : i32 to index
      %get3A_1074 = arith.constant 0 : index
      %get3A_1075 = tpu.vector_load %arg13[%get3A_1073, %get3A_1074] {strides = array<i32>} : memref<16x128xf32, #tpu.memory_space<vmem>>, vector<16xf32>,
      %get3A_1076 = arith.constant 11 : i32
      %get3A_1077 = arith.index_cast %get3A_1076 : i32 to index
      %get3A_1078 = arith.constant 16 : index
      %get3A_1079 = tpu.vector_load %arg13[%get3A_1077, %get3A_1078] {strides = array<i32>} : memref<16x128xf32, #tpu.memory_space<vmem>>, vector<16xf32>,
      %get3A_1080 = arith.constant 11 : i32
      %get3A_1081 = arith.index_cast %get3A_1080 : i32 to index
      %get3A_1082 = arith.constant 32 : index
      %get3A_1083 = tpu.vector_load %arg13[%get3A_1081, %get3A_1082] {strides = array<i32>} : memref<16x128xf32, #tpu.memory_space<vmem>>, vector<16xf32>,
      %get3A_1084 = arith.constant 11 : i32
      %get3A_1085 = arith.index_cast %get3A_1084 : i32 to index
      %get3A_1086 = arith.constant 48 : index
      %get3A_1087 = tpu.vector_load %arg13[%get3A_1085, %get3A_1086] {strides = array<i32>} : memref<16x128xf32, #tpu.memory_space<vmem>>, vector<16xf32>,
      %get3A_1088 = arith.constant 11 : i32
      %get3A_1089 = arith.index_cast %get3A_1088 : i32 to index
      %get3A_1090 = arith.constant 64 : index
      %get3A_1091 = tpu.vector_load %arg13[%get3A_1089, %get3A_1090] {strides = array<i32>} : memref<16x128xf32, #tpu.memory_space<vmem>>, vector<16xf32>,
      %get3A_1092 = arith.constant 11 : i32
      %get3A_1093 = arith.index_cast %get3A_1092 : i32 to index
      %get3A_1094 = arith.constant 80 : index
      %get3A_1095 = tpu.vector_load %arg13[%get3A_1093, %get3A_1094] {strides = array<i32>} : memref<16x128xf32, #tpu.memory_space<vmem>>, vector<16xf32>,
      %get3A_1096 = arith.constant 11 : i32
      %get3A_1097 = arith.index_cast %get3A_1096 : i32 to index
      %get3A_1098 = arith.constant 96 : index
      %get3A_1099 = tpu.vector_load %arg13[%get3A_1097, %get3A_1098] {strides = array<i32>} : memref<16x128xf32, #tpu.memory_space<vmem>>, vector<16xf32>,
      %get3A_1100 = arith.constant 11 : i32
      %get3A_1101 = arith.index_cast %get3A_1100 : i32 to index
      %get3A_1102 = arith.constant 112 : index
      %get3A_1103 = tpu.vector_load %arg13[%get3A_1101, %get3A_1102] {strides = array<i32>} : memref<16x128xf32, #tpu.memory_space<vmem>>, vector<16xf32>,
      %mul3A_1104 = arith.mulf %get3A_1075, %get3A_1075 : vector<16xf32>
      %mul3A_1105 = arith.mulf %get3A_1079, %get3A_1079 : vector<16xf32>
      %add3A_1106 = arith.addf %mul3A_1104, %mul3A_1105 : vector<16xf32>
      %mul3A_1107 = arith.mulf %get3A_1083, %get3A_1083 : vector<16xf32>
      %add3A_1108 = arith.addf %add3A_1106, %mul3A_1107 : vector<16xf32>
      %mul3A_1109 = arith.mulf %get3A_1087, %get3A_1087 : vector<16xf32>
      %add3A_1110 = arith.addf %add3A_1108, %mul3A_1109 : vector<16xf32>
      %mul3A_1111 = arith.mulf %get3A_1091, %get3A_1091 : vector<16xf32>
      %add3A_1112 = arith.addf %add3A_1110, %mul3A_1111 : vector<16xf32>
      %mul3A_1113 = arith.mulf %get3A_1095, %get3A_1095 : vector<16xf32>
      %add3A_1114 = arith.addf %add3A_1112, %mul3A_1113 : vector<16xf32>
      %mul3A_1115 = arith.mulf %get3A_1099, %get3A_1099 : vector<16xf32>
      %add3A_1116 = arith.addf %add3A_1114, %mul3A_1115 : vector<16xf32>
      %mul3A_1117 = arith.mulf %get3A_1103, %get3A_1103 : vector<16xf32>
      %add3A_1118 = arith.addf %add3A_1116, %mul3A_1117 : vector<16xf32>
      %swap3A_1119 = arith.constant 11 : i32
      %swap3A_1120 = arith.index_cast %swap3A_1119 : i32 to index
      %swap3A_1121 = arith.constant 0 : index
      %swap3A_1122 = tpu.vector_load %arg16[%swap3A_1120, %swap3A_1121] {strides = array<i32>} : memref<16x16xf32, #tpu.memory_space<vmem>>, vector<16xf32>,
      tpu.vector_store %arg16[%swap3A_1120, %swap3A_1121], %add3A_1118 {strides = array<i32>} : memref<16x16xf32, #tpu.memory_space<vmem>>, vector<16xf32>,
      %mul3A_1123 = arith.mulf %get3A_32, %get3A_1075 : vector<16xf32>
      %mul3A_1124 = arith.mulf %get3A_36, %get3A_1079 : vector<16xf32>
      %add3A_1125 = arith.addf %mul3A_1123, %mul3A_1124 : vector<16xf32>
      %mul3A_1126 = arith.mulf %get3A_40, %get3A_1083 : vector<16xf32>
      %add3A_1127 = arith.addf %add3A_1125, %mul3A_1126 : vector<16xf32>
      %mul3A_1128 = arith.mulf %get3A_44, %get3A_1087 : vector<16xf32>
      %add3A_1129 = arith.addf %add3A_1127, %mul3A_1128 : vector<16xf32>
      %mul3A_1130 = arith.mulf %get3A_48, %get3A_1091 : vector<16xf32>
      %add3A_1131 = arith.addf %add3A_1129, %mul3A_1130 : vector<16xf32>
      %mul3A_1132 = arith.mulf %get3A_52, %get3A_1095 : vector<16xf32>
      %add3A_1133 = arith.addf %add3A_1131, %mul3A_1132 : vector<16xf32>
      %mul3A_1134 = arith.mulf %get3A_56, %get3A_1099 : vector<16xf32>
      %add3A_1135 = arith.addf %add3A_1133, %mul3A_1134 : vector<16xf32>
      %mul3A_1136 = arith.mulf %get3A_60, %get3A_1103 : vector<16xf32>
      %add3A_1137 = arith.addf %add3A_1135, %mul3A_1136 : vector<16xf32>
      %swap3A_1138 = arith.constant 11 : i32
      %swap3A_1139 = arith.index_cast %swap3A_1138 : i32 to index
      %swap3A_1140 = arith.constant 0 : index
      %swap3A_1141 = tpu.vector_load %arg17[%swap3A_1139, %swap3A_1140] {strides = array<i32>} : memref<16x16xf32, #tpu.memory_space<vmem>>, vector<16xf32>,
      tpu.vector_store %arg17[%swap3A_1139, %swap3A_1140], %add3A_1137 {strides = array<i32>} : memref<16x16xf32, #tpu.memory_space<vmem>>, vector<16xf32>,
      %get3A_1142 = arith.constant 12 : i32
      %get3A_1143 = arith.index_cast %get3A_1142 : i32 to index
      %get3A_1144 = arith.constant 0 : index
      %get3A_1145 = tpu.vector_load %arg13[%get3A_1143, %get3A_1144] {strides = array<i32>} : memref<16x128xf32, #tpu.memory_space<vmem>>, vector<16xf32>,
      %get3A_1146 = arith.constant 12 : i32
      %get3A_1147 = arith.index_cast %get3A_1146 : i32 to index
      %get3A_1148 = arith.constant 16 : index
      %get3A_1149 = tpu.vector_load %arg13[%get3A_1147, %get3A_1148] {strides = array<i32>} : memref<16x128xf32, #tpu.memory_space<vmem>>, vector<16xf32>,
      %get3A_1150 = arith.constant 12 : i32
      %get3A_1151 = arith.index_cast %get3A_1150 : i32 to index
      %get3A_1152 = arith.constant 32 : index
      %get3A_1153 = tpu.vector_load %arg13[%get3A_1151, %get3A_1152] {strides = array<i32>} : memref<16x128xf32, #tpu.memory_space<vmem>>, vector<16xf32>,
      %get3A_1154 = arith.constant 12 : i32
      %get3A_1155 = arith.index_cast %get3A_1154 : i32 to index
      %get3A_1156 = arith.constant 48 : index
      %get3A_1157 = tpu.vector_load %arg13[%get3A_1155, %get3A_1156] {strides = array<i32>} : memref<16x128xf32, #tpu.memory_space<vmem>>, vector<16xf32>,
      %get3A_1158 = arith.constant 12 : i32
      %get3A_1159 = arith.index_cast %get3A_1158 : i32 to index
      %get3A_1160 = arith.constant 64 : index
      %get3A_1161 = tpu.vector_load %arg13[%get3A_1159, %get3A_1160] {strides = array<i32>} : memref<16x128xf32, #tpu.memory_space<vmem>>, vector<16xf32>,
      %get3A_1162 = arith.constant 12 : i32
      %get3A_1163 = arith.index_cast %get3A_1162 : i32 to index
      %get3A_1164 = arith.constant 80 : index
      %get3A_1165 = tpu.vector_load %arg13[%get3A_1163, %get3A_1164] {strides = array<i32>} : memref<16x128xf32, #tpu.memory_space<vmem>>, vector<16xf32>,
      %get3A_1166 = arith.constant 12 : i32
      %get3A_1167 = arith.index_cast %get3A_1166 : i32 to index
      %get3A_1168 = arith.constant 96 : index
      %get3A_1169 = tpu.vector_load %arg13[%get3A_1167, %get3A_1168] {strides = array<i32>} : memref<16x128xf32, #tpu.memory_space<vmem>>, vector<16xf32>,
      %get3A_1170 = arith.constant 12 : i32
      %get3A_1171 = arith.index_cast %get3A_1170 : i32 to index
      %get3A_1172 = arith.constant 112 : index
      %get3A_1173 = tpu.vector_load %arg13[%get3A_1171, %get3A_1172] {strides = array<i32>} : memref<16x128xf32, #tpu.memory_space<vmem>>, vector<16xf32>,
      %mul3A_1174 = arith.mulf %get3A_1145, %get3A_1145 : vector<16xf32>
      %mul3A_1175 = arith.mulf %get3A_1149, %get3A_1149 : vector<16xf32>
      %add3A_1176 = arith.addf %mul3A_1174, %mul3A_1175 : vector<16xf32>
      %mul3A_1177 = arith.mulf %get3A_1153, %get3A_1153 : vector<16xf32>
      %add3A_1178 = arith.addf %add3A_1176, %mul3A_1177 : vector<16xf32>
      %mul3A_1179 = arith.mulf %get3A_1157, %get3A_1157 : vector<16xf32>
      %add3A_1180 = arith.addf %add3A_1178, %mul3A_1179 : vector<16xf32>
      %mul3A_1181 = arith.mulf %get3A_1161, %get3A_1161 : vector<16xf32>
      %add3A_1182 = arith.addf %add3A_1180, %mul3A_1181 : vector<16xf32>
      %mul3A_1183 = arith.mulf %get3A_1165, %get3A_1165 : vector<16xf32>
      %add3A_1184 = arith.addf %add3A_1182, %mul3A_1183 : vector<16xf32>
      %mul3A_1185 = arith.mulf %get3A_1169, %get3A_1169 : vector<16xf32>
      %add3A_1186 = arith.addf %add3A_1184, %mul3A_1185 : vector<16xf32>
      %mul3A_1187 = arith.mulf %get3A_1173, %get3A_1173 : vector<16xf32>
      %add3A_1188 = arith.addf %add3A_1186, %mul3A_1187 : vector<16xf32>
      %swap3A_1189 = arith.constant 12 : i32
      %swap3A_1190 = arith.index_cast %swap3A_1189 : i32 to index
      %swap3A_1191 = arith.constant 0 : index
      %swap3A_1192 = tpu.vector_load %arg16[%swap3A_1190, %swap3A_1191] {strides = array<i32>} : memref<16x16xf32, #tpu.memory_space<vmem>>, vector<16xf32>,
      tpu.vector_store %arg16[%swap3A_1190, %swap3A_1191], %add3A_1188 {strides = array<i32>} : memref<16x16xf32, #tpu.memory_space<vmem>>, vector<16xf32>,
      %mul3A_1193 = arith.mulf %get3A_32, %get3A_1145 : vector<16xf32>
      %mul3A_1194 = arith.mulf %get3A_36, %get3A_1149 : vector<16xf32>
      %add3A_1195 = arith.addf %mul3A_1193, %mul3A_1194 : vector<16xf32>
      %mul3A_1196 = arith.mulf %get3A_40, %get3A_1153 : vector<16xf32>
      %add3A_1197 = arith.addf %add3A_1195, %mul3A_1196 : vector<16xf32>
      %mul3A_1198 = arith.mulf %get3A_44, %get3A_1157 : vector<16xf32>
      %add3A_1199 = arith.addf %add3A_1197, %mul3A_1198 : vector<16xf32>
      %mul3A_1200 = arith.mulf %get3A_48, %get3A_1161 : vector<16xf32>
      %add3A_1201 = arith.addf %add3A_1199, %mul3A_1200 : vector<16xf32>
      %mul3A_1202 = arith.mulf %get3A_52, %get3A_1165 : vector<16xf32>
      %add3A_1203 = arith.addf %add3A_1201, %mul3A_1202 : vector<16xf32>
      %mul3A_1204 = arith.mulf %get3A_56, %get3A_1169 : vector<16xf32>
      %add3A_1205 = arith.addf %add3A_1203, %mul3A_1204 : vector<16xf32>
      %mul3A_1206 = arith.mulf %get3A_60, %get3A_1173 : vector<16xf32>
      %add3A_1207 = arith.addf %add3A_1205, %mul3A_1206 : vector<16xf32>
      %swap3A_1208 = arith.constant 12 : i32
      %swap3A_1209 = arith.index_cast %swap3A_1208 : i32 to index
      %swap3A_1210 = arith.constant 0 : index
      %swap3A_1211 = tpu.vector_load %arg17[%swap3A_1209, %swap3A_1210] {strides = array<i32>} : memref<16x16xf32, #tpu.memory_space<vmem>>, vector<16xf32>,
      tpu.vector_store %arg17[%swap3A_1209, %swap3A_1210], %add3A_1207 {strides = array<i32>} : memref<16x16xf32, #tpu.memory_space<vmem>>, vector<16xf32>,
      %get3A_1212 = arith.constant 13 : i32
      %get3A_1213 = arith.index_cast %get3A_1212 : i32 to index
      %get3A_1214 = arith.constant 0 : index
      %get3A_1215 = tpu.vector_load %arg13[%get3A_1213, %get3A_1214] {strides = array<i32>} : memref<16x128xf32, #tpu.memory_space<vmem>>, vector<16xf32>,
      %get3A_1216 = arith.constant 13 : i32
      %get3A_1217 = arith.index_cast %get3A_1216 : i32 to index
      %get3A_1218 = arith.constant 16 : index
      %get3A_1219 = tpu.vector_load %arg13[%get3A_1217, %get3A_1218] {strides = array<i32>} : memref<16x128xf32, #tpu.memory_space<vmem>>, vector<16xf32>,
      %get3A_1220 = arith.constant 13 : i32
      %get3A_1221 = arith.index_cast %get3A_1220 : i32 to index
      %get3A_1222 = arith.constant 32 : index
      %get3A_1223 = tpu.vector_load %arg13[%get3A_1221, %get3A_1222] {strides = array<i32>} : memref<16x128xf32, #tpu.memory_space<vmem>>, vector<16xf32>,
      %get3A_1224 = arith.constant 13 : i32
      %get3A_1225 = arith.index_cast %get3A_1224 : i32 to index
      %get3A_1226 = arith.constant 48 : index
      %get3A_1227 = tpu.vector_load %arg13[%get3A_1225, %get3A_1226] {strides = array<i32>} : memref<16x128xf32, #tpu.memory_space<vmem>>, vector<16xf32>,
      %get3A_1228 = arith.constant 13 : i32
      %get3A_1229 = arith.index_cast %get3A_1228 : i32 to index
      %get3A_1230 = arith.constant 64 : index
      %get3A_1231 = tpu.vector_load %arg13[%get3A_1229, %get3A_1230] {strides = array<i32>} : memref<16x128xf32, #tpu.memory_space<vmem>>, vector<16xf32>,
      %get3A_1232 = arith.constant 13 : i32
      %get3A_1233 = arith.index_cast %get3A_1232 : i32 to index
      %get3A_1234 = arith.constant 80 : index
      %get3A_1235 = tpu.vector_load %arg13[%get3A_1233, %get3A_1234] {strides = array<i32>} : memref<16x128xf32, #tpu.memory_space<vmem>>, vector<16xf32>,
      %get3A_1236 = arith.constant 13 : i32
      %get3A_1237 = arith.index_cast %get3A_1236 : i32 to index
      %get3A_1238 = arith.constant 96 : index
      %get3A_1239 = tpu.vector_load %arg13[%get3A_1237, %get3A_1238] {strides = array<i32>} : memref<16x128xf32, #tpu.memory_space<vmem>>, vector<16xf32>,
      %get3A_1240 = arith.constant 13 : i32
      %get3A_1241 = arith.index_cast %get3A_1240 : i32 to index
      %get3A_1242 = arith.constant 112 : index
      %get3A_1243 = tpu.vector_load %arg13[%get3A_1241, %get3A_1242] {strides = array<i32>} : memref<16x128xf32, #tpu.memory_space<vmem>>, vector<16xf32>,
      %mul3A_1244 = arith.mulf %get3A_1215, %get3A_1215 : vector<16xf32>
      %mul3A_1245 = arith.mulf %get3A_1219, %get3A_1219 : vector<16xf32>
      %add3A_1246 = arith.addf %mul3A_1244, %mul3A_1245 : vector<16xf32>
      %mul3A_1247 = arith.mulf %get3A_1223, %get3A_1223 : vector<16xf32>
      %add3A_1248 = arith.addf %add3A_1246, %mul3A_1247 : vector<16xf32>
      %mul3A_1249 = arith.mulf %get3A_1227, %get3A_1227 : vector<16xf32>
      %add3A_1250 = arith.addf %add3A_1248, %mul3A_1249 : vector<16xf32>
      %mul3A_1251 = arith.mulf %get3A_1231, %get3A_1231 : vector<16xf32>
      %add3A_1252 = arith.addf %add3A_1250, %mul3A_1251 : vector<16xf32>
      %mul3A_1253 = arith.mulf %get3A_1235, %get3A_1235 : vector<16xf32>
      %add3A_1254 = arith.addf %add3A_1252, %mul3A_1253 : vector<16xf32>
      %mul3A_1255 = arith.mulf %get3A_1239, %get3A_1239 : vector<16xf32>
      %add3A_1256 = arith.addf %add3A_1254, %mul3A_1255 : vector<16xf32>
      %mul3A_1257 = arith.mulf %get3A_1243, %get3A_1243 : vector<16xf32>
      %add3A_1258 = arith.addf %add3A_1256, %mul3A_1257 : vector<16xf32>
      %swap3A_1259 = arith.constant 13 : i32
      %swap3A_1260 = arith.index_cast %swap3A_1259 : i32 to index
      %swap3A_1261 = arith.constant 0 : index
      %swap3A_1262 = tpu.vector_load %arg16[%swap3A_1260, %swap3A_1261] {strides = array<i32>} : memref<16x16xf32, #tpu.memory_space<vmem>>, vector<16xf32>,
      tpu.vector_store %arg16[%swap3A_1260, %swap3A_1261], %add3A_1258 {strides = array<i32>} : memref<16x16xf32, #tpu.memory_space<vmem>>, vector<16xf32>,
      %mul3A_1263 = arith.mulf %get3A_32, %get3A_1215 : vector<16xf32>
      %mul3A_1264 = arith.mulf %get3A_36, %get3A_1219 : vector<16xf32>
      %add3A_1265 = arith.addf %mul3A_1263, %mul3A_1264 : vector<16xf32>
      %mul3A_1266 = arith.mulf %get3A_40, %get3A_1223 : vector<16xf32>
      %add3A_1267 = arith.addf %add3A_1265, %mul3A_1266 : vector<16xf32>
      %mul3A_1268 = arith.mulf %get3A_44, %get3A_1227 : vector<16xf32>
      %add3A_1269 = arith.addf %add3A_1267, %mul3A_1268 : vector<16xf32>
      %mul3A_1270 = arith.mulf %get3A_48, %get3A_1231 : vector<16xf32>
      %add3A_1271 = arith.addf %add3A_1269, %mul3A_1270 : vector<16xf32>
      %mul3A_1272 = arith.mulf %get3A_52, %get3A_1235 : vector<16xf32>
      %add3A_1273 = arith.addf %add3A_1271, %mul3A_1272 : vector<16xf32>
      %mul3A_1274 = arith.mulf %get3A_56, %get3A_1239 : vector<16xf32>
      %add3A_1275 = arith.addf %add3A_1273, %mul3A_1274 : vector<16xf32>
      %mul3A_1276 = arith.mulf %get3A_60, %get3A_1243 : vector<16xf32>
      %add3A_1277 = arith.addf %add3A_1275, %mul3A_1276 : vector<16xf32>
      %swap3A_1278 = arith.constant 13 : i32
      %swap3A_1279 = arith.index_cast %swap3A_1278 : i32 to index
      %swap3A_1280 = arith.constant 0 : index
      %swap3A_1281 = tpu.vector_load %arg17[%swap3A_1279, %swap3A_1280] {strides = array<i32>} : memref<16x16xf32, #tpu.memory_space<vmem>>, vector<16xf32>,
      tpu.vector_store %arg17[%swap3A_1279, %swap3A_1280], %add3A_1277 {strides = array<i32>} : memref<16x16xf32, #tpu.memory_space<vmem>>, vector<16xf32>,
      %get3A_1282 = arith.constant 14 : i32
      %get3A_1283 = arith.index_cast %get3A_1282 : i32 to index
      %get3A_1284 = arith.constant 0 : index
      %get3A_1285 = tpu.vector_load %arg13[%get3A_1283, %get3A_1284] {strides = array<i32>} : memref<16x128xf32, #tpu.memory_space<vmem>>, vector<16xf32>,
      %get3A_1286 = arith.constant 14 : i32
      %get3A_1287 = arith.index_cast %get3A_1286 : i32 to index
      %get3A_1288 = arith.constant 16 : index
      %get3A_1289 = tpu.vector_load %arg13[%get3A_1287, %get3A_1288] {strides = array<i32>} : memref<16x128xf32, #tpu.memory_space<vmem>>, vector<16xf32>,
      %get3A_1290 = arith.constant 14 : i32
      %get3A_1291 = arith.index_cast %get3A_1290 : i32 to index
      %get3A_1292 = arith.constant 32 : index
      %get3A_1293 = tpu.vector_load %arg13[%get3A_1291, %get3A_1292] {strides = array<i32>} : memref<16x128xf32, #tpu.memory_space<vmem>>, vector<16xf32>,
      %get3A_1294 = arith.constant 14 : i32
      %get3A_1295 = arith.index_cast %get3A_1294 : i32 to index
      %get3A_1296 = arith.constant 48 : index
      %get3A_1297 = tpu.vector_load %arg13[%get3A_1295, %get3A_1296] {strides = array<i32>} : memref<16x128xf32, #tpu.memory_space<vmem>>, vector<16xf32>,
      %get3A_1298 = arith.constant 14 : i32
      %get3A_1299 = arith.index_cast %get3A_1298 : i32 to index
      %get3A_1300 = arith.constant 64 : index
      %get3A_1301 = tpu.vector_load %arg13[%get3A_1299, %get3A_1300] {strides = array<i32>} : memref<16x128xf32, #tpu.memory_space<vmem>>, vector<16xf32>,
      %get3A_1302 = arith.constant 14 : i32
      %get3A_1303 = arith.index_cast %get3A_1302 : i32 to index
      %get3A_1304 = arith.constant 80 : index
      %get3A_1305 = tpu.vector_load %arg13[%get3A_1303, %get3A_1304] {strides = array<i32>} : memref<16x128xf32, #tpu.memory_space<vmem>>, vector<16xf32>,
      %get3A_1306 = arith.constant 14 : i32
      %get3A_1307 = arith.index_cast %get3A_1306 : i32 to index
      %get3A_1308 = arith.constant 96 : index
      %get3A_1309 = tpu.vector_load %arg13[%get3A_1307, %get3A_1308] {strides = array<i32>} : memref<16x128xf32, #tpu.memory_space<vmem>>, vector<16xf32>,
      %get3A_1310 = arith.constant 14 : i32
      %get3A_1311 = arith.index_cast %get3A_1310 : i32 to index
      %get3A_1312 = arith.constant 112 : index
      %get3A_1313 = tpu.vector_load %arg13[%get3A_1311, %get3A_1312] {strides = array<i32>} : memref<16x128xf32, #tpu.memory_space<vmem>>, vector<16xf32>,
      %mul3A_1314 = arith.mulf %get3A_1285, %get3A_1285 : vector<16xf32>
      %mul3A_1315 = arith.mulf %get3A_1289, %get3A_1289 : vector<16xf32>
      %add3A_1316 = arith.addf %mul3A_1314, %mul3A_1315 : vector<16xf32>
      %mul3A_1317 = arith.mulf %get3A_1293, %get3A_1293 : vector<16xf32>
      %add3A_1318 = arith.addf %add3A_1316, %mul3A_1317 : vector<16xf32>
      %mul3A_1319 = arith.mulf %get3A_1297, %get3A_1297 : vector<16xf32>
      %add3A_1320 = arith.addf %add3A_1318, %mul3A_1319 : vector<16xf32>
      %mul3A_1321 = arith.mulf %get3A_1301, %get3A_1301 : vector<16xf32>
      %add3A_1322 = arith.addf %add3A_1320, %mul3A_1321 : vector<16xf32>
      %mul3A_1323 = arith.mulf %get3A_1305, %get3A_1305 : vector<16xf32>
      %add3A_1324 = arith.addf %add3A_1322, %mul3A_1323 : vector<16xf32>
      %mul3A_1325 = arith.mulf %get3A_1309, %get3A_1309 : vector<16xf32>
      %add3A_1326 = arith.addf %add3A_1324, %mul3A_1325 : vector<16xf32>
      %mul3A_1327 = arith.mulf %get3A_1313, %get3A_1313 : vector<16xf32>
      %add3A_1328 = arith.addf %add3A_1326, %mul3A_1327 : vector<16xf32>
      %swap3A_1329 = arith.constant 14 : i32
      %swap3A_1330 = arith.index_cast %swap3A_1329 : i32 to index
      %swap3A_1331 = arith.constant 0 : index
      %swap3A_1332 = tpu.vector_load %arg16[%swap3A_1330, %swap3A_1331] {strides = array<i32>} : memref<16x16xf32, #tpu.memory_space<vmem>>, vector<16xf32>,
      tpu.vector_store %arg16[%swap3A_1330, %swap3A_1331], %add3A_1328 {strides = array<i32>} : memref<16x16xf32, #tpu.memory_space<vmem>>, vector<16xf32>,
      %mul3A_1333 = arith.mulf %get3A_32, %get3A_1285 : vector<16xf32>
      %mul3A_1334 = arith.mulf %get3A_36, %get3A_1289 : vector<16xf32>
      %add3A_1335 = arith.addf %mul3A_1333, %mul3A_1334 : vector<16xf32>
      %mul3A_1336 = arith.mulf %get3A_40, %get3A_1293 : vector<16xf32>
      %add3A_1337 = arith.addf %add3A_1335, %mul3A_1336 : vector<16xf32>
      %mul3A_1338 = arith.mulf %get3A_44, %get3A_1297 : vector<16xf32>
      %add3A_1339 = arith.addf %add3A_1337, %mul3A_1338 : vector<16xf32>
      %mul3A_1340 = arith.mulf %get3A_48, %get3A_1301 : vector<16xf32>
      %add3A_1341 = arith.addf %add3A_1339, %mul3A_1340 : vector<16xf32>
      %mul3A_1342 = arith.mulf %get3A_52, %get3A_1305 : vector<16xf32>
      %add3A_1343 = arith.addf %add3A_1341, %mul3A_1342 : vector<16xf32>
      %mul3A_1344 = arith.mulf %get3A_56, %get3A_1309 : vector<16xf32>
      %add3A_1345 = arith.addf %add3A_1343, %mul3A_1344 : vector<16xf32>
      %mul3A_1346 = arith.mulf %get3A_60, %get3A_1313 : vector<16xf32>
      %add3A_1347 = arith.addf %add3A_1345, %mul3A_1346 : vector<16xf32>
      %swap3A_1348 = arith.constant 14 : i32
      %swap3A_1349 = arith.index_cast %swap3A_1348 : i32 to index
      %swap3A_1350 = arith.constant 0 : index
      %swap3A_1351 = tpu.vector_load %arg17[%swap3A_1349, %swap3A_1350] {strides = array<i32>} : memref<16x16xf32, #tpu.memory_space<vmem>>, vector<16xf32>,
      tpu.vector_store %arg17[%swap3A_1349, %swap3A_1350], %add3A_1347 {strides = array<i32>} : memref<16x16xf32, #tpu.memory_space<vmem>>, vector<16xf32>,
      %get3A_1352 = arith.constant 15 : i32
      %get3A_1353 = arith.index_cast %get3A_1352 : i32 to index
      %get3A_1354 = arith.constant 0 : index
      %get3A_1355 = tpu.vector_load %arg13[%get3A_1353, %get3A_1354] {strides = array<i32>} : memref<16x128xf32, #tpu.memory_space<vmem>>, vector<16xf32>,
      %get3A_1356 = arith.constant 15 : i32
      %get3A_1357 = arith.index_cast %get3A_1356 : i32 to index
      %get3A_1358 = arith.constant 16 : index
      %get3A_1359 = tpu.vector_load %arg13[%get3A_1357, %get3A_1358] {strides = array<i32>} : memref<16x128xf32, #tpu.memory_space<vmem>>, vector<16xf32>,
      %get3A_1360 = arith.constant 15 : i32
      %get3A_1361 = arith.index_cast %get3A_1360 : i32 to index
      %get3A_1362 = arith.constant 32 : index
      %get3A_1363 = tpu.vector_load %arg13[%get3A_1361, %get3A_1362] {strides = array<i32>} : memref<16x128xf32, #tpu.memory_space<vmem>>, vector<16xf32>,
      %get3A_1364 = arith.constant 15 : i32
      %get3A_1365 = arith.index_cast %get3A_1364 : i32 to index
      %get3A_1366 = arith.constant 48 : index
      %get3A_1367 = tpu.vector_load %arg13[%get3A_1365, %get3A_1366] {strides = array<i32>} : memref<16x128xf32, #tpu.memory_space<vmem>>, vector<16xf32>,
      %get3A_1368 = arith.constant 15 : i32
      %get3A_1369 = arith.index_cast %get3A_1368 : i32 to index
      %get3A_1370 = arith.constant 64 : index
      %get3A_1371 = tpu.vector_load %arg13[%get3A_1369, %get3A_1370] {strides = array<i32>} : memref<16x128xf32, #tpu.memory_space<vmem>>, vector<16xf32>,
      %get3A_1372 = arith.constant 15 : i32
      %get3A_1373 = arith.index_cast %get3A_1372 : i32 to index
      %get3A_1374 = arith.constant 80 : index
      %get3A_1375 = tpu.vector_load %arg13[%get3A_1373, %get3A_1374] {strides = array<i32>} : memref<16x128xf32, #tpu.memory_space<vmem>>, vector<16xf32>,
      %get3A_1376 = arith.constant 15 : i32
      %get3A_1377 = arith.index_cast %get3A_1376 : i32 to index
      %get3A_1378 = arith.constant 96 : index
      %get3A_1379 = tpu.vector_load %arg13[%get3A_1377, %get3A_1378] {strides = array<i32>} : memref<16x128xf32, #tpu.memory_space<vmem>>, vector<16xf32>,
      %get3A_1380 = arith.constant 15 : i32
      %get3A_1381 = arith.index_cast %get3A_1380 : i32 to index
      %get3A_1382 = arith.constant 112 : index
      %get3A_1383 = tpu.vector_load %arg13[%get3A_1381, %get3A_1382] {strides = array<i32>} : memref<16x128xf32, #tpu.memory_space<vmem>>, vector<16xf32>,
      %mul3A_1384 = arith.mulf %get3A_1355, %get3A_1355 : vector<16xf32>
      %mul3A_1385 = arith.mulf %get3A_1359, %get3A_1359 : vector<16xf32>
      %add3A_1386 = arith.addf %mul3A_1384, %mul3A_1385 : vector<16xf32>
      %mul3A_1387 = arith.mulf %get3A_1363, %get3A_1363 : vector<16xf32>
      %add3A_1388 = arith.addf %add3A_1386, %mul3A_1387 : vector<16xf32>
      %mul3A_1389 = arith.mulf %get3A_1367, %get3A_1367 : vector<16xf32>
      %add3A_1390 = arith.addf %add3A_1388, %mul3A_1389 : vector<16xf32>
      %mul3A_1391 = arith.mulf %get3A_1371, %get3A_1371 : vector<16xf32>
      %add3A_1392 = arith.addf %add3A_1390, %mul3A_1391 : vector<16xf32>
      %mul3A_1393 = arith.mulf %get3A_1375, %get3A_1375 : vector<16xf32>
      %add3A_1394 = arith.addf %add3A_1392, %mul3A_1393 : vector<16xf32>
      %mul3A_1395 = arith.mulf %get3A_1379, %get3A_1379 : vector<16xf32>
      %add3A_1396 = arith.addf %add3A_1394, %mul3A_1395 : vector<16xf32>
      %mul3A_1397 = arith.mulf %get3A_1383, %get3A_1383 : vector<16xf32>
      %add3A_1398 = arith.addf %add3A_1396, %mul3A_1397 : vector<16xf32>
      %swap3A_1399 = arith.constant 15 : i32
      %swap3A_1400 = arith.index_cast %swap3A_1399 : i32 to index
      %swap3A_1401 = arith.constant 0 : index
      %swap3A_1402 = tpu.vector_load %arg16[%swap3A_1400, %swap3A_1401] {strides = array<i32>} : memref<16x16xf32, #tpu.memory_space<vmem>>, vector<16xf32>,
      tpu.vector_store %arg16[%swap3A_1400, %swap3A_1401], %add3A_1398 {strides = array<i32>} : memref<16x16xf32, #tpu.memory_space<vmem>>, vector<16xf32>,
      %mul3A_1403 = arith.mulf %get3A_32, %get3A_1355 : vector<16xf32>
      %mul3A_1404 = arith.mulf %get3A_36, %get3A_1359 : vector<16xf32>
      %add3A_1405 = arith.addf %mul3A_1403, %mul3A_1404 : vector<16xf32>
      %mul3A_1406 = arith.mulf %get3A_40, %get3A_1363 : vector<16xf32>
      %add3A_1407 = arith.addf %add3A_1405, %mul3A_1406 : vector<16xf32>
      %mul3A_1408 = arith.mulf %get3A_44, %get3A_1367 : vector<16xf32>
      %add3A_1409 = arith.addf %add3A_1407, %mul3A_1408 : vector<16xf32>
      %mul3A_1410 = arith.mulf %get3A_48, %get3A_1371 : vector<16xf32>
      %add3A_1411 = arith.addf %add3A_1409, %mul3A_1410 : vector<16xf32>
      %mul3A_1412 = arith.mulf %get3A_52, %get3A_1375 : vector<16xf32>
      %add3A_1413 = arith.addf %add3A_1411, %mul3A_1412 : vector<16xf32>
      %mul3A_1414 = arith.mulf %get3A_56, %get3A_1379 : vector<16xf32>
      %add3A_1415 = arith.addf %add3A_1413, %mul3A_1414 : vector<16xf32>
      %mul3A_1416 = arith.mulf %get3A_60, %get3A_1383 : vector<16xf32>
      %add3A_1417 = arith.addf %add3A_1415, %mul3A_1416 : vector<16xf32>
      %swap3A_1418 = arith.constant 15 : i32
      %swap3A_1419 = arith.index_cast %swap3A_1418 : i32 to index
      %swap3A_1420 = arith.constant 0 : index
      %swap3A_1421 = tpu.vector_load %arg17[%swap3A_1419, %swap3A_1420] {strides = array<i32>} : memref<16x16xf32, #tpu.memory_space<vmem>>, vector<16xf32>,
      tpu.vector_store %arg17[%swap3A_1419, %swap3A_1420], %add3A_1417 {strides = array<i32>} : memref<16x16xf32, #tpu.memory_space<vmem>>, vector<16xf32>,
      %broadcast_in_dim3A_1422 = arith.constant 0 : i32
      %broadcast_in_dim3A_1423 = vector.broadcast %broadcast_in_dim3A_1422 : i32 to vector<16xi32>
      %gather3A_1424 = tpu.vector_load_idx %arg16[%iota3A, %broadcast_in_dim3A_1423] : memref<16x16xf32, #tpu.memory_space<vmem>>[vector<16xi32>, vector<16xi32>], vector<16xf32>,
      %broadcast_in_dim3A_1425 = arith.constant 1 : i32
      %broadcast_in_dim3A_1426 = vector.broadcast %broadcast_in_dim3A_1425 : i32 to vector<16xi32>
      %gather3A_1427 = tpu.vector_load_idx %arg16[%iota3A, %broadcast_in_dim3A_1426] : memref<16x16xf32, #tpu.memory_space<vmem>>[vector<16xi32>, vector<16xi32>], vector<16xf32>,
      %add3A_1428 = arith.addf %gather3A_1424, %gather3A_1427 : vector<16xf32>
      %broadcast_in_dim3A_1429 = arith.constant 2 : i32
      %broadcast_in_dim3A_1430 = vector.broadcast %broadcast_in_dim3A_1429 : i32 to vector<16xi32>
      %gather3A_1431 = tpu.vector_load_idx %arg16[%iota3A, %broadcast_in_dim3A_1430] : memref<16x16xf32, #tpu.memory_space<vmem>>[vector<16xi32>, vector<16xi32>], vector<16xf32>,
      %add3A_1432 = arith.addf %add3A_1428, %gather3A_1431 : vector<16xf32>
      %broadcast_in_dim3A_1433 = arith.constant 3 : i32
      %broadcast_in_dim3A_1434 = vector.broadcast %broadcast_in_dim3A_1433 : i32 to vector<16xi32>
      %gather3A_1435 = tpu.vector_load_idx %arg16[%iota3A, %broadcast_in_dim3A_1434] : memref<16x16xf32, #tpu.memory_space<vmem>>[vector<16xi32>, vector<16xi32>], vector<16xf32>,
      %add3A_1436 = arith.addf %add3A_1432, %gather3A_1435 : vector<16xf32>
      %broadcast_in_dim3A_1437 = arith.constant 4 : i32
      %broadcast_in_dim3A_1438 = vector.broadcast %broadcast_in_dim3A_1437 : i32 to vector<16xi32>
      %gather3A_1439 = tpu.vector_load_idx %arg16[%iota3A, %broadcast_in_dim3A_1438] : memref<16x16xf32, #tpu.memory_space<vmem>>[vector<16xi32>, vector<16xi32>], vector<16xf32>,
      %add3A_1440 = arith.addf %add3A_1436, %gather3A_1439 : vector<16xf32>
      %broadcast_in_dim3A_1441 = arith.constant 5 : i32
      %broadcast_in_dim3A_1442 = vector.broadcast %broadcast_in_dim3A_1441 : i32 to vector<16xi32>
      %gather3A_1443 = tpu.vector_load_idx %arg16[%iota3A, %broadcast_in_dim3A_1442] : memref<16x16xf32, #tpu.memory_space<vmem>>[vector<16xi32>, vector<16xi32>], vector<16xf32>,
      %add3A_1444 = arith.addf %add3A_1440, %gather3A_1443 : vector<16xf32>
      %broadcast_in_dim3A_1445 = arith.constant 6 : i32
      %broadcast_in_dim3A_1446 = vector.broadcast %broadcast_in_dim3A_1445 : i32 to vector<16xi32>
      %gather3A_1447 = tpu.vector_load_idx %arg16[%iota3A, %broadcast_in_dim3A_1446] : memref<16x16xf32, #tpu.memory_space<vmem>>[vector<16xi32>, vector<16xi32>], vector<16xf32>,
      %add3A_1448 = arith.addf %add3A_1444, %gather3A_1447 : vector<16xf32>
      %broadcast_in_dim3A_1449 = arith.constant 7 : i32
      %broadcast_in_dim3A_1450 = vector.broadcast %broadcast_in_dim3A_1449 : i32 to vector<16xi32>
      %gather3A_1451 = tpu.vector_load_idx %arg16[%iota3A, %broadcast_in_dim3A_1450] : memref<16x16xf32, #tpu.memory_space<vmem>>[vector<16xi32>, vector<16xi32>], vector<16xf32>,
      %add3A_1452 = arith.addf %add3A_1448, %gather3A_1451 : vector<16xf32>
      %broadcast_in_dim3A_1453 = arith.constant 8 : i32
      %broadcast_in_dim3A_1454 = vector.broadcast %broadcast_in_dim3A_1453 : i32 to vector<16xi32>
      %gather3A_1455 = tpu.vector_load_idx %arg16[%iota3A, %broadcast_in_dim3A_1454] : memref<16x16xf32, #tpu.memory_space<vmem>>[vector<16xi32>, vector<16xi32>], vector<16xf32>,
      %add3A_1456 = arith.addf %add3A_1452, %gather3A_1455 : vector<16xf32>
      %broadcast_in_dim3A_1457 = arith.constant 9 : i32
      %broadcast_in_dim3A_1458 = vector.broadcast %broadcast_in_dim3A_1457 : i32 to vector<16xi32>
      %gather3A_1459 = tpu.vector_load_idx %arg16[%iota3A, %broadcast_in_dim3A_1458] : memref<16x16xf32, #tpu.memory_space<vmem>>[vector<16xi32>, vector<16xi32>], vector<16xf32>,
      %add3A_1460 = arith.addf %add3A_1456, %gather3A_1459 : vector<16xf32>
      %broadcast_in_dim3A_1461 = arith.constant 10 : i32
      %broadcast_in_dim3A_1462 = vector.broadcast %broadcast_in_dim3A_1461 : i32 to vector<16xi32>
      %gather3A_1463 = tpu.vector_load_idx %arg16[%iota3A, %broadcast_in_dim3A_1462] : memref<16x16xf32, #tpu.memory_space<vmem>>[vector<16xi32>, vector<16xi32>], vector<16xf32>,
      %add3A_1464 = arith.addf %add3A_1460, %gather3A_1463 : vector<16xf32>
      %broadcast_in_dim3A_1465 = arith.constant 11 : i32
      %broadcast_in_dim3A_1466 = vector.broadcast %broadcast_in_dim3A_1465 : i32 to vector<16xi32>
      %gather3A_1467 = tpu.vector_load_idx %arg16[%iota3A, %broadcast_in_dim3A_1466] : memref<16x16xf32, #tpu.memory_space<vmem>>[vector<16xi32>, vector<16xi32>], vector<16xf32>,
      %add3A_1468 = arith.addf %add3A_1464, %gather3A_1467 : vector<16xf32>
      %broadcast_in_dim3A_1469 = arith.constant 12 : i32
      %broadcast_in_dim3A_1470 = vector.broadcast %broadcast_in_dim3A_1469 : i32 to vector<16xi32>
      %gather3A_1471 = tpu.vector_load_idx %arg16[%iota3A, %broadcast_in_dim3A_1470] : memref<16x16xf32, #tpu.memory_space<vmem>>[vector<16xi32>, vector<16xi32>], vector<16xf32>,
      %add3A_1472 = arith.addf %add3A_1468, %gather3A_1471 : vector<16xf32>
      %broadcast_in_dim3A_1473 = arith.constant 13 : i32
      %broadcast_in_dim3A_1474 = vector.broadcast %broadcast_in_dim3A_1473 : i32 to vector<16xi32>
      %gather3A_1475 = tpu.vector_load_idx %arg16[%iota3A, %broadcast_in_dim3A_1474] : memref<16x16xf32, #tpu.memory_space<vmem>>[vector<16xi32>, vector<16xi32>], vector<16xf32>,
      %add3A_1476 = arith.addf %add3A_1472, %gather3A_1475 : vector<16xf32>
      %broadcast_in_dim3A_1477 = arith.constant 14 : i32
      %broadcast_in_dim3A_1478 = vector.broadcast %broadcast_in_dim3A_1477 : i32 to vector<16xi32>
      %gather3A_1479 = tpu.vector_load_idx %arg16[%iota3A, %broadcast_in_dim3A_1478] : memref<16x16xf32, #tpu.memory_space<vmem>>[vector<16xi32>, vector<16xi32>], vector<16xf32>,
      %add3A_1480 = arith.addf %add3A_1476, %gather3A_1479 : vector<16xf32>
      %broadcast_in_dim3A_1481 = arith.constant 15 : i32
      %broadcast_in_dim3A_1482 = vector.broadcast %broadcast_in_dim3A_1481 : i32 to vector<16xi32>
      %gather3A_1483 = tpu.vector_load_idx %arg16[%iota3A, %broadcast_in_dim3A_1482] : memref<16x16xf32, #tpu.memory_space<vmem>>[vector<16xi32>, vector<16xi32>], vector<16xf32>,
      %add3A_1484 = arith.addf %add3A_1480, %gather3A_1483 : vector<16xf32>
      %broadcast_in_dim3A_1485 = arith.constant 0 : i32
      %broadcast_in_dim3A_1486 = vector.broadcast %broadcast_in_dim3A_1485 : i32 to vector<16xi32>
      %gather3A_1487 = tpu.vector_load_idx %arg17[%iota3A, %broadcast_in_dim3A_1486] : memref<16x16xf32, #tpu.memory_space<vmem>>[vector<16xi32>, vector<16xi32>], vector<16xf32>,
      %broadcast_in_dim3A_1488 = arith.constant 1 : i32
      %broadcast_in_dim3A_1489 = vector.broadcast %broadcast_in_dim3A_1488 : i32 to vector<16xi32>
      %gather3A_1490 = tpu.vector_load_idx %arg17[%iota3A, %broadcast_in_dim3A_1489] : memref<16x16xf32, #tpu.memory_space<vmem>>[vector<16xi32>, vector<16xi32>], vector<16xf32>,
      %add3A_1491 = arith.addf %gather3A_1487, %gather3A_1490 : vector<16xf32>
      %broadcast_in_dim3A_1492 = arith.constant 2 : i32
      %broadcast_in_dim3A_1493 = vector.broadcast %broadcast_in_dim3A_1492 : i32 to vector<16xi32>
      %gather3A_1494 = tpu.vector_load_idx %arg17[%iota3A, %broadcast_in_dim3A_1493] : memref<16x16xf32, #tpu.memory_space<vmem>>[vector<16xi32>, vector<16xi32>], vector<16xf32>,
      %add3A_1495 = arith.addf %add3A_1491, %gather3A_1494 : vector<16xf32>
      %broadcast_in_dim3A_1496 = arith.constant 3 : i32
      %broadcast_in_dim3A_1497 = vector.broadcast %broadcast_in_dim3A_1496 : i32 to vector<16xi32>
      %gather3A_1498 = tpu.vector_load_idx %arg17[%iota3A, %broadcast_in_dim3A_1497] : memref<16x16xf32, #tpu.memory_space<vmem>>[vector<16xi32>, vector<16xi32>], vector<16xf32>,
      %add3A_1499 = arith.addf %add3A_1495, %gather3A_1498 : vector<16xf32>
      %broadcast_in_dim3A_1500 = arith.constant 4 : i32
      %broadcast_in_dim3A_1501 = vector.broadcast %broadcast_in_dim3A_1500 : i32 to vector<16xi32>
      %gather3A_1502 = tpu.vector_load_idx %arg17[%iota3A, %broadcast_in_dim3A_1501] : memref<16x16xf32, #tpu.memory_space<vmem>>[vector<16xi32>, vector<16xi32>], vector<16xf32>,
      %add3A_1503 = arith.addf %add3A_1499, %gather3A_1502 : vector<16xf32>
      %broadcast_in_dim3A_1504 = arith.constant 5 : i32
      %broadcast_in_dim3A_1505 = vector.broadcast %broadcast_in_dim3A_1504 : i32 to vector<16xi32>
      %gather3A_1506 = tpu.vector_load_idx %arg17[%iota3A, %broadcast_in_dim3A_1505] : memref<16x16xf32, #tpu.memory_space<vmem>>[vector<16xi32>, vector<16xi32>], vector<16xf32>,
      %add3A_1507 = arith.addf %add3A_1503, %gather3A_1506 : vector<16xf32>
      %broadcast_in_dim3A_1508 = arith.constant 6 : i32
      %broadcast_in_dim3A_1509 = vector.broadcast %broadcast_in_dim3A_1508 : i32 to vector<16xi32>
      %gather3A_1510 = tpu.vector_load_idx %arg17[%iota3A, %broadcast_in_dim3A_1509] : memref<16x16xf32, #tpu.memory_space<vmem>>[vector<16xi32>, vector<16xi32>], vector<16xf32>,
      %add3A_1511 = arith.addf %add3A_1507, %gather3A_1510 : vector<16xf32>
      %broadcast_in_dim3A_1512 = arith.constant 7 : i32
      %broadcast_in_dim3A_1513 = vector.broadcast %broadcast_in_dim3A_1512 : i32 to vector<16xi32>
      %gather3A_1514 = tpu.vector_load_idx %arg17[%iota3A, %broadcast_in_dim3A_1513] : memref<16x16xf32, #tpu.memory_space<vmem>>[vector<16xi32>, vector<16xi32>], vector<16xf32>,
      %add3A_1515 = arith.addf %add3A_1511, %gather3A_1514 : vector<16xf32>
      %broadcast_in_dim3A_1516 = arith.constant 8 : i32
      %broadcast_in_dim3A_1517 = vector.broadcast %broadcast_in_dim3A_1516 : i32 to vector<16xi32>
      %gather3A_1518 = tpu.vector_load_idx %arg17[%iota3A, %broadcast_in_dim3A_1517] : memref<16x16xf32, #tpu.memory_space<vmem>>[vector<16xi32>, vector<16xi32>], vector<16xf32>,
      %add3A_1519 = arith.addf %add3A_1515, %gather3A_1518 : vector<16xf32>
      %broadcast_in_dim3A_1520 = arith.constant 9 : i32
      %broadcast_in_dim3A_1521 = vector.broadcast %broadcast_in_dim3A_1520 : i32 to vector<16xi32>
      %gather3A_1522 = tpu.vector_load_idx %arg17[%iota3A, %broadcast_in_dim3A_1521] : memref<16x16xf32, #tpu.memory_space<vmem>>[vector<16xi32>, vector<16xi32>], vector<16xf32>,
      %add3A_1523 = arith.addf %add3A_1519, %gather3A_1522 : vector<16xf32>
      %broadcast_in_dim3A_1524 = arith.constant 10 : i32
      %broadcast_in_dim3A_1525 = vector.broadcast %broadcast_in_dim3A_1524 : i32 to vector<16xi32>
      %gather3A_1526 = tpu.vector_load_idx %arg17[%iota3A, %broadcast_in_dim3A_1525] : memref<16x16xf32, #tpu.memory_space<vmem>>[vector<16xi32>, vector<16xi32>], vector<16xf32>,
      %add3A_1527 = arith.addf %add3A_1523, %gather3A_1526 : vector<16xf32>
      %broadcast_in_dim3A_1528 = arith.constant 11 : i32
      %broadcast_in_dim3A_1529 = vector.broadcast %broadcast_in_dim3A_1528 : i32 to vector<16xi32>
      %gather3A_1530 = tpu.vector_load_idx %arg17[%iota3A, %broadcast_in_dim3A_1529] : memref<16x16xf32, #tpu.memory_space<vmem>>[vector<16xi32>, vector<16xi32>], vector<16xf32>,
      %add3A_1531 = arith.addf %add3A_1527, %gather3A_1530 : vector<16xf32>
      %broadcast_in_dim3A_1532 = arith.constant 12 : i32
      %broadcast_in_dim3A_1533 = vector.broadcast %broadcast_in_dim3A_1532 : i32 to vector<16xi32>
      %gather3A_1534 = tpu.vector_load_idx %arg17[%iota3A, %broadcast_in_dim3A_1533] : memref<16x16xf32, #tpu.memory_space<vmem>>[vector<16xi32>, vector<16xi32>], vector<16xf32>,
      %add3A_1535 = arith.addf %add3A_1531, %gather3A_1534 : vector<16xf32>
      %broadcast_in_dim3A_1536 = arith.constant 13 : i32
      %broadcast_in_dim3A_1537 = vector.broadcast %broadcast_in_dim3A_1536 : i32 to vector<16xi32>
      %gather3A_1538 = tpu.vector_load_idx %arg17[%iota3A, %broadcast_in_dim3A_1537] : memref<16x16xf32, #tpu.memory_space<vmem>>[vector<16xi32>, vector<16xi32>], vector<16xf32>,
      %add3A_1539 = arith.addf %add3A_1535, %gather3A_1538 : vector<16xf32>
      %broadcast_in_dim3A_1540 = arith.constant 14 : i32
      %broadcast_in_dim3A_1541 = vector.broadcast %broadcast_in_dim3A_1540 : i32 to vector<16xi32>
      %gather3A_1542 = tpu.vector_load_idx %arg17[%iota3A, %broadcast_in_dim3A_1541] : memref<16x16xf32, #tpu.memory_space<vmem>>[vector<16xi32>, vector<16xi32>], vector<16xf32>,
      %add3A_1543 = arith.addf %add3A_1539, %gather3A_1542 : vector<16xf32>
      %broadcast_in_dim3A_1544 = arith.constant 15 : i32
      %broadcast_in_dim3A_1545 = vector.broadcast %broadcast_in_dim3A_1544 : i32 to vector<16xi32>
      %gather3A_1546 = tpu.vector_load_idx %arg17[%iota3A, %broadcast_in_dim3A_1545] : memref<16x16xf32, #tpu.memory_space<vmem>>[vector<16xi32>, vector<16xi32>], vector<16xf32>,
      %add3A_1547 = arith.addf %add3A_1543, %gather3A_1546 : vector<16xf32>
      %sub3A_1548 = arith.constant 1.000000e+00 : f32
      %sub3A_1549 = vector.broadcast %sub3A_1548 : f32 to vector<16xf32>
      %sub3A_1550 = arith.subf %sub3A_1549, %add3A_1484 : vector<16xf32>
      %max3A_1551 = arith.constant 9.99999974E-6 : f32
      %max3A_1552 = vector.broadcast %max3A_1551 : f32 to vector<16xf32>
      %max3A_1553 = arith.maximumf %sub3A_1550, %max3A_1552 : vector<16xf32>
      %add3A_1554 = arith.addf %gather3A_200, %add3A_1484 : vector<16xf32>
      %mul3A_1555 = arith.constant 2.000000e+00 : f32
      %mul3A_1556 = vector.broadcast %mul3A_1555 : f32 to vector<16xf32>
      %mul3A_1557 = arith.mulf %mul3A_1556, %add3A_1547 : vector<16xf32>
      %sub3A_1558 = arith.subf %add3A_1554, %mul3A_1557 : vector<16xf32>
      %max3A_1559 = arith.constant 0.000000e+00 : f32
      %max3A_1560 = vector.broadcast %max3A_1559 : f32 to vector<16xf32>
      %max3A_1561 = arith.maximumf %sub3A_1558, %max3A_1560 : vector<16xf32>
      %mul3A_1562 = arith.constant 2.000000e+00 : f32
      %mul3A_1563 = vector.broadcast %mul3A_1562 : f32 to vector<16xf32>
      %mul3A_1564 = arith.mulf %mul3A_1563, %max3A_1561 : vector<16xf32>
      %mul3A_1565 = arith.mulf %max3A_210, %max3A_1553 : vector<16xf32>
      %div3A_1566 = arith.divf %mul3A_1564, %mul3A_1565 : vector<16xf32>
      %add3A_1567 = arith.constant 1.000000e+00 : f32
      %add3A_1568 = vector.broadcast %add3A_1567 : f32 to vector<16xf32>
      %add3A_1569 = arith.addf %add3A_1568, %div3A_1566 : vector<16xf32>
      %max3A_1570 = arith.constant 1.000010e+00 : f32
      %max3A_1571 = vector.broadcast %max3A_1570 : f32 to vector<16xf32>
      %max3A_1572 = arith.maximumf %add3A_1569, %max3A_1571 : vector<16xf32>
      %sub3A_1573 = arith.constant 1.000000e+00 : f32
      %sub3A_1574 = vector.broadcast %sub3A_1573 : f32 to vector<16xf32>
      %sub3A_1575 = arith.subf %max3A_1572, %sub3A_1574 : vector<16xf32>
      %add3A_1576 = arith.constant 1.000000e+00 : f32
      %add3A_1577 = vector.broadcast %add3A_1576 : f32 to vector<16xf32>
      %add3A_1578 = arith.addf %max3A_1572, %add3A_1577 : vector<16xf32>
      %mul3A_1579 = arith.mulf %sub3A_1575, %add3A_1578 : vector<16xf32>
      %bitcast_convert_type3A_1580 = tpu.bitcast %mul3A_1579 : vector<16xf32> -> vector<16xi32>
      %shift_right_logical3A_1581 = arith.constant 1 : i32
      %shift_right_logical3A_1582 = vector.broadcast %shift_right_logical3A_1581 : i32 to vector<16xi32>
      %shift_right_logical3A_1583 = arith.shrui %bitcast_convert_type3A_1580, %shift_right_logical3A_1582 : vector<16xi32>
      %sub3A_1584 = arith.constant 1597463007 : i32
      %sub3A_1585 = vector.broadcast %sub3A_1584 : i32 to vector<16xi32>
      %sub3A_1586 = arith.subi %sub3A_1585, %shift_right_logical3A_1583 : vector<16xi32>
      %bitcast_convert_type3A_1587 = tpu.bitcast %sub3A_1586 : vector<16xi32> -> vector<16xf32>
      %mul3A_1588 = arith.constant 5.000000e-01 : f32
      %mul3A_1589 = vector.broadcast %mul3A_1588 : f32 to vector<16xf32>
      %mul3A_1590 = arith.mulf %mul3A_1589, %mul3A_1579 : vector<16xf32>
      %mul3A_1591 = arith.mulf %mul3A_1590, %bitcast_convert_type3A_1587 : vector<16xf32>
      %mul3A_1592 = arith.mulf %mul3A_1591, %bitcast_convert_type3A_1587 : vector<16xf32>
      %sub3A_1593 = arith.constant 1.500000e+00 : f32
      %sub3A_1594 = vector.broadcast %sub3A_1593 : f32 to vector<16xf32>
      %sub3A_1595 = arith.subf %sub3A_1594, %mul3A_1592 : vector<16xf32>
      %mul3A_1596 = arith.mulf %bitcast_convert_type3A_1587, %sub3A_1595 : vector<16xf32>
      %mul3A_1597 = arith.mulf %mul3A_1590, %mul3A_1596 : vector<16xf32>
      %mul3A_1598 = arith.mulf %mul3A_1597, %mul3A_1596 : vector<16xf32>
      %sub3A_1599 = arith.constant 1.500000e+00 : f32
      %sub3A_1600 = vector.broadcast %sub3A_1599 : f32 to vector<16xf32>
      %sub3A_1601 = arith.subf %sub3A_1600, %mul3A_1598 : vector<16xf32>
      %mul3A_1602 = arith.mulf %mul3A_1596, %sub3A_1601 : vector<16xf32>
      %mul3A_1603 = arith.mulf %mul3A_1579, %mul3A_1602 : vector<16xf32>
      %add3A_1604 = arith.addf %sub3A_1575, %mul3A_1603 : vector<16xf32>
      %add3A_1605 = arith.constant 2.000000e+00 : f32
      %add3A_1606 = vector.broadcast %add3A_1605 : f32 to vector<16xf32>
      %add3A_1607 = arith.addf %add3A_1606, %add3A_1604 : vector<16xf32>
      %div3A_1608 = arith.divf %add3A_1604, %add3A_1607 : vector<16xf32>
      %mul3A_1609 = arith.mulf %div3A_1608, %div3A_1608 : vector<16xf32>
      %mul3A_1610 = arith.constant 0.142857149 : f32
      %mul3A_1611 = vector.broadcast %mul3A_1610 : f32 to vector<16xf32>
      %mul3A_1612 = arith.mulf %mul3A_1609, %mul3A_1611 : vector<16xf32>
      %add3A_1613 = arith.constant 2.000000e-01 : f32
      %add3A_1614 = vector.broadcast %add3A_1613 : f32 to vector<16xf32>
      %add3A_1615 = arith.addf %add3A_1614, %mul3A_1612 : vector<16xf32>
      %mul3A_1616 = arith.mulf %mul3A_1609, %add3A_1615 : vector<16xf32>
      %add3A_1617 = arith.constant 0.333333343 : f32
      %add3A_1618 = vector.broadcast %add3A_1617 : f32 to vector<16xf32>
      %add3A_1619 = arith.addf %add3A_1618, %mul3A_1616 : vector<16xf32>
      %mul3A_1620 = arith.constant 2.000000e+00 : f32
      %mul3A_1621 = vector.broadcast %mul3A_1620 : f32 to vector<16xf32>
      %mul3A_1622 = arith.mulf %mul3A_1621, %div3A_1608 : vector<16xf32>
      %mul3A_1623 = arith.mulf %mul3A_1609, %add3A_1619 : vector<16xf32>
      %add3A_1624 = arith.constant 1.000000e+00 : f32
      %add3A_1625 = vector.broadcast %add3A_1624 : f32 to vector<16xf32>
      %add3A_1626 = arith.addf %add3A_1625, %mul3A_1623 : vector<16xf32>
      %mul3A_1627 = arith.mulf %mul3A_1622, %add3A_1626 : vector<16xf32>
      %sub3A_1628 = arith.subf %mul3A_288, %mul3A_1627 : vector<16xf32>
      %swap3A_1629 = arith.constant 0 : index
      %swap3A_1630 = tpu.vector_load %arg20[%swap3A_1629] {strides = array<i32>} : memref<16xf32, #tpu.memory_space<vmem>>, vector<16xf32>,
      tpu.vector_store %arg20[%swap3A_1629], %sub3A_1628 {strides = array<i32>} : memref<16xf32, #tpu.memory_space<vmem>>, vector<16xf32>,
      %lt3A_1631 = arith.constant 12 : i32
      %lt3A_1632 = arith.cmpi slt, %arg1, %lt3A_1631 : i32
      %convert_element_type3A_1633 = arith.extui %lt3A_1632 : i1 to i32
      %cond3A_1634 = arith.constant 0 : i32
      %cond3A_1635 = arith.cmpi ne, %convert_element_type3A_1633, %cond3A_1634 : i32
      scf.if %cond3A_1635 {
        %dma_start3A_1656 = tpu.memref_slice %arg6[%select_n3A] : memref<200xf32, #tpu.memory_space<hbm>> -> memref<16xf32, #tpu.memory_space<hbm>>
        %dma_start3A_1657 = tpu.memref_slice %arg6[%select_n3A] : memref<200xf32, #tpu.memory_space<hbm>> -> memref<16xf32, #tpu.memory_space<hbm>>
        tpu.enqueue_dma source(%arg20 : memref<16xf32, #tpu.memory_space<vmem>>) target(%dma_start3A_1657 : memref<16xf32, #tpu.memory_space<hbm>>) target_semaphore(%arg28 : memref<!tpu.dma_semaphore, #tpu.memory_space<semaphore_mem>>)
      } else {
      }
      %eq3A_1636 = arith.constant 12 : i32
      %eq3A_1637 = arith.cmpi eq, %arg1, %eq3A_1636 : i32
      %convert_element_type3A_1638 = arith.extui %eq3A_1637 : i1 to i32
      %cond3A_1639 = arith.constant 0 : i32
      %cond3A_1640 = arith.cmpi ne, %convert_element_type3A_1638, %cond3A_1639 : i32
      scf.if %cond3A_1640 {
        %dma_start3A_1656 = arith.constant 8 : i32
        %dma_start3A_1657 = tpu.memref_slice %arg20[%dma_start3A_1656] : memref<16xf32, #tpu.memory_space<vmem>> -> memref<8xf32, #tpu.memory_space<vmem>>
        %dma_start3A_1658 = arith.constant 192 : i32
        %dma_start3A_1659 = tpu.memref_slice %arg6[%dma_start3A_1658] : memref<200xf32, #tpu.memory_space<hbm>> -> memref<8xf32, #tpu.memory_space<hbm>>
        %dma_start3A_1660 = arith.constant 192 : i32
        %dma_start3A_1661 = tpu.memref_slice %arg6[%dma_start3A_1660] : memref<200xf32, #tpu.memory_space<hbm>> -> memref<8xf32, #tpu.memory_space<hbm>>
        %dma_start3A_1662 = arith.constant 8 : i32
        %dma_start3A_1663 = tpu.memref_slice %arg20[%dma_start3A_1662] : memref<16xf32, #tpu.memory_space<vmem>> -> memref<8xf32, #tpu.memory_space<vmem>>
        tpu.enqueue_dma source(%dma_start3A_1663 : memref<8xf32, #tpu.memory_space<vmem>>) target(%dma_start3A_1661 : memref<8xf32, #tpu.memory_space<hbm>>) target_semaphore(%arg28 : memref<!tpu.dma_semaphore, #tpu.memory_space<semaphore_mem>>)
      } else {
      }
      %eq3A_1641 = arith.constant 0 : i32
      %eq3A_1642 = arith.cmpi eq, %arg1, %eq3A_1641 : i32
      %convert_element_type3A_1643 = arith.extui %eq3A_1642 : i1 to i32
      %cond3A_1644 = arith.constant 0 : i32
      %cond3A_1645 = arith.cmpi ne, %convert_element_type3A_1643, %cond3A_1644 : i32
      scf.if %cond3A_1645 {
        tpu.wait_dma2 semaphore(%arg29 : memref<!tpu.dma_semaphore, #tpu.memory_space<semaphore_mem>>) src(%arg14 : memref<1x128xf32, #tpu.memory_space<vmem>>) dst(%arg7 : memref<1x128xf32, #tpu.memory_space<hbm>>)
        tpu.wait_dma2 semaphore(%arg30 : memref<!tpu.dma_semaphore, #tpu.memory_space<semaphore_mem>>) src(%arg15 : memref<1x128xf32, #tpu.memory_space<vmem>>) dst(%arg8 : memref<1x128xf32, #tpu.memory_space<hbm>>)
      } else {
      }
      %lt3A_1646 = arith.constant 12 : i32
      %lt3A_1647 = arith.cmpi slt, %arg1, %lt3A_1646 : i32
      %convert_element_type3A_1648 = arith.extui %lt3A_1647 : i1 to i32
      %cond3A_1649 = arith.constant 0 : i32
      %cond3A_1650 = arith.cmpi ne, %convert_element_type3A_1648, %cond3A_1649 : i32
      scf.if %cond3A_1650 {
        %dma_wait3A_1656 = tpu.memref_slice %arg6[%select_n3A] : memref<200xf32, #tpu.memory_space<hbm>> -> memref<16xf32, #tpu.memory_space<hbm>>
        %dma_wait3A_1657 = tpu.memref_slice %arg6[%select_n3A] : memref<200xf32, #tpu.memory_space<hbm>> -> memref<16xf32, #tpu.memory_space<hbm>>
        tpu.wait_dma2 semaphore(%arg28 : memref<!tpu.dma_semaphore, #tpu.memory_space<semaphore_mem>>) src(%arg20 : memref<16xf32, #tpu.memory_space<vmem>>) dst(%dma_wait3A_1657 : memref<16xf32, #tpu.memory_space<hbm>>)
        %dma_wait3A_1658 = arith.constant 0 : i32
        %dma_wait3A_1659 = tpu.memref_slice %arg9[%select_n3A, %dma_wait3A_1658] : memref<200x128xf32, #tpu.memory_space<hbm>> -> memref<16x128xf32, #tpu.memory_space<hbm>>
        %dma_wait3A_1660 = arith.constant 0 : i32
        %dma_wait3A_1661 = tpu.memref_slice %arg9[%select_n3A, %dma_wait3A_1660] : memref<200x128xf32, #tpu.memory_space<hbm>> -> memref<16x128xf32, #tpu.memory_space<hbm>>
        tpu.wait_dma2 semaphore(%arg27 : memref<!tpu.dma_semaphore, #tpu.memory_space<semaphore_mem>>) src(%arg13 : memref<16x128xf32, #tpu.memory_space<vmem>>) dst(%dma_wait3A_1661 : memref<16x128xf32, #tpu.memory_space<hbm>>)
      } else {
      }
      %eq3A_1651 = arith.constant 12 : i32
      %eq3A_1652 = arith.cmpi eq, %arg1, %eq3A_1651 : i32
      %convert_element_type3A_1653 = arith.extui %eq3A_1652 : i1 to i32
      %cond3A_1654 = arith.constant 0 : i32
      %cond3A_1655 = arith.cmpi ne, %convert_element_type3A_1653, %cond3A_1654 : i32
      scf.if %cond3A_1655 {
        %dma_wait3A_1656 = arith.constant 8 : i32
        %dma_wait3A_1657 = tpu.memref_slice %arg20[%dma_wait3A_1656] : memref<16xf32, #tpu.memory_space<vmem>> -> memref<8xf32, #tpu.memory_space<vmem>>
        %dma_wait3A_1658 = arith.constant 192 : i32
        %dma_wait3A_1659 = tpu.memref_slice %arg6[%dma_wait3A_1658] : memref<200xf32, #tpu.memory_space<hbm>> -> memref<8xf32, #tpu.memory_space<hbm>>
        %dma_wait3A_1660 = arith.constant 192 : i32
        %dma_wait3A_1661 = tpu.memref_slice %arg6[%dma_wait3A_1660] : memref<200xf32, #tpu.memory_space<hbm>> -> memref<8xf32, #tpu.memory_space<hbm>>
        %dma_wait3A_1662 = arith.constant 8 : i32
        %dma_wait3A_1663 = tpu.memref_slice %arg20[%dma_wait3A_1662] : memref<16xf32, #tpu.memory_space<vmem>> -> memref<8xf32, #tpu.memory_space<vmem>>
        tpu.wait_dma2 semaphore(%arg28 : memref<!tpu.dma_semaphore, #tpu.memory_space<semaphore_mem>>) src(%dma_wait3A_1663 : memref<8xf32, #tpu.memory_space<vmem>>) dst(%dma_wait3A_1661 : memref<8xf32, #tpu.memory_space<hbm>>)
        %dma_wait3A_1664 = arith.constant 8 : i32
        %dma_wait3A_1665 = arith.constant 0 : i32
        %dma_wait3A_1666 = tpu.memref_slice %arg13[%dma_wait3A_1664, %dma_wait3A_1665] : memref<16x128xf32, #tpu.memory_space<vmem>> -> memref<8x128xf32, #tpu.memory_space<vmem>>
        %dma_wait3A_1667 = arith.constant 192 : i32
        %dma_wait3A_1668 = arith.constant 0 : i32
        %dma_wait3A_1669 = tpu.memref_slice %arg9[%dma_wait3A_1667, %dma_wait3A_1668] : memref<200x128xf32, #tpu.memory_space<hbm>> -> memref<8x128xf32, #tpu.memory_space<hbm>>
        %dma_wait3A_1670 = arith.constant 192 : i32
        %dma_wait3A_1671 = arith.constant 0 : i32
        %dma_wait3A_1672 = tpu.memref_slice %arg9[%dma_wait3A_1670, %dma_wait3A_1671] : memref<200x128xf32, #tpu.memory_space<hbm>> -> memref<8x128xf32, #tpu.memory_space<hbm>>
        %dma_wait3A_1673 = arith.constant 8 : i32
        %dma_wait3A_1674 = arith.constant 0 : i32
        %dma_wait3A_1675 = tpu.memref_slice %arg13[%dma_wait3A_1673, %dma_wait3A_1674] : memref<16x128xf32, #tpu.memory_space<vmem>> -> memref<8x128xf32, #tpu.memory_space<vmem>>
        tpu.wait_dma2 semaphore(%arg27 : memref<!tpu.dma_semaphore, #tpu.memory_space<semaphore_mem>>) src(%dma_wait3A_1675 : memref<8x128xf32, #tpu.memory_space<vmem>>) dst(%dma_wait3A_1672 : memref<8x128xf32, #tpu.memory_space<hbm>>)
      } else {
      }
    } else {
    }
    return
  }
}

</mosaic_0001>

<sc_bundles>
// kernel: _run.3.cloned.1.call-start
scs
__scs_entry_jumppad:
0x0: {  	(pc) =	sbr.rel $0x88, $3  }
0x1: {  	(tag) =	ssettag $0x0;
	lr =	simm.s32 $0x1  }
0x2: {  	[smem:$0x3F9D] =	sst lr;
	_ =	strace $0xD0000000  }
0x3: {  	_ = 	snop  }
0x4: {  	_ = 	snop  }
0x5: {  	_ = 	snop  }
0x6: {  	_ = 	snop  }
0x7: {  	_ = 	snop  }
__scs_overlays_trampoline_lowered:
0x8: {  	[smem:$0x3FAC] =	sst s0  }
0x9: {  	[smem:$0x3FAD] =	sst s1  }
0xa: {  	[smem:$0x3FAE] =	sst s2  }
0xb: {  	[smem:$0x3FAF] =	sst s3  }
0xc: {  	[smem:$0x3FB0] =	sst s4  }
0xd: {  	[smem:$0x3FB1] =	sst s5  }
0xe: {  	[smem:$0x3FB2] =	sst s6  }
0xf: {  	[smem:$0x3FB3] =	sst s7  }
0x10: {  	[smem:$0x3FB4] =	sst s8  }
0x11: {  	[smem:$0x3FB5] =	sst s9;
	s0 =	simm.s32 @!p0 $0x0  }
0x12: {  	s1 =	sld [smem:$0x3F9B];
	s0 =	simm.s32 @p0 $0x1  }
0x13: {  	[smem:$0x3FB6] =	sst s0;
	s0 =	simm.s32 @!p1 $0x0  }
0x14: {  	s2 =	sld [smem:$0x3F9A];
	s0 =	simm.s32 @p1 $0x1  }
0x15: {  	[smem:$0x3FB7] =	sst s0;
	s0 =	simm.s32 @!p2 $0x0  }
0x16: {  	s3 =	sld [smem:$0x3FDB];
	s0 =	simm.s32 @p2 $0x1  }
0x17: {  	s4 =	simm.s32 $0x1BF5;
	[smem:$0x3FB9] =	sst s0  }
0x18: {  	s0 =	sld [smem:$0x3F9C];
	_ =	swait.ge [sflag:s4], $0x0  }
0x19: {  	s7 =	sld [smem:$0x3F9D]  }
0x1a: {  	s8 =	sadd.s32 $0xFFFFE003, lr  }
0x1b: {  	s9 =	sadd.s32 $0xFFFFFEF7, lr;
	s5 =	simm.s32 $0xFFFFFFFF;
	p2 =	slt.u32 s8, $0xFFFFF086  }
0x1c: {  	p1 =	slt.u32 s9, $0xF7A;
	s5 =	simm.s32 @!p2 $0x0  }
0x1d: {  	s5 =	simm.s32 @p1 $0x1;
	p0 =	seq.s32 s7, s2  }
0x1e: {  	s7 =	smul.u32 @!p0 $0xF7A, s2;
	p2 =	seq.s32 @!p0 s5, $0x0  }
0x1f: {  	s9 =	smul.u32 $0xF7A, s1;
	s8 =	simm.s32 @!p0 $0x1BF5;
	p2 =	por !p2, p0  }
0x20: {  	[sflag:s8] =	ssyncset.s32 @!p0 $0xFFFFF086;
	s6 =	sadd.s32 @!p0 s3, s7;
	s7 =	simm.s32 @!p0 $0x108  }
0x21: {  	s3 =	sadd.s32 s3, s9;
	s6 =	sadd.s32 @!p0 $0x88, s6;
	s7 =	simm.s32 @p2 $0x1082  }
0x22: {  	[simem:s7], [sflag:s8] =	dma.local @!p0 [hbm:s6], $0xF7A  }
0x23: {  	s9 =	sor.u32 $0xD0000000, s2;
	s6 =	simm.s32 $0x108;
	_ =	swait.ge @!p0 [sflag:s8], $0x0  }
0x24: {  	s3 =	sadd.s32 $0x88, s3;
	s6 =	simm.s32 @!p1 $0x1082;
	[sflag:s4] =	ssyncset.s32 $0xFFFFF086  }
0x25: {  	[simem:s6], [sflag:s4] =	dma.local [hbm:s3], $0xF7A  }
0x26: {  	[smem:$0x3F9D] =	sst s1;
	(tag) =	ssettag s2;
	_ =	strace s9  }
0x27: {  	s1 =	sld [smem:$0x3FAD]  }
0x28: {  	s2 =	sld [smem:$0x3FAE]  }
0x29: {  	s4 =	sld [smem:$0x3FB0]  }
0x2a: {  	p0 =	seq.s32 s5, $0x0;
	s5 =	sld [smem:$0x3FB1]  }
0x2b: {  	s6 =	sld [smem:$0x3FB2]  }
0x2c: {  	s7 =	sld [smem:$0x3FB3]  }
0x2d: {  	s3 =	simm.s32 $0x108;
	s8 =	sld [smem:$0x3FB4]  }
0x2e: {  	s3 =	simm.s32 @!p0 $0x1082;
	s9 =	sld [smem:$0x3FB5]  }
0x2f: {  	lr =	sadd.s32 s0, s3;
	s0 =	sld [smem:$0x3FAC]  }
0x30: {  	s3 =	sld [smem:$0x3FAF]  }
0x31: {  	[smem:$0x3FB8] =	sst s10  }
0x32: {  	s10 =	sld [smem:$0x3FB6];
	_ =	sdelay $0x3  }
0x33: {  	p0 =	seq.s32 s10, $0x1;
	s10 =	sld [smem:$0x3FB8];
	_ =	sdelay $0x3  }
0x34: {  	[smem:$0x3FB8] =	sst s10  }
0x35: {  	s10 =	sld [smem:$0x3FB7];
	_ =	sdelay $0x3  }
0x36: {  	p1 =	seq.s32 s10, $0x1;
	s10 =	sld [smem:$0x3FB8];
	_ =	sdelay $0x3  }
0x37: {  	[smem:$0x3FB8] =	sst s10  }
0x38: {  	s10 =	sld [smem:$0x3FB9]  }
0x39: {  	_ = 	snop;
	(pc) =	sbr.ind lr, $3  }
0x3a: {  	_ = 	snop  }
0x3b: {  	_ = 	snop  }
0x3c: {  	p2 =	seq.s32 s10, $0x1;
	s10 =	sld [smem:$0x3FB8]  }
0x3d: {  	_ =	shalt  }
0x3e: {  	_ =	shalt  }
0x3f: {  	_ =	shalt  }
0x40: {  	_ =	shalt  }
0x41: {  	_ =	shalt  }
0x42: {  	_ =	shalt  }
0x43: {  	_ =	shalt  }
0x44: {  	_ =	shalt  }
0x45: {  	_ =	shalt  }
0x46: {  	_ =	shalt  }
0x47: {  	_ =	shalt  }
0x48: {  	_ =	shalt  }
0x49: {  	_ =	shalt  }
0x4a: {  	_ =	shalt  }
0x4b: {  	_ =	shalt  }
0x4c: {  	_ =	shalt  }
0x4d: {  	_ =	shalt  }
0x4e: {  	_ =	shalt  }
0x4f: {  	_ =	shalt  }
0x50: {  	_ =	shalt  }
0x51: {  	_ =	shalt  }
0x52: {  	_ =	shalt  }
0x53: {  	_ =	shalt  }
0x54: {  	_ =	shalt  }
0x55: {  	_ =	shalt  }
0x56: {  	_ =	shalt  }
0x57: {  	_ =	shalt  }
0x58: {  	_ =	shalt  }
0x59: {  	_ =	shalt  }
0x5a: {  	_ =	shalt  }
0x5b: {  	_ =	shalt  }
0x5c: {  	_ =	shalt  }
0x5d: {  	_ =	shalt  }
0x5e: {  	_ =	shalt  }
0x5f: {  	_ =	shalt  }
0x60: {  	_ =	shalt  }
0x61: {  	_ =	shalt  }
0x62: {  	_ =	shalt  }
0x63: {  	_ =	shalt  }
0x64: {  	_ =	shalt  }
0x65: {  	_ =	shalt  }
0x66: {  	_ =	shalt  }
0x67: {  	_ =	shalt  }
0x68: {  	_ =	shalt  }
0x69: {  	_ =	shalt  }
0x6a: {  	_ =	shalt  }
0x6b: {  	_ =	shalt  }
0x6c: {  	_ =	shalt  }
0x6d: {  	_ =	shalt  }
0x6e: {  	_ =	shalt  }
0x6f: {  	_ =	shalt  }
0x70: {  	_ =	shalt  }
0x71: {  	_ =	shalt  }
0x72: {  	_ =	shalt  }
0x73: {  	_ =	shalt  }
0x74: {  	_ =	shalt  }
0x75: {  	_ =	shalt  }
0x76: {  	_ =	shalt  }
0x77: {  	_ =	shalt  }
0x78: {  	_ =	shalt  }
0x79: {  	_ =	shalt  }
0x7a: {  	_ =	shalt  }
0x7b: {  	_ =	shalt  }
0x7c: {  	_ =	shalt  }
0x7d: {  	_ =	shalt  }
0x7e: {  	_ =	shalt  }
0x7f: {  	_ =	shalt  }
0x80: {  	_ =	shalt  }
0x81: {  	_ =	shalt  }
0x82: {  	_ =	shalt  }
0x83: {  	_ =	shalt  }
0x84: {  	_ =	shalt  }
0x85: {  	_ =	shalt  }
0x86: {  	_ =	shalt  }
0x87: {  	_ =	shalt  }
.Lfunc_end0:
.L_simem_size_0:
called_computation_lowered:
.L_overlay_start_0:
0x88: {  	s0 =	sld [smem:$0x3FD9]  }
0x89: {  	s1 =	sld [smem:$0x3FFE];
	_ =	sdelay $0x3  }
0x8a: {  	s0 =	sadd.s32 s1, s0  }
0x8b: {  	[smem:$0x3FC4] =	sst s0  }
0x8c: {  	_ = 	snop  }
0x8d: {  	s0 =	sld [smem:$0x3FC9]  }
0x8e: {  	s14 =	sld [smem:$0x3FD0]  }
0x8f: {  	s2 =	sld [smem:$0x3FC8]  }
0x90: {  	s3 =	sld [smem:$0x3FC7]  }
0x91: {  	s5 =	simm.s32 $0xA;
	s6 =	simm.s32 $0x10;
	s4 =	sld [smem:$0x3FC6]  }
0x92: {  	[smem:s6], [sflag:s5] =	dma.local [hbm:s14], $0x1  }
0x93: {  	_ =	swait.eq [sflag:s5], $0x1  }
0x94: {  	s15 =	sld [smem:$0x10]  }
0x95: {  	s16 =	sld [smem:$0x11];
	[sflag:s5] =	ssyncset.done $0x0  }
0x96: {  	s7 =	sld [smem:$0x12];
	[sflag:s5] =	ssyncadd.s32 $0xFFFFFFFF  }
0x97: {  	s17 =	sld [smem:$0x13];
	(tm) =	ssettm $0x1  }
0x98: {  	s8 =	sld [smem:$0x3FFB];
	_ =	sdelay $0x3  }
0x99: {  	_ =	strace s8  }
0x9a: {  	s8 =	sld [smem:$0x3FFC];
	_ =	sdelay $0x3  }
0x9b: {  	_ =	strace s8  }
0x9c: {  	s8 =	sld [smem:$0x3FFD];
	_ =	sdelay $0x3  }
0x9d: {  	_ =	strace s8  }
0x9e: {  	_ =	strace $0x8FFFFFFF  }
0x9f: {  	s18 =	sld [smem:$0x3FDB];
	_ =	sdelay $0x1  }
0xa0: {  	s9 =	simm.s32 $_scs_section_size  }
0xa1: {  	s10 =	simm.s32 $_size__tile_overlayer_lowered;
	s11 =	simm.s32 $_tile_overlayer_lowered  }
0xa2: {  	s21 =	simm.s32 $0x1BFF;
	s20 =	sshll.u32 s11, $0x1;
	s8 =	sadd.s32 s9, s18  }
0xa3: {  	s12 =	simm.s32 $0x0;
	s19 =	sshll.u32 s10, $0x1;
	s10 =	sadd.s32 s20, s8  }
0xa4: {  	[timem:s12], [sflag:s21] =	dma.local [hbm:s10], s19  }
0xa5: {  	_ =	swait.ge [sflag:s21], s19  }
0xa6: {  	s9 =	ssub.s32 $0x0, s19;
	[sflag:s21] =	ssyncset.done $0x0  }
0xa7: {  	[sflag:s21] =	ssyncadd.s32 s9;
	_ =	sdelay $0x1  }
0xa8: {  	s22 =	simm.s32 $0x1B8B  }
0xa9: {  	_ =	swait.ge [sflag:s22], $0x1  }
0xaa: {  	[sflag:s22] =	ssyncset.done $0x0  }
0xab: {  	s23 =	simm.s32 $0x1B8E;
	[sflag:s22] =	ssyncadd.s32 $0xFFFFFFFF  }
0xac: {  	s24 =	simm.s32 $execute0_lowered;
	[smem:$0x3FD2] =	sst s23  }
0xad: {  	s9 =	sshll.u32 s24, $0x1;
	_ =	strace $0x80000046;
	[dreg:$0x1] =	wrdreg $0xFFFFFFFF  }
0xae: {  	s25 =	simm.s32 $_size_execute0_lowered;
	s8 =	sadd.s32 s8, s9;
	[dreg:$0x0] =	wrdreg $0x0  }
0xaf: {  	s9 =	sshll.u32 s25, $0x1;
	[dreg:$0x2] =	wrdreg s8  }
0xb0: {  	[dreg:$0x3] =	wrdreg s9  }
0xb1: {  	[dreg:$0x4] =	wrdreg $0xC0  }
0xb2: {  	_ =	task [dreg:s12], $0x5FFFF  }
0xb3: {  	[dreg:$0x1] =	wrdreg $0xFFFFFFFF  }
0xb4: {  	[dreg:$0x0] =	wrdreg $0x60  }
0xb5: {  	[dreg:$0x2] =	wrdreg s0  }
0xb6: {  	[dreg:$0x3] =	wrdreg s2  }
0xb7: {  	[dreg:$0x4] =	wrdreg s3  }
0xb8: {  	[dreg:$0x5] =	wrdreg s4  }
0xb9: {  	[dreg:$0x6] =	wrdreg s15  }
0xba: {  	[dreg:$0x7] =	wrdreg s16  }
0xbb: {  	[dreg:$0x8] =	wrdreg s7  }
0xbc: {  	[dreg:$0x9] =	wrdreg s17  }
0xbd: {  	[dreg:$0xa] =	wrdreg $0x9  }
0xbe: {  	_ =	task.clear_ibuf [dreg:s12], $0xBFFFF;
	_ =	strace $0x90000046  }
0xbf: {  	s26 =	simm.s32 $0x9;
	_ =	strace $0x80000048  }
0xc0: {  	_ =	swait.ge [sflag:s26], $0x1  }
0xc1: {  	[sflag:s26] =	ssyncadd.s32 $0xFFFFFFFF  }
0xc2: {  	_ =	strace $0x90000048  }
0xc3: {  	_ =	sfence  }
0xc4: {  	s28 =	sld [smem:$0x0];
	_ =	sdelay $0x1  }
0xc5: {  	s29 =	srdreg.scid  }
0xc6: {  	s30 =	sshll.u32 s29, $0xD;
	s31 =	sshrl.u32 s29, $0x2  }
0xc7: {  	s1 =	sand.u32 $0x1, s29;
	s2 =	sand.u32 $0x4000, s30;
	s0 =	sadd.s32 s31, s28  }
0xc8: {  	s1 =	sor.u32 s2, s1;
	s0 =	sshll.u32 s0, $0x11  }
0xc9: {  	s0 =	sor.u32 s0, s1  }
0xca: {  	s0 =	sadd.s32 $0x8F2B, s0  }
0xcb: {  	[sflag:s0] =	ssyncadd.remote.s32 $0x1  }
0xcc: {  	_ =	sfence.sel $0xFFFF  }
0xcd: {  	[dreg:$0x0] =	wrdreg $0xFFFFFFFF;
	(pc) =	sbr.abs _section_cstart, $3  }
0xce: {  	[dreg:$0x1] =	wrdreg $0xFFFFFFFF  }
0xcf: {  	_ =	task.clear_ibuf [dreg:s12], $0x2FFFF;
	_ =	strace $0x9FFFFFFF  }
0xd0: {  	(tm) =	ssettm $0x7FFFFFFF  }
0xd1: {  	_ =	shalt  }
tec
execute0_lowered:
.L_overlay_start_1:
0x0: {  	(tag) =	ssettag $0x1  }
0x1: {  	s9 =	rddreg [dreg:$0x0]  }
0x2: {  	s8 =	rddreg [dreg:$0x1]  }
0x3: {  	s11 =	rddreg [dreg:$0x2]  }
0x4: {  	s7 =	rddreg [dreg:$0x3];
	s2 =	stileid.u32  }
0x5: {  	s1 =	rddreg [dreg:$0x4];
	p1 =	sgt.u32 s2, $0xC  }
.Ltmp0:
0x6: {  	s6 =	rddreg [dreg:$0x5];
	(pc) =	sbr.rel @p1 .LBB2_2-.Ltmp0, $4  }
0x7: {  	s5 =	rddreg [dreg:$0x6]  }
0x8: {  	s4 =	rddreg [dreg:$0x7];
	s10 =	simm.s32 $0x0  }
0x9: {  	[smem:$0x7FF] =	sst s10  }
0xa: {  	s0 =	rddreg [dreg:$0x8];
	p0 =	sne.s32 s2, $0x0;
	_ =	strace $0x80000047  }
0xb: {  	p1 =	seq.s32 s2, $0xC;
	s3 =	sshll.u32 s2, $0x1  }
0xc: {  	s3 =	simm.s32 @p1 $0x17  }
0xd: {  	s11 =	sadd.s32 s11, s3  }
0xe: {  	[tilespmem:s10], [sflag:$0x1] =	stream.linear.gather [hbm4b:s11+s10], $0x10, $0x38;
	[tilespmem:$0x2100] =	vst v63  }
0xf: {  	s16 =	simm.s32 $0x80  }
0x10: {  	[tilespmem:s16], [sflag:$0x2] =	stream.linear.gather [hbm4b:s9+s10], $0x80, $0x38;
	[tilespmem:$0x2100] =	vst v63  }
0x11: {  	s17 =	simm.s32 $0x100;
	s18 =	simm.s32 $0x1  }
0x12: {  	[tilespmem:s17], [sflag:$0x3] =	stream.linear.gather [hbm4b:s8+s10], $0x80, $0x38;
	[tilespmem:$0x2100] =	vst v63  }
0x13: {  	_ =	swait.ge [sflag:s18], $0x10  }
0x14: {  	s12 =	simm.s32 $0x10;
	[sflag:s18] =	ssyncset.done $0x0  }
0x15: {  	s13 =	simm.s32 $0x180;
	s19 =	simm.s32 $0x2;
	[sflag:s18] =	ssyncadd.s32 $0xFFFFFFF0  }
0x16: {  	[tilespmem:s13], [sflag:$0x4] =	stream.indirect.gather [hbm4b:s7+s12], $0x80, s10, s12, $0xb8;
	[tilespmem:$0x2100] =	vst v63  }
0x17: {  	_ =	swait.ge [sflag:s19], $0x80  }
0x18: {  	[sflag:s19] =	ssyncset.done $0x0  }
0x19: {  	s20 =	simm.s32 $0x980;
	s21 =	simm.s32 $0x3;
	[sflag:s19] =	ssyncadd.s32 $0xFFFFFF80  }
0x1a: {  	[tilespmem:s20], [sflag:$0x5] =	stream.indirect.gather [hbm4b:s7+s18], $0x80, s16, s18, $0xb8;
	[tilespmem:$0x2100] =	vst v63  }
0x1b: {  	_ =	swait.ge [sflag:s21], $0x80  }
0x1c: {  	[sflag:s21] =	ssyncset.done $0x0  }
0x1d: {  	s22 =	simm.s32 $0xA00;
	s23 =	simm.s32 $0x5;
	[sflag:s21] =	ssyncadd.s32 $0xFFFFFF80  }
0x1e: {  	[tilespmem:s22], [sflag:$0x6] =	stream.indirect.gather [hbm4b:s7+s18], $0x80, s17, s18, $0xb8;
	[tilespmem:$0x2100] =	vst v63  }
0x1f: {  	_ =	swait.ge [sflag:s23], $0x80  }
0x20: {  	[sflag:s23] =	ssyncset.done $0x0  }
0x21: {  	s24 =	simm.s32 $0x6;
	[sflag:s23] =	ssyncadd.s32 $0xFFFFFF80  }
0x22: {  	_ =	swait.ge [sflag:s24], $0x80  }
0x23: {  	[sflag:s24] =	ssyncset.done $0x0  }
0x24: {  	s8 =	simm.s32 @!p0 $0x980;
	s7 =	simm.s32 @!p0 $0x0;
	[sflag:s24] =	ssyncadd.s32 $0xFFFFFF80  }
0x25: {  	[hbm4b:s6+s7] =	stream.linear.scatter @!p0 [tilespmem:s8], [sflag:$0x9], $0x80, $0x38;
	[tilespmem:$0x2100] =	vst v63  }
0x26: {  	s6 =	simm.s32 @!p0 $0xA00  }
0x27: {  	[hbm4b:s5+s7] =	stream.linear.scatter @!p0 [tilespmem:s6], [sflag:$0xA], $0x80, $0x38;
	[tilespmem:$0x2100] =	vst v63  }
0x28: {  	v6 =	vld [tilespmem:$0x980]  }
0x29: {  	v7 =	vld [tilespmem:$0x990]  }
0x2a: {  	v23 =	vimm.s32 $0x381;
	v5 =	vld [tilespmem:$0x9A0]  }
0x2b: {  	vm8 =	vcmask $0x300;
	vm4 =	vcmask $0x704;
	v24 =	vimm.s32 $0x383;
	v4 =	vld [tilespmem:$0x9B0]  }
0x2c: {  	vm5 =	vcmask $0xB08;
	vm0 =	vcmask $0xF0C;
	vm1 =	vcmask $0x1310;
	v1 =	vld [tilespmem:$0x9C0]  }
0x2d: {  	vm2 =	vcmask $0x1714;
	vm3 =	vcmask $0x1B18;
	vm6 =	vcmask $0x1F1C;
	v2 =	vld [tilespmem:$0xA00]  }
0x2e: {  	vm7 =	vcmask $0x2320;
	vm9 =	vcmask $0x2724;
	vm10 =	vcmask $0x2B28;
	v3 =	vld [tilespmem:$0xA10]  }
0x2f: {  	vm11 =	vcmask $0x2F2C;
	vm12 =	vcmask $0x3330;
	vm13 =	vcmask $0x3734;
	v9 =	vld [tilespmem:$0xA20]  }
0x30: {  	vm14 =	vcmask $0x3B38;
	v27 =	vimm.s32 $0x385;
	v11 =	vld [tilespmem:$0xA30];
	v0 =	vmul.f32 v6, v6  }
0x31: {  	v30 =	vimm.s32 $0x387;
	v15 =	vld [tilespmem:$0xA40];
	v8 =	vmul.f32 v7, v7;
	v10 =	vmul.f32 v5, v5  }
0x32: {  	v32 =	vimm.s32 $0x389;
	v16 =	vld [tilespmem:$0xA50];
	v52 =	vmul.f32 v4, v4;
	v12 =	vmul.f32 v1, v1  }
0x33: {  	v33 =	vimm.s32 $0x38B;
	v17 =	vld [tilespmem:$0xA60];
	v13 =	vmul.f32 v2, v2;
	v14 =	vmul.f32 v3, v3  }
0x34: {  	v34 =	vimm.s32 $0x38D;
	v60 =	vld [tilespmem:$0xA70];
	v2 =	vmul.f32 v2, v6;
	v53 =	vmul.f32 v3, v7  }
0x35: {  	v35 =	vimm.s32 $0x38F;
	v54 =	vmul.f32 v9, v9;
	v9 =	vmul.f32 v9, v5  }
0x36: {  	v36 =	vimm.s32 $0x107;
	v56 =	vmul.f32 v11, v11;
	v57 =	vmul.f32 v11, v4  }
0x37: {  	v31 =	vsel vm8, $0x6, v30;
	v59 =	vmul.f32 v15, v15;
	v62 =	vmul.f32 v15, v1  }
0x38: {  	v3 =	vld [tilespmem:$0x9E0];
	v63 =	vmul.f32 v16, v16;
	v20 =	vmul.f32 v17, v17;
	v15 =	vsel vm8, $0x108, v36  }
0x39: {  	v22 =	vmul.f32 v60, v60;
	v15 =	vsel vm4, $0x109, v15;
	v8 =	vadd.f32 v8, v0  }
0x3a: {  	v0 =	vld [tilespmem:$0x9D0];
	v13 =	vadd.f32 v14, v13;
	v14 =	vsel vm8, $0x2, v24;
	v15 =	vsel vm5, $0x10A, v15  }
0x3b: {  	v14 =	vsel vm4, $0x82, v14;
	v15 =	vsel vm0, $0x10B, v15;
	v8 =	vadd.f32 v10, v8  }
0x3c: {  	v10 =	vadd.f32 v53, v2;
	v13 =	vadd.f32 v54, v13;
	v14 =	vsel vm5, $0x102, v14  }
0x3d: {  	v61 =	vmul.f32 v3, v3;
	v21 =	vmul.f32 v17, v3;
	v8 =	vadd.f32 v52, v8  }
0x3e: {  	v2 =	vld [tilespmem:$0x9F0];
	v14 =	vsel vm0, $0x182, v14;
	v9 =	vadd.f32 v9, v10;
	v58 =	vadd.f32 v56, v13  }
0x3f: {  	v10 =	vsel vm8, $0x0, v23;
	v14 =	vsel vm1, $0x202, v14;
	v55 =	vmul.f32 v0, v0  }
0x40: {  	v18 =	vmul.f32 v16, v0;
	v10 =	vsel vm4, $0x80, v10;
	v8 =	vadd.f32 v12, v8  }
0x41: {  	v14 =	vsel vm2, $0x282, v14;
	v9 =	vadd.f32 v57, v9;
	v11 =	vadd.f32 v59, v58  }
0x42: {  	v10 =	vsel vm5, $0x100, v10;
	v14 =	vsel vm3, $0x302, v14;
	v12 =	vsel vm8, $0xA, v33  }
0x43: {  	v19 =	vmul.f32 v2, v2;
	v10 =	vsel vm0, $0x180, v10;
	v14 =	vsel vm6, $0x382, v14  }
0x44: {  	v13 =	vmul.f32 v60, v2;
	v12 =	vsel vm4, $0x8A, v12;
	v8 =	vadd.f32 v55, v8  }
0x45: {  	v9 =	vadd.f32 v62, v9;
	v11 =	vadd.f32 v63, v11;
	v10 =	vsel vm1, $0x200, v10  }
0x46: {  	v14 =	vsel vm7, $0x3, v14;
	v12 =	vsel vm5, $0x10A, v12;
	v10 =	vsel vm2, $0x280, v10  }
0x47: {  	v14 =	vsel vm9, $0x83, v14;
	v12 =	vsel vm0, $0x18A, v12;
	v8 =	vadd.f32 v61, v8  }
0x48: {  	v9 =	vadd.f32 v18, v9;
	v11 =	vadd.f32 v20, v11;
	v10 =	vsel vm3, $0x300, v10  }
0x49: {  	v14 =	vsel vm10, $0x103, v14;
	v12 =	vsel vm1, $0x20A, v12;
	v10 =	vsel vm6, $0x380, v10  }
0x4a: {  	v14 =	vsel vm11, $0x183, v14;
	v12 =	vsel vm2, $0x28A, v12;
	v8 =	vadd.f32 v19, v8  }
0x4b: {  	v9 =	vadd.f32 v21, v9;
	v10 =	vsel vm7, $0x1, v10;
	v14 =	vsel vm12, $0x203, v14  }
0x4c: {  	v11 =	vadd.f32 v22, v11;
	v12 =	vsel vm3, $0x30A, v12;
	v10 =	vsel vm9, $0x81, v10  }
0x4d: {  	v14 =	vsel vm13, $0x283, v14;
	v12 =	vsel vm6, $0x38A, v12;
	v10 =	vsel vm10, $0x101, v10  }
0x4e: {  	v25 =	vsel vm14, $0x303, v14;
	[tilespmem:$0x1A80] =	vst v8;
	v26 =	vadd.f32 v13, v9;
	v8 =	vsel vm8, $0x4, v27  }
0x4f: {  	[tilespmem:$0x1B00] =	vst v11;
	v11 =	vsel vm8, $0x8, v32;
	v13 =	vsel vm8, $0xC, v34;
	v10 =	vsel vm11, $0x181, v10  }
0x50: {  	v12 =	vsel vm7, $0xB, v12;
	v14 =	vsel vm8, $0xE, v35;
	v10 =	vsel vm12, $0x201, v10  }
0x51: {  	v8 =	vsel vm4, $0x84, v8;
	v11 =	vsel vm4, $0x88, v11;
	v10 =	vsel vm13, $0x281, v10  }
0x52: {  	v13 =	vsel vm4, $0x8C, v13;
	v12 =	vsel vm9, $0x8B, v12;
	v10 =	vsel vm14, $0x301, v10  }
0x53: {  	v14 =	vsel vm4, $0x8E, v14;
	v8 =	vsel vm5, $0x104, v8;
	v11 =	vsel vm5, $0x108, v11  }
0x54: {  	v13 =	vsel vm5, $0x10C, v13;
	v12 =	vsel vm10, $0x10B, v12;
	v14 =	vsel vm5, $0x10E, v14  }
0x55: {  	v8 =	vsel vm0, $0x184, v8;
	v11 =	vsel vm0, $0x188, v11;
	v13 =	vsel vm0, $0x18C, v13  }
0x56: {  	s25 =	simm.s32 $0x1A80;
	[tilespmem:$0x1B80] =	vst v26;
	v12 =	vsel vm11, $0x18B, v12;
	v14 =	vsel vm0, $0x18E, v14;
	v8 =	vsel vm1, $0x204, v8  }
0x57: {  	v11 =	vsel vm1, $0x208, v11;
	v13 =	vsel vm1, $0x20C, v13;
	v28 =	vld.idx.msk [tilespmem:v10+s25+$0x0], $0xffff;
	v10 =	vsel vm4, $0x86, v31  }
0x58: {  	v12 =	vsel vm12, $0x20B, v12;
	v14 =	vsel vm1, $0x20E, v14;
	v10 =	vsel vm5, $0x106, v10  }
0x59: {  	v8 =	vsel vm2, $0x284, v8;
	v11 =	vsel vm2, $0x288, v11;
	v10 =	vsel vm0, $0x186, v10  }
0x5a: {  	v13 =	vsel vm2, $0x28C, v13;
	v8 =	vsel vm3, $0x304, v8;
	v10 =	vsel vm1, $0x206, v10  }
0x5b: {  	v14 =	vsel vm2, $0x28E, v14;
	v8 =	vsel vm6, $0x384, v8;
	v10 =	vsel vm2, $0x286, v10  }
0x5c: {  	v11 =	vsel vm3, $0x308, v11;
	v8 =	vsel vm7, $0x5, v8;
	v10 =	vsel vm3, $0x306, v10  }
0x5d: {  	v13 =	vsel vm3, $0x30C, v13;
	v8 =	vsel vm9, $0x85, v8;
	v10 =	vsel vm6, $0x386, v10  }
0x5e: {  	v14 =	vsel vm3, $0x30E, v14;
	v8 =	vsel vm10, $0x105, v8;
	v10 =	vsel vm7, $0x7, v10  }
0x5f: {  	v11 =	vsel vm6, $0x388, v11;
	v8 =	vsel vm11, $0x185, v8;
	v10 =	vsel vm9, $0x87, v10  }
0x60: {  	v11 =	vsel vm7, $0x9, v11;
	v8 =	vsel vm12, $0x205, v8;
	v10 =	vsel vm10, $0x107, v10  }
0x61: {  	v11 =	vsel vm9, $0x89, v11;
	v8 =	vsel vm13, $0x285, v8;
	v10 =	vsel vm11, $0x187, v10  }
0x62: {  	v11 =	vsel vm10, $0x109, v11;
	v8 =	vsel vm14, $0x305, v8;
	v10 =	vsel vm12, $0x207, v10  }
0x63: {  	v13 =	vsel vm6, $0x38C, v13;
	v11 =	vsel vm11, $0x189, v11;
	v10 =	vsel vm13, $0x287, v10  }
0x64: {  	v13 =	vsel vm7, $0xD, v13;
	v11 =	vsel vm12, $0x209, v11;
	v10 =	vsel vm14, $0x307, v10  }
0x65: {  	v29 =	vld.idx.msk [tilespmem:v25+s25+$0x0], $0xffff;
	v14 =	vsel vm6, $0x38E, v14;
	v13 =	vsel vm9, $0x8D, v13;
	v11 =	vsel vm13, $0x289, v11  }
0x66: {  	v14 =	vsel vm7, $0xF, v14;
	v13 =	vsel vm10, $0x10D, v13;
	v11 =	vsel vm14, $0x309, v11  }
0x67: {  	v12 =	vsel vm13, $0x28B, v12;
	v14 =	vsel vm9, $0x8F, v14;
	v13 =	vsel vm11, $0x18D, v13;
	v8 =	vld.idx.msk [tilespmem:v8+s25+$0x0], $0xffff  }
0x68: {  	v12 =	vsel vm14, $0x30B, v12;
	v14 =	vsel vm10, $0x10F, v14;
	v13 =	vsel vm12, $0x20D, v13  }
0x69: {  	v15 =	vsel vm1, $0x10C, v15;
	v14 =	vsel vm11, $0x18F, v14;
	v13 =	vsel vm13, $0x28D, v13;
	v10 =	vld.idx.msk [tilespmem:v10+s25+$0x0], $0xffff  }
0x6a: {  	v14 =	vsel vm12, $0x20F, v14;
	v9 =	vadd.f32 v29, v28;
	v13 =	vsel vm14, $0x30D, v13  }
0x6b: {  	v15 =	vsel vm2, $0x10D, v15;
	v14 =	vsel vm13, $0x28F, v14;
	v11 =	vld.idx.msk [tilespmem:v11+s25+$0x0], $0xffff  }
0x6c: {  	v38 =	vsel vm3, $0x10E, v15;
	v37 =	vsel vm14, $0x30F, v14;
	v8 =	vadd.f32 v8, v9  }
0x6d: {  	v12 =	vld.idx.msk [tilespmem:v12+s25+$0x0], $0xffff;
	v14 =	vsel vm6, $0x10F, v38  }
0x6e: {  	v39 =	vsel vm7, $0x100, v14;
	v8 =	vadd.f32 v10, v8  }
0x6f: {  	v13 =	vld.idx.msk [tilespmem:v13+s25+$0x0], $0xffff;
	v10 =	vsel vm9, $0x101, v39  }
0x70: {  	v10 =	vsel vm10, $0x102, v10;
	v8 =	vadd.f32 v11, v8  }
0x71: {  	v9 =	vld.idx.msk [tilespmem:v37+s25+$0x0], $0xffff;
	v10 =	vsel vm11, $0x103, v10  }
0x72: {  	v10 =	vsel vm12, $0x104, v10;
	v8 =	vadd.f32 v12, v8  }
0x73: {  	v10 =	vsel vm13, $0x105, v10  }
0x74: {  	v10 =	vsel vm14, $0x106, v10;
	v8 =	vadd.f32 v13, v8;
	_ =	sdelay $0x1  }
0x75: {  	v8 =	vadd.f32 v9, v8;
	_ =	sdelay $0x1  }
0x76: {  	s26 =	simm.s32 $0x1E80;
	[tilespmem:$0x1F80] =	vst v8  }
0x77: {  	v40 =	vld.idx.msk [tilespmem:v10+s26+$0x0], $0xffff;
	_ =	sdelay $0x2  }
0x78: {  	v41 =	vimm.s32 $0x180  }
0x79: {  	v42 =	vimm.s32 $0x181  }
0x7a: {  	v8 =	vadd.f32 v40, v8;
	_ =	sdelay $0x1  }
0x7b: {  	[tilespmem:$0x2000] =	vst v8  }
0x7c: {  	v8 =	vld.idx.msk [tilespmem:v41+s26+$0x0], $0xffff  }
0x7d: {  	v43 =	vld.idx.msk [tilespmem:v42+s26+$0x0], $0xffff;
	_ =	sdelay $0x2  }
0x7e: {  	v44 =	vimm.s32 $0x182;
	_ =	sdelay $0x1  }
0x7f: {  	v10 =	vsub.f32 $1.000000000e+00, v8;
	v45 =	vsub.f32 $1.000000000e+00, v43;
	_ =	sdelay $0x1  }
0x80: {  	v10 =	vmax.f32 v10, $9.999999740e-06;
	v12 =	vmax.f32 v45, $9.999999740e-06  }
0x81: {  	v11 =	vld.idx.msk [tilespmem:v44+s26+$0x0], $0xffff;
	v12 =	vmul.f32 v12, v10;
	_ =	sdelay $0x1  }
0x82: {  	(erf) = vrcp.f32 v12;
	_ =	sdelay $0x2  }
0x83: {  	v9 =	vadd.f32 v43, v8;
	v11 =	vadd.f32 v11, v11;
	_ =	sdelay $0x1  }
0x84: {  	v9 =	vsub.f32 v9, v11;
	_ =	sdelay $0x1  }
0x85: {  	v9 =	vmax.f32 v9, $0.0e+00  }
0x86: {  	v9 =	vadd.f32 v9, v9  }
0x87: {  	v46 =	vpop (erf)  }
0x88: {  	v9 =	vmul.f32 v9, v46;
	_ =	sdelay $0x1  }
0x89: {  	v9 =	vadd.f32 $1.000000000e+00, v9;
	_ =	sdelay $0x1  }
0x8a: {  	v9 =	vmax.f32 v9, $1.000010010e+00  }
0x8b: {  	v47 =	vadd.f32 $-1.000000000e+00, v9;
	v9 =	vadd.f32 $1.000000000e+00, v9;
	_ =	sdelay $0x1  }
0x8c: {  	v9 =	vmul.f32 v9, v47;
	_ =	sdelay $0x1  }
0x8d: {  	v48 =	vshrl.u32 v9, $0x1;
	v49 =	vmul.f32 $5.000000000e-01, v9  }
0x8e: {  	v12 =	vsub.s32 $0x5F3759DF, v48  }
0x8f: {  	v50 =	vmul.f32 v12, v49;
	_ =	sdelay $0x1  }
0x90: {  	v14 =	vmul.f32 v12, v50;
	_ =	sdelay $0x1  }
0x91: {  	v14 =	vsub.f32 $1.500000000e+00, v14;
	_ =	sdelay $0x1  }
0x92: {  	v12 =	vmul.f32 v12, v14;
	_ =	sdelay $0x1  }
0x93: {  	v13 =	vmul.f32 v12, v49;
	_ =	sdelay $0x1  }
0x94: {  	v13 =	vmul.f32 v13, v12;
	_ =	sdelay $0x1  }
0x95: {  	v13 =	vsub.f32 $1.500000000e+00, v13;
	_ =	sdelay $0x1  }
0x96: {  	v12 =	vmul.f32 v13, v12;
	_ =	sdelay $0x1  }
0x97: {  	v9 =	vmul.f32 v12, v9;
	_ =	sdelay $0x1  }
0x98: {  	v9 =	vadd.f32 v9, v47;
	_ =	sdelay $0x1  }
0x99: {  	v11 =	vadd.f32 $2.000000000e+00, v9;
	_ =	sdelay $0x1  }
0x9a: {  	(erf) = vrcp.f32 v11;
	_ =	sdelay $0x8  }
0x9b: {  	s28 =	simm.s32 $0x4;
	v11 =	vpop (erf)  }
0x9c: {  	_ =	swait.ge [sflag:s28], $0x800  }
0x9d: {  	s29 =	sshll.u32 s2, $0x8;
	s8 =	simm.s32 @p1 $0x580;
	[sflag:s28] =	ssyncset.done $0x0  }
0x9e: {  	s7 =	sadd.s32 $0xC00, s4;
	s5 =	simm.s32 @p1 $0x0;
	[sflag:s28] =	ssyncadd.s32 $0xFFFFF800  }
0x9f: {  	[hbm4b:s7+s5] =	stream.linear.scatter @p1 [tilespmem:s8], [sflag:$0x7], $0x400, $0x38;
	[tilespmem:$0x2100] =	vst v63  }
0xa0: {  	s6 =	sadd.s32 s4, s29;
	s4 =	simm.s32 @!p1 $0x0;
	s7 =	simm.s32 @!p1 $0x180  }
0xa1: {  	[hbm4b:s6+s4] =	stream.linear.scatter @!p1 [tilespmem:s7], [sflag:$0x7], $0x800, $0x38;
	[tilespmem:$0x2100] =	vst v63  }
0xa2: {  	v51 =	vld [tilespmem:$0x180]  }
0xa3: {  	v52 =	vld [tilespmem:$0x190]  }
0xa4: {  	v53 =	vld [tilespmem:$0x1A0]  }
0xa5: {  	v54 =	vld [tilespmem:$0x1B0]  }
0xa6: {  	v18 =	vld [tilespmem:$0x1C0]  }
0xa7: {  	v19 =	vld [tilespmem:$0x1D0]  }
0xa8: {  	v20 =	vld [tilespmem:$0x1E0]  }
0xa9: {  	v21 =	vld [tilespmem:$0x200];
	v55 =	vmul.f32 v51, v51  }
0xaa: {  	v60 =	vld [tilespmem:$0x210];
	v56 =	vmul.f32 v52, v52;
	v57 =	vmul.f32 v53, v53  }
0xab: {  	v22 =	vld [tilespmem:$0x1F0];
	v12 =	vmul.f32 v51, v6;
	v13 =	vmul.f32 v52, v7  }
0xac: {  	v63 =	vld [tilespmem:$0x220];
	v58 =	vmul.f32 v54, v54;
	v59 =	vmul.f32 v53, v5  }
0xad: {  	v61 =	vmul.f32 v18, v18;
	v62 =	vmul.f32 v54, v4  }
0xae: {  	v30 =	vld [tilespmem:$0x230];
	v28 =	vmul.f32 v19, v19;
	v29 =	vmul.f32 v18, v1  }
0xaf: {  	v32 =	vld [tilespmem:$0x240];
	v31 =	vmul.f32 v21, v21;
	v23 =	vmul.f32 v60, v60  }
0xb0: {  	v26 =	vld [tilespmem:$0x250];
	v24 =	vmul.f32 v20, v20;
	v25 =	vmul.f32 v22, v22  }
0xb1: {  	v34 =	vld [tilespmem:$0x260];
	v19 =	vmul.f32 v19, v0;
	v33 =	vmul.f32 v63, v63  }
0xb2: {  	v27 =	vld [tilespmem:$0x280];
	v21 =	vmul.f32 v21, v6;
	v14 =	vmul.f32 v60, v7  }
0xb3: {  	v40 =	vld [tilespmem:$0x2A0];
	v35 =	vmul.f32 v30, v30;
	v20 =	vmul.f32 v20, v3  }
0xb4: {  	v45 =	vld [tilespmem:$0x2B0];
	v15 =	vmul.f32 v63, v5;
	v38 =	vmul.f32 v32, v32  }
0xb5: {  	v39 =	vmul.f32 v30, v4;
	v41 =	vmul.f32 v22, v2  }
0xb6: {  	v36 =	vld [tilespmem:$0x290];
	v42 =	vmul.f32 v26, v26;
	v43 =	vmul.f32 v34, v34  }
0xb7: {  	v46 =	vld [tilespmem:$0x270];
	v44 =	vmul.f32 v32, v1;
	v47 =	vmul.f32 v27, v27  }
0xb8: {  	v49 =	vld [tilespmem:$0x2C0];
	v48 =	vmul.f32 v26, v0;
	v51 =	vmul.f32 v40, v40  }
0xb9: {  	v52 =	vld [tilespmem:$0x2E0];
	v53 =	vmul.f32 v27, v6;
	v54 =	vmul.f32 v45, v45  }
0xba: {  	v18 =	vmul.f32 v40, v5;
	v30 =	vld [tilespmem:$0x350];
	v16 =	vadd.f32 v56, v55;
	v12 =	vadd.f32 v13, v12  }
0xbb: {  	v40 =	vld [tilespmem:$0x380];
	v17 =	vadd.f32 v23, v31;
	v14 =	vadd.f32 v14, v21;
	v21 =	vmul.f32 v36, v7  }
0xbc: {  	v55 =	vld [tilespmem:$0x300];
	v56 =	vmul.f32 v46, v46;
	v16 =	vadd.f32 v57, v16;
	v12 =	vadd.f32 v59, v12  }
0xbd: {  	v50 =	vld [tilespmem:$0x2D0];
	v23 =	vmul.f32 v45, v4;
	v17 =	vadd.f32 v33, v17;
	v14 =	vadd.f32 v15, v14  }
0xbe: {  	v15 =	vadd.f32 v21, v53;
	v57 =	vld [tilespmem:$0x310];
	v59 =	vmul.f32 v49, v49;
	v26 =	vmul.f32 v52, v3  }
0xbf: {  	v45 =	vmul.f32 v30, v30;
	v16 =	vadd.f32 v58, v16;
	v12 =	vadd.f32 v62, v12  }
0xc0: {  	v31 =	vmul.f32 v40, v40;
	v37 =	vadd.f32 v35, v17;
	v14 =	vadd.f32 v39, v14;
	v58 =	vld [tilespmem:$0x2F0]  }
0xc1: {  	v18 =	vadd.f32 v18, v15;
	v62 =	vld [tilespmem:$0x330];
	v63 =	vmul.f32 v55, v55;
	v16 =	vadd.f32 v61, v16  }
0xc2: {  	v27 =	vmul.f32 v55, v6;
	v12 =	vadd.f32 v29, v12;
	v14 =	vadd.f32 v44, v14  }
0xc3: {  	v61 =	vmul.f32 v50, v50;
	v18 =	vadd.f32 v23, v18;
	v33 =	vmul.f32 v57, v57  }
0xc4: {  	v21 =	vmul.f32 v57, v7;
	v16 =	vadd.f32 v28, v16;
	v19 =	vadd.f32 v19, v12  }
0xc5: {  	v28 =	vmul.f32 v36, v36;
	v14 =	vadd.f32 v48, v14;
	v35 =	vmul.f32 v58, v58  }
0xc6: {  	v29 =	vld [tilespmem:$0x320];
	v39 =	vmul.f32 v62, v62;
	v21 =	vadd.f32 v21, v27;
	v22 =	vmul.f32 v62, v4  }
0xc7: {  	v44 =	vld [tilespmem:$0x3A0];
	v16 =	vadd.f32 v24, v16;
	v19 =	vadd.f32 v20, v19;
	v24 =	vmul.f32 v34, v3  }
0xc8: {  	v48 =	vld [tilespmem:$0x370];
	v17 =	vadd.f32 v28, v47;
	v34 =	vmul.f32 v52, v52;
	v20 =	vmul.f32 v50, v0  }
0xc9: {  	v36 =	vld [tilespmem:$0x340];
	v50 =	vmul.f32 v30, v0;
	v12 =	vadd.f32 v25, v16;
	v16 =	vadd.f32 v38, v37  }
0xca: {  	v62 =	vld [tilespmem:$0x410];
	v13 =	vadd.f32 v41, v19;
	v17 =	vadd.f32 v51, v17;
	v25 =	vmul.f32 v46, v2  }
0xcb: {  	v47 =	vld [tilespmem:$0x3B0];
	v14 =	vadd.f32 v24, v14;
	v19 =	vmul.f32 v49, v1;
	v37 =	vmul.f32 v29, v29  }
0xcc: {  	v52 =	vld [tilespmem:$0x3D0];
	v41 =	vmul.f32 v29, v5;
	v24 =	vmul.f32 v58, v2;
	v16 =	vadd.f32 v42, v16  }
0xcd: {  	v38 =	vld [tilespmem:$0x360];
	v28 =	vmul.f32 v48, v2;
	v17 =	vadd.f32 v54, v17;
	v14 =	vadd.f32 v25, v14  }
0xce: {  	v51 =	vld [tilespmem:$0x3C0];
	v18 =	vadd.f32 v19, v18;
	v21 =	vadd.f32 v41, v21;
	v19 =	vmul.f32 v36, v1  }
0xcf: {  	v54 =	vmul.f32 v44, v44;
	v41 =	vmul.f32 v62, v62;
	v16 =	vadd.f32 v43, v16  }
0xd0: {  	v58 =	vmul.f32 v47, v47;
	v60 =	vadd.f32 v59, v17;
	v17 =	vadd.f32 v33, v63  }
0xd1: {  	v42 =	vld [tilespmem:$0x390];
	v43 =	vmul.f32 v36, v36;
	v21 =	vadd.f32 v22, v21;
	v22 =	vmul.f32 v47, v4  }
0xd2: {  	v18 =	vadd.f32 v20, v18;
	v46 =	vmul.f32 v38, v38;
	v25 =	vmul.f32 v38, v3  }
0xd3: {  	v55 =	vld [tilespmem:$0x3E0];
	v36 =	vmul.f32 v51, v51;
	v38 =	vmul.f32 v52, v52;
	v15 =	vadd.f32 v56, v16  }
0xd4: {  	v59 =	vld [tilespmem:$0x400];
	v16 =	vadd.f32 v61, v60;
	v17 =	vadd.f32 v37, v17;
	v56 =	vmul.f32 v40, v6  }
0xd5: {  	v18 =	vadd.f32 v26, v18;
	v60 =	vmul.f32 v48, v48;
	v61 =	vmul.f32 v44, v5  }
0xd6: {  	v63 =	vld [tilespmem:$0x3F0];
	v49 =	vadd.f32 v19, v21;
	v21 =	vmul.f32 v51, v1;
	v32 =	vmul.f32 v42, v42  }
0xd7: {  	v26 =	vmul.f32 v62, v7;
	v51 =	vld [tilespmem:$0x490];
	v57 =	vmul.f32 v42, v7;
	v16 =	vadd.f32 v34, v16  }
0xd8: {  	v33 =	vld [tilespmem:$0x420];
	v42 =	vmul.f32 v55, v55;
	v17 =	vadd.f32 v39, v17;
	v53 =	vadd.f32 v32, v31  }
0xd9: {  	v44 =	vld [tilespmem:$0x440];
	v19 =	vadd.f32 v57, v56;
	v40 =	vmul.f32 v59, v59;
	v30 =	vmul.f32 v59, v6  }
0xda: {  	v39 =	vld [tilespmem:$0x430];
	v31 =	vmul.f32 v55, v3;
	v16 =	vadd.f32 v35, v16;
	v17 =	vadd.f32 v43, v17  }
0xdb: {  	v34 =	vld [tilespmem:$0x450];
	v43 =	vmul.f32 v63, v63;
	v27 =	vadd.f32 v54, v53;
	v23 =	vadd.f32 v61, v19  }
0xdc: {  	v26 =	vadd.f32 v26, v30;
	v35 =	vmul.f32 v51, v51;
	v20 =	vadd.f32 v45, v17  }
0xdd: {  	v57 =	vld [tilespmem:$0x470];
	v17 =	vadd.f32 v24, v18;
	v24 =	vmul.f32 v52, v0;
	v45 =	vmul.f32 v33, v33  }
0xde: {  	v18 =	vadd.f32 v50, v49;
	v50 =	vmul.f32 v33, v5;
	v52 =	vmul.f32 v44, v44  }
0xdf: {  	v27 =	vadd.f32 v58, v27;
	v22 =	vadd.f32 v22, v23;
	v48 =	vmul.f32 v39, v39  }
0xe0: {  	v53 =	vld [tilespmem:$0x4A0];
	v23 =	vmul.f32 v39, v4;
	v54 =	vmul.f32 v34, v34;
	v20 =	vadd.f32 v46, v20  }
0xe1: {  	v56 =	vld [tilespmem:$0x4B0];
	v59 =	vmul.f32 v34, v0;
	v18 =	vadd.f32 v25, v18;
	v26 =	vadd.f32 v50, v26  }
0xe2: {  	v49 =	vld [tilespmem:$0x480];
	v25 =	vmul.f32 v63, v2;
	v32 =	vmul.f32 v57, v2;
	v37 =	vadd.f32 v36, v27  }
0xe3: {  	v61 =	vld [tilespmem:$0x4D0];
	v21 =	vadd.f32 v21, v22;
	v27 =	vadd.f32 v41, v40;
	v22 =	vmul.f32 v44, v1  }
0xe4: {  	v46 =	vld [tilespmem:$0x460];
	v41 =	vmul.f32 v51, v7;
	v36 =	vmul.f32 v57, v57;
	v19 =	vadd.f32 v60, v20  }
0xe5: {  	v18 =	vadd.f32 v28, v18;
	v23 =	vadd.f32 v23, v26;
	v62 =	vmul.f32 v53, v53  }
0xe6: {  	v63 =	vld [tilespmem:$0x4E0];
	v44 =	vmul.f32 v53, v5;
	v26 =	vmul.f32 v56, v4;
	v20 =	vadd.f32 v38, v37  }
0xe7: {  	v50 =	vld [tilespmem:$0x530];
	v21 =	vadd.f32 v24, v21;
	v47 =	vadd.f32 v45, v27;
	v58 =	vmul.f32 v49, v49  }
0xe8: {  	v57 =	vld [tilespmem:$0x560];
	v40 =	vmul.f32 v49, v6;
	v49 =	vmul.f32 v61, v61;
	v22 =	vadd.f32 v22, v23  }
0xe9: {  	v60 =	vld [tilespmem:$0x4C0];
	v20 =	vadd.f32 v42, v20;
	v24 =	vadd.f32 v48, v47;
	v55 =	vmul.f32 v46, v46  }
0xea: {  	v45 =	vld [tilespmem:$0x510];
	v21 =	vadd.f32 v31, v21;
	v29 =	vmul.f32 v46, v3;
	v42 =	vmul.f32 v56, v56  }
0xeb: {  	v37 =	vld [tilespmem:$0x520];
	v27 =	vadd.f32 v35, v58;
	v53 =	vmul.f32 v63, v63;
	v31 =	vmul.f32 v61, v0  }
0xec: {  	v23 =	vadd.f32 v41, v40;
	v58 =	vmul.f32 v50, v50;
	v35 =	vmul.f32 v63, v3  }
0xed: {  	v22 =	vadd.f32 v59, v22;
	v33 =	vmul.f32 v57, v3;
	v20 =	vadd.f32 v43, v20  }
0xee: {  	v46 =	vld [tilespmem:$0x4F0];
	v24 =	vadd.f32 v52, v24;
	v21 =	vadd.f32 v25, v21;
	v47 =	vmul.f32 v60, v60  }
0xef: {  	v61 =	vld [tilespmem:$0x590];
	v28 =	vadd.f32 v44, v23;
	v25 =	vmul.f32 v60, v1;
	v44 =	vmul.f32 v57, v57  }
0xf0: {  	v59 =	vld [tilespmem:$0x580];
	v27 =	vadd.f32 v62, v27;
	v52 =	vmul.f32 v45, v45;
	v56 =	vmul.f32 v37, v37  }
0xf1: {  	v43 =	vld [tilespmem:$0x500];
	v22 =	vadd.f32 v29, v22;
	v30 =	vmul.f32 v45, v7;
	v60 =	vmul.f32 v37, v5  }
0xf2: {  	v24 =	vadd.f32 v54, v24;
	v26 =	vadd.f32 v26, v28;
	v28 =	vmul.f32 v50, v4  }
0xf3: {  	v38 =	vld [tilespmem:$0x550];
	v27 =	vadd.f32 v42, v27;
	v54 =	vmul.f32 v46, v46;
	v29 =	vmul.f32 v46, v2  }
0xf4: {  	v63 =	vld [tilespmem:$0x5A0];
	v22 =	vadd.f32 v32, v22;
	v39 =	vmul.f32 v61, v61;
	v37 =	vmul.f32 v61, v7  }
0xf5: {  	v45 =	vld [tilespmem:$0x5B0];
	v24 =	vadd.f32 v55, v24;
	v48 =	vadd.f32 v47, v27;
	v47 =	vmul.f32 v59, v59  }
0xf6: {  	v50 =	vld [tilespmem:$0x5D0];
	v25 =	vadd.f32 v25, v26;
	v32 =	vmul.f32 v59, v6;
	v51 =	vmul.f32 v43, v43  }
0xf7: {  	v46 =	vld [tilespmem:$0x570];
	v34 =	vmul.f32 v43, v6;
	v23 =	vadd.f32 v36, v24;
	v24 =	vadd.f32 v49, v48  }
0xf8: {  	v55 =	vld [tilespmem:$0x540];
	v43 =	vmul.f32 v38, v38;
	v25 =	vadd.f32 v31, v25;
	v31 =	vadd.f32 v39, v47  }
0xf9: {  	v48 =	vmul.f32 v38, v0;
	v32 =	vadd.f32 v37, v32;
	v27 =	vadd.f32 v52, v51  }
0xfa: {  	v49 =	vld [tilespmem:$0x5C0];
	v30 =	vadd.f32 v30, v34;
	v51 =	vmul.f32 v63, v63;
	v34 =	vmul.f32 v63, v5  }
0xfb: {  	v47 =	vld [tilespmem:$0x660];
	v59 =	vmul.f32 v50, v50;
	v24 =	vadd.f32 v53, v24;
	v25 =	vadd.f32 v35, v25  }
0xfc: {  	v52 =	vld [tilespmem:$0x5E0];
	v53 =	vmul.f32 v45, v45;
	v40 =	vmul.f32 v46, v46;
	v27 =	vadd.f32 v56, v27  }
0xfd: {  	v62 =	vmul.f32 v55, v55;
	v30 =	vadd.f32 v60, v30;
	v26 =	vmul.f32 v55, v1;
	v55 =	vld [tilespmem:$0x610]  }
0xfe: {  	v36 =	vmul.f32 v46, v2;
	v31 =	vadd.f32 v51, v31;
	v56 =	vld [tilespmem:$0x5F0];
	v32 =	vadd.f32 v34, v32  }
0xff: {  	v35 =	vmul.f32 v50, v0;
	v60 =	vld [tilespmem:$0x630];
	v24 =	vadd.f32 v54, v24;
	v25 =	vadd.f32 v29, v25  }
0x100: {  	v51 =	vld [tilespmem:$0x680];
	v27 =	vadd.f32 v58, v27;
	v31 =	vadd.f32 v53, v31;
	v57 =	vmul.f32 v49, v49  }
0x101: {  	v28 =	vadd.f32 v28, v30;
	v30 =	vmul.f32 v45, v4;
	v29 =	vmul.f32 v49, v1  }
0x102: {  	v54 =	vld [tilespmem:$0x600];
	v63 =	vmul.f32 v52, v52;
	v31 =	vadd.f32 v57, v31;
	v57 =	vmul.f32 v47, v47  }
0x103: {  	v58 =	vld [tilespmem:$0x620];
	v27 =	vadd.f32 v62, v27;
	v62 =	vmul.f32 v55, v55;
	v41 =	vmul.f32 v56, v56  }
0x104: {  	v45 =	vld [tilespmem:$0x640];
	v26 =	vadd.f32 v26, v28;
	v37 =	vmul.f32 v55, v7;
	v50 =	vmul.f32 v60, v60  }
0x105: {  	v30 =	vadd.f32 v30, v32;
	v32 =	vmul.f32 v60, v4;
	v60 =	vmul.f32 v51, v51  }
0x106: {  	v38 =	vmul.f32 v51, v6;
	v27 =	vadd.f32 v43, v27;
	v26 =	vadd.f32 v48, v26  }
0x107: {  	v42 =	vld [tilespmem:$0x650];
	v31 =	vadd.f32 v59, v31;
	v61 =	vmul.f32 v54, v54;
	v39 =	vmul.f32 v54, v6  }
0x108: {  	v29 =	vadd.f32 v29, v30;
	v43 =	vmul.f32 v52, v3;
	v46 =	vmul.f32 v58, v58  }
0x109: {  	v52 =	vld [tilespmem:$0x690];
	v34 =	vmul.f32 v58, v5;
	v54 =	vmul.f32 v45, v45;
	v27 =	vadd.f32 v44, v27  }
0x10a: {  	v59 =	vld [tilespmem:$0x670];
	v30 =	vmul.f32 v45, v1;
	v26 =	vadd.f32 v33, v26;
	v31 =	vadd.f32 v63, v31  }
0x10b: {  	v48 =	vld [tilespmem:$0x6D0];
	v29 =	vadd.f32 v35, v29;
	v37 =	vadd.f32 v37, v39;
	v33 =	vmul.f32 v56, v2  }
0x10c: {  	v55 =	vld [tilespmem:$0x6A0];
	v56 =	vmul.f32 v42, v42;
	v27 =	vadd.f32 v40, v27;
	v26 =	vadd.f32 v36, v26  }
0x10d: {  	v58 =	vld [tilespmem:$0x6B0];
	v36 =	vadd.f32 v62, v61;
	v28 =	vadd.f32 v41, v31;
	v62 =	vmul.f32 v42, v0  }
0x10e: {  	v63 =	vld [tilespmem:$0x6C0];
	v29 =	vadd.f32 v43, v29;
	v40 =	vmul.f32 v47, v3;
	v61 =	vmul.f32 v52, v52  }
0x10f: {  	v51 =	vld [tilespmem:$0x710];
	v34 =	vadd.f32 v34, v37;
	v39 =	vmul.f32 v52, v7;
	v44 =	vmul.f32 v59, v59  }
0x110: {  	v41 =	vmul.f32 v59, v2;
	v37 =	vmul.f32 v48, v0;
	v49 =	vadd.f32 v46, v36  }
0x111: {  	v32 =	vadd.f32 v32, v34;
	v29 =	vadd.f32 v33, v29;
	v36 =	vmul.f32 v55, v5  }
0x112: {  	v52 =	vld [tilespmem:$0x6F0];
	v34 =	vmul.f32 v58, v4;
	v35 =	vadd.f32 v61, v60;
	v61 =	vmul.f32 v55, v55  }
0x113: {  	v46 =	vld [tilespmem:$0x750];
	v38 =	vadd.f32 v39, v38;
	v55 =	vmul.f32 v48, v48;
	v33 =	vmul.f32 v63, v1  }
0x114: {  	v60 =	vld [tilespmem:$0x740];
	v39 =	vmul.f32 v51, v7;
	v53 =	vadd.f32 v50, v49;
	v30 =	vadd.f32 v30, v32  }
0x115: {  	v49 =	vmul.f32 v58, v58;
	v50 =	vld [tilespmem:$0x700];
	v35 =	vadd.f32 v61, v35;
	v36 =	vadd.f32 v36, v38  }
0x116: {  	v58 =	vmul.f32 v51, v51;
	v31 =	vadd.f32 v54, v53;
	v30 =	vadd.f32 v62, v30;
	v62 =	vld [tilespmem:$0x6E0]  }
0x117: {  	v53 =	vmul.f32 v63, v63;
	v54 =	vld [tilespmem:$0x720];
	v35 =	vadd.f32 v49, v35;
	v34 =	vadd.f32 v34, v36  }
0x118: {  	v45 =	vmul.f32 v52, v52;
	v31 =	vadd.f32 v56, v31;
	v30 =	vadd.f32 v40, v30  }
0x119: {  	v51 =	vld [tilespmem:$0x790];
	v40 =	vmul.f32 v52, v2;
	v52 =	vmul.f32 v46, v46;
	v35 =	vadd.f32 v53, v35  }
0x11a: {  	v33 =	vadd.f32 v33, v34;
	v43 =	vmul.f32 v50, v6;
	v34 =	vmul.f32 v60, v1  }
0x11b: {  	v56 =	vld [tilespmem:$0x730];
	v31 =	vadd.f32 v57, v31;
	v30 =	vadd.f32 v41, v30;
	v57 =	vmul.f32 v50, v50  }
0x11c: {  	v35 =	vadd.f32 v55, v35;
	v59 =	vmul.f32 v62, v62;
	v63 =	vmul.f32 v54, v54  }
0x11d: {  	v50 =	vld [tilespmem:$0x780];
	v33 =	vadd.f32 v37, v33;
	v47 =	vmul.f32 v62, v3;
	v38 =	vmul.f32 v54, v5  }
0x11e: {  	v39 =	vadd.f32 v39, v43;
	v62 =	vmul.f32 v60, v60;
	v54 =	vld [tilespmem:$0x7B0];
	v43 =	vmul.f32 v51, v7  }
0x11f: {  	v55 =	vld [tilespmem:$0x770];
	v31 =	vadd.f32 v44, v31;
	v41 =	vadd.f32 v58, v57;
	v57 =	vmul.f32 v51, v51  }
0x120: {  	v44 =	vld [tilespmem:$0x760];
	v35 =	vadd.f32 v59, v35;
	v38 =	vadd.f32 v38, v39;
	v36 =	vmul.f32 v56, v4  }
0x121: {  	v58 =	vmul.f32 v46, v0;
	v33 =	vadd.f32 v47, v33;
	v48 =	vadd.f32 v63, v41  }
0x122: {  	v49 =	vmul.f32 v56, v56;
	v63 =	vld [tilespmem:$0x7A0];
	v32 =	vadd.f32 v45, v35;
	v36 =	vadd.f32 v36, v38  }
0x123: {  	v59 =	vld [tilespmem:$0x7C0];
	v56 =	vmul.f32 v50, v50;
	v33 =	vadd.f32 v40, v33;
	v42 =	vmul.f32 v50, v6  }
0x124: {  	v61 =	vadd.f32 v49, v48;
	v48 =	vmul.f32 v55, v55;
	v45 =	vmul.f32 v55, v2  }
0x125: {  	v41 =	vld [tilespmem:$0x7D0];
	v38 =	vmul.f32 v54, v4;
	v53 =	vmul.f32 v44, v44;
	v34 =	vadd.f32 v34, v36  }
0x126: {  	v37 =	vadd.f32 v57, v56;
	v36 =	vld [tilespmem:$0x7E0];
	v44 =	vmul.f32 v44, v3;
	v35 =	vadd.f32 v62, v61  }
0x127: {  	v55 =	vld [tilespmem:$0x830];
	v42 =	vadd.f32 v43, v42;
	v61 =	vmul.f32 v54, v54;
	v60 =	vmul.f32 v63, v63  }
0x128: {  	v62 =	vld [tilespmem:$0x800];
	v51 =	vmul.f32 v59, v59;
	v34 =	vadd.f32 v58, v34;
	v35 =	vadd.f32 v52, v35  }
0x129: {  	v54 =	vmul.f32 v59, v1;
	v39 =	vmul.f32 v63, v5;
	v63 =	vld [tilespmem:$0x810];
	v37 =	vadd.f32 v60, v37  }
0x12a: {  	v52 =	vld [tilespmem:$0x820];
	v34 =	vadd.f32 v44, v34;
	v35 =	vadd.f32 v53, v35;
	v53 =	vmul.f32 v41, v41  }
0x12b: {  	v50 =	vld [tilespmem:$0x850];
	v39 =	vadd.f32 v39, v42;
	v58 =	vmul.f32 v36, v36;
	v41 =	vmul.f32 v41, v0  }
0x12c: {  	v44 =	vld [tilespmem:$0x7F0];
	v36 =	vmul.f32 v36, v3;
	v37 =	vadd.f32 v61, v37;
	v34 =	vadd.f32 v45, v34  }
0x12d: {  	v59 =	vld [tilespmem:$0x840];
	v38 =	vadd.f32 v38, v39;
	v56 =	vmul.f32 v62, v62;
	v47 =	vmul.f32 v62, v6  }
0x12e: {  	v40 =	vld [tilespmem:$0x8A0];
	v62 =	vmul.f32 v55, v55;
	v35 =	vadd.f32 v48, v35;
	v57 =	vmul.f32 v63, v63  }
0x12f: {  	v43 =	vmul.f32 v63, v7;
	v37 =	vadd.f32 v51, v37;
	v60 =	vmul.f32 v52, v52  }
0x130: {  	v46 =	vld [tilespmem:$0x880];
	v38 =	vadd.f32 v54, v38;
	v42 =	vmul.f32 v52, v5;
	v52 =	vmul.f32 v55, v4  }
0x131: {  	v48 =	vld [tilespmem:$0x860];
	v54 =	vmul.f32 v50, v50;
	v49 =	vmul.f32 v44, v44;
	v45 =	vadd.f32 v57, v56  }
0x132: {  	v43 =	vadd.f32 v43, v47;
	v47 =	vld [tilespmem:$0x890];
	v56 =	vmul.f32 v59, v1;
	v37 =	vadd.f32 v53, v37  }
0x133: {  	[tilespmem:$0xA80] =	vst v12;
	v57 =	vld [tilespmem:$0x8B0];
	v38 =	vadd.f32 v41, v38;
	v53 =	vmul.f32 v44, v2;
	v44 =	vmul.f32 v40, v40  }
0x134: {  	[tilespmem:$0x1280] =	vst v13;
	v61 =	vadd.f32 v60, v45;
	v45 =	vmul.f32 v59, v59;
	v51 =	vadd.f32 v42, v43  }
0x135: {  	[tilespmem:$0x1300] =	vst v14;
	v59 =	vmul.f32 v46, v46;
	v46 =	vmul.f32 v46, v6;
	v37 =	vadd.f32 v58, v37  }
0x136: {  	[tilespmem:$0xB00] =	vst v15;
	v39 =	vld [tilespmem:$0x940];
	v55 =	vmul.f32 v48, v48;
	v63 =	vadd.f32 v62, v61;
	v62 =	vmul.f32 v50, v0  }
0x137: {  	[tilespmem:$0xB80] =	vst v16;
	v58 =	vld [tilespmem:$0x870];
	v12 =	vadd.f32 v49, v37;
	v49 =	vadd.f32 v36, v38;
	v60 =	vmul.f32 v47, v47  }
0x138: {  	[tilespmem:$0x1380] =	vst v17;
	v36 =	vadd.f32 v52, v51;
	v47 =	vmul.f32 v47, v7;
	v50 =	vmul.f32 v57, v57;
	v51 =	vld [tilespmem:$0x900]  }
0x139: {  	[tilespmem:$0xC00] =	vst v19;
	v57 =	vmul.f32 v57, v4;
	v37 =	vadd.f32 v45, v63;
	v63 =	vld [tilespmem:$0x8C0];
	v13 =	vadd.f32 v53, v49  }
0x13a: {  	[tilespmem:$0x1400] =	vst v18;
	v45 =	vld [tilespmem:$0x8D0];
	v61 =	vadd.f32 v56, v36;
	v43 =	vadd.f32 v60, v59;
	v49 =	vmul.f32 v48, v3  }
0x13b: {  	[tilespmem:$0xC80] =	vst v20;
	v18 =	vadd.f32 v47, v46;
	v53 =	vmul.f32 v40, v5;
	v47 =	vmul.f32 v39, v39  }
0x13c: {  	[tilespmem:$0x1480] =	vst v21;
	v37 =	vadd.f32 v54, v37;
	v52 =	vmul.f32 v58, v58;
	v54 =	vld [tilespmem:$0x910];
	v15 =	vadd.f32 v62, v61  }
0x13d: {  	[tilespmem:$0x1500] =	vst v22;
	v16 =	vmul.f32 v58, v2;
	v19 =	vadd.f32 v44, v43;
	v18 =	vadd.f32 v53, v18  }
0x13e: {  	[tilespmem:$0xD00] =	vst v23;
	v58 =	vld [tilespmem:$0x920];
	v14 =	vadd.f32 v55, v37;
	v36 =	vmul.f32 v51, v51;
	v6 =	vmul.f32 v51, v6  }
0x13f: {  	[tilespmem:$0xD80] =	vst v24;
	v15 =	vadd.f32 v49, v15;
	v56 =	vmul.f32 v63, v63;
	v59 =	vmul.f32 v45, v45  }
0x140: {  	[tilespmem:$0x1580] =	vst v25;
	v62 =	vld [tilespmem:$0x930];
	v19 =	vadd.f32 v50, v19;
	v61 =	vmul.f32 v63, v1;
	v42 =	vmul.f32 v45, v0  }
0x141: {  	[tilespmem:$0xE00] =	vst v27;
	v43 =	vld [tilespmem:$0x950];
	v60 =	vadd.f32 v57, v18;
	v1 =	vmul.f32 v39, v1;
	v38 =	vmul.f32 v54, v54  }
0x142: {  	[tilespmem:$0x1600] =	vst v26;
	v14 =	vadd.f32 v52, v14;
	v19 =	vadd.f32 v56, v19;
	v7 =	vmul.f32 v54, v7  }
0x143: {  	[tilespmem:$0xE80] =	vst v28;
	v55 =	vld [tilespmem:$0x8E0];
	v15 =	vadd.f32 v16, v15;
	v41 =	vmul.f32 v58, v58;
	v21 =	vadd.f32 v38, v36  }
0x144: {  	[tilespmem:$0x1680] =	vst v29;
	v63 =	vld [tilespmem:$0x8F0];
	v16 =	vadd.f32 v61, v60;
	v5 =	vmul.f32 v58, v5;
	v6 =	vadd.f32 v7, v6  }
0x145: {  	[tilespmem:$0x1700] =	vst v30;
	v45 =	vld [tilespmem:$0x960];
	v56 =	vlaneseq.u32;
	v44 =	vmul.f32 v62, v62;
	v21 =	vadd.f32 v41, v21  }
0x146: {  	[tilespmem:$0xF00] =	vst v31;
	v4 =	vmul.f32 v62, v4;
	v51 =	vmul.f32 v43, v43;
	v5 =	vadd.f32 v5, v6  }
0x147: {  	[tilespmem:$0xF80] =	vst v32;
	v49 =	vld [tilespmem:$0x970];
	v0 =	vmul.f32 v43, v0;
	v19 =	vadd.f32 v59, v19;
	v21 =	vadd.f32 v44, v21  }
0x148: {  	[tilespmem:$0x1780] =	vst v33;
	v40 =	vmul.f32 v55, v55;
	v7 =	vadd.f32 v42, v16;
	v4 =	vadd.f32 v4, v5  }
0x149: {  	[tilespmem:$0x1800] =	vst v34;
	v48 =	vmul.f32 v55, v3;
	v46 =	vmul.f32 v63, v63;
	v50 =	vadd.f32 v47, v21  }
0x14a: {  	[tilespmem:$0x1000] =	vst v35;
	v52 =	vmul.f32 v63, v2;
	v54 =	vmul.f32 v45, v45;
	v1 =	vadd.f32 v1, v4  }
0x14b: {  	[tilespmem:$0x1080] =	vst v12;
	v55 =	vmul.f32 v45, v3;
	v19 =	vadd.f32 v40, v19;
	v53 =	vadd.f32 v51, v50  }
0x14c: {  	[tilespmem:$0x1880] =	vst v13;
	v58 =	vmul.f32 v49, v49;
	v5 =	vadd.f32 v48, v7;
	v0 =	vadd.f32 v0, v1  }
0x14d: {  	[tilespmem:$0x1100] =	vst v14;
	v3 =	vmul.u32 $0x80, v56;
	v16 =	vadd.f32 v46, v19;
	v57 =	vadd.f32 v54, v53  }
0x14e: {  	[tilespmem:$0x1900] =	vst v15;
	v59 =	vmul.f32 v49, v2;
	v4 =	vadd.f32 v52, v5;
	v0 =	vadd.f32 v55, v0  }
0x14f: {  	v61 =	vor.u32 $0x1, v3;
	[tilespmem:$0x1180] =	vst v16;
	v60 =	vadd.f32 v58, v57  }
0x150: {  	[tilespmem:$0x1980] =	vst v4;
	v0 =	vadd.f32 v59, v0  }
0x151: {  	v62 =	vor.u32 $0x2, v3;
	[tilespmem:$0x1200] =	vst v60  }
0x152: {  	s30 =	simm.s32 $0xA80;
	[tilespmem:$0x1A00] =	vst v0  }
0x153: {  	v63 =	vor.u32 $0x3, v3;
	v0 =	vld.idx.msk [tilespmem:v3+s30+$0x0], $0xffff  }
0x154: {  	v21 =	vor.u32 $0x4, v3;
	v4 =	vld.idx.msk [tilespmem:v61+s30+$0x0], $0xffff  }
0x155: {  	v22 =	vor.u32 $0x5, v3  }
0x156: {  	v23 =	vld.idx.msk [tilespmem:v62+s30+$0x0], $0xffff;
	_ =	sdelay $0x1  }
0x157: {  	v24 =	vor.u32 $0x6, v3;
	v13 =	vld.idx.msk [tilespmem:v63+s30+$0x0], $0xffff  }
0x158: {  	v25 =	vld.idx.msk [tilespmem:v21+s30+$0x0], $0xffff;
	v0 =	vadd.f32 v4, v0  }
0x159: {  	s31 =	simm.s32 $0x1280;
	v26 =	vor.u32 $0x7, v3;
	v15 =	vld.idx.msk [tilespmem:v22+s30+$0x0], $0xffff  }
0x15a: {  	v27 =	vld.idx.msk [tilespmem:v3+s31+$0x0], $0xffff;
	v0 =	vadd.f32 v23, v0  }
0x15b: {  	v28 =	vor.u32 $0x8, v3;
	v5 =	vld.idx.msk [tilespmem:v61+s31+$0x0], $0xffff  }
0x15c: {  	v29 =	vld.idx.msk [tilespmem:v24+s30+$0x0], $0xffff;
	v0 =	vadd.f32 v13, v0  }
0x15d: {  	v30 =	vor.u32 $0x9, v3;
	v1 =	vld.idx.msk [tilespmem:v62+s31+$0x0], $0xffff  }
0x15e: {  	v31 =	vld.idx.msk [tilespmem:v26+s30+$0x0], $0xffff;
	v0 =	vadd.f32 v25, v0  }
0x15f: {  	v32 =	vor.u32 $0xA, v3;
	v2 =	vld.idx.msk [tilespmem:v63+s31+$0x0], $0xffff  }
0x160: {  	v33 =	vld.idx.msk [tilespmem:v28+s30+$0x0], $0xffff;
	v5 =	vadd.f32 v5, v27;
	v0 =	vadd.f32 v15, v0  }
0x161: {  	v34 =	vor.u32 $0xB, v3;
	v6 =	vld.idx.msk [tilespmem:v21+s31+$0x0], $0xffff  }
0x162: {  	v35 =	vld.idx.msk [tilespmem:v30+s30+$0x0], $0xffff;
	v1 =	vadd.f32 v1, v5;
	v0 =	vadd.f32 v29, v0  }
0x163: {  	v36 =	vor.u32 $0xC, v3;
	v7 =	vld.idx.msk [tilespmem:v22+s31+$0x0], $0xffff  }
0x164: {  	v37 =	vld.idx.msk [tilespmem:v32+s30+$0x0], $0xffff;
	v1 =	vadd.f32 v2, v1;
	v0 =	vadd.f32 v31, v0  }
0x165: {  	v38 =	vor.u32 $0xD, v3;
	v14 =	vld.idx.msk [tilespmem:v24+s31+$0x0], $0xffff  }
0x166: {  	v39 =	vld.idx.msk [tilespmem:v34+s30+$0x0], $0xffff;
	v1 =	vadd.f32 v6, v1;
	v0 =	vadd.f32 v33, v0  }
0x167: {  	v40 =	vor.u32 $0xE, v3;
	v16 =	vld.idx.msk [tilespmem:v26+s31+$0x0], $0xffff  }
0x168: {  	v41 =	vld.idx.msk [tilespmem:v36+s30+$0x0], $0xffff;
	v1 =	vadd.f32 v7, v1;
	v0 =	vadd.f32 v35, v0  }
0x169: {  	v42 =	vld.idx.msk [tilespmem:v28+s31+$0x0], $0xffff  }
0x16a: {  	v3 =	vor.u32 $0xF, v3;
	v43 =	vld.idx.msk [tilespmem:v38+s30+$0x0], $0xffff;
	v1 =	vadd.f32 v14, v1;
	v0 =	vadd.f32 v37, v0  }
0x16b: {  	v44 =	vld.idx.msk [tilespmem:v30+s31+$0x0], $0xffff  }
0x16c: {  	v45 =	vld.idx.msk [tilespmem:v40+s30+$0x0], $0xffff;
	v1 =	vadd.f32 v16, v1;
	v0 =	vadd.f32 v39, v0  }
0x16d: {  	v46 =	vld.idx.msk [tilespmem:v32+s31+$0x0], $0xffff  }
0x16e: {  	v48 =	vld.idx.msk [tilespmem:v34+s31+$0x0], $0xffff;
	v1 =	vadd.f32 v42, v1;
	v0 =	vadd.f32 v41, v0  }
0x16f: {  	v47 =	vld.idx.msk [tilespmem:v3+s30+$0x0], $0xffff  }
0x170: {  	v1 =	vadd.f32 v44, v1;
	v0 =	vadd.f32 v43, v0  }
0x171: {  	v49 =	vld.idx.msk [tilespmem:v36+s31+$0x0], $0xffff  }
0x172: {  	v1 =	vadd.f32 v46, v1;
	v0 =	vadd.f32 v45, v0  }
0x173: {  	v2 =	vld.idx.msk [tilespmem:v38+s31+$0x0], $0xffff  }
0x174: {  	v1 =	vadd.f32 v48, v1;
	v0 =	vadd.f32 v47, v0  }
0x175: {  	v50 =	vld.idx.msk [tilespmem:v40+s31+$0x0], $0xffff  }
0x176: {  	v1 =	vadd.f32 v49, v1;
	v51 =	vsub.f32 $1.000000000e+00, v0  }
0x177: {  	v3 =	vld.idx.msk [tilespmem:v3+s31+$0x0], $0xffff  }
0x178: {  	v1 =	vadd.f32 v2, v1;
	v52 =	vmax.f32 v51, $9.999999740e-06  }
0x179: {  	v2 =	vmul.f32 v52, v10  }
0x17a: {  	v1 =	vadd.f32 v50, v1  }
0x17b: {  	(erf) = vrcp.f32 v2  }
0x17c: {  	v1 =	vadd.f32 v3, v1;
	_ =	sdelay $0x1  }
0x17d: {  	v0 =	vadd.f32 v0, v8;
	v1 =	vadd.f32 v1, v1;
	_ =	sdelay $0x1  }
0x17e: {  	v0 =	vsub.f32 v0, v1;
	_ =	sdelay $0x1  }
0x17f: {  	v0 =	vmax.f32 v0, $0.0e+00  }
0x180: {  	v0 =	vadd.f32 v0, v0  }
0x181: {  	v53 =	vpop (erf)  }
0x182: {  	v0 =	vmul.f32 v0, v53;
	_ =	sdelay $0x1  }
0x183: {  	v0 =	vadd.f32 $1.000000000e+00, v0;
	_ =	sdelay $0x1  }
0x184: {  	v0 =	vmax.f32 v0, $1.000010010e+00  }
0x185: {  	v54 =	vadd.f32 $-1.000000000e+00, v0;
	v0 =	vadd.f32 $1.000000000e+00, v0;
	_ =	sdelay $0x1  }
0x186: {  	v0 =	vmul.f32 v0, v54;
	_ =	sdelay $0x1  }
0x187: {  	v55 =	vshrl.u32 v0, $0x1;
	v56 =	vmul.f32 $5.000000000e-01, v0  }
0x188: {  	v2 =	vsub.s32 $0x5F3759DF, v55  }
0x189: {  	v57 =	vmul.f32 v2, v56;
	_ =	sdelay $0x1  }
0x18a: {  	v4 =	vmul.f32 v2, v57;
	_ =	sdelay $0x1  }
0x18b: {  	v4 =	vsub.f32 $1.500000000e+00, v4;
	_ =	sdelay $0x1  }
0x18c: {  	v2 =	vmul.f32 v2, v4;
	_ =	sdelay $0x1  }
0x18d: {  	v3 =	vmul.f32 v2, v56;
	_ =	sdelay $0x1  }
0x18e: {  	v3 =	vmul.f32 v3, v2;
	_ =	sdelay $0x1  }
0x18f: {  	v3 =	vsub.f32 $1.500000000e+00, v3;
	_ =	sdelay $0x1  }
0x190: {  	v2 =	vmul.f32 v3, v2;
	_ =	sdelay $0x1  }
0x191: {  	v0 =	vmul.f32 v2, v0;
	_ =	sdelay $0x1  }
0x192: {  	v0 =	vadd.f32 v0, v54;
	_ =	sdelay $0x1  }
0x193: {  	v1 =	vadd.f32 $2.000000000e+00, v0;
	_ =	sdelay $0x1  }
0x194: {  	(erf) = vrcp.f32 v1;
	_ =	sdelay $0x8  }
0x195: {  	v58 =	vmul.f32 v11, v9;
	v59 =	vpop (erf)  }
0x196: {  	v0 =	vmul.f32 v59, v0  }
0x197: {  	v60 =	vmul.f32 v58, v58  }
0x198: {  	v61 =	vmul.f32 v0, v0  }
0x199: {  	v62 =	vmul.f32 $1.428571490e-01, v60  }
0x19a: {  	v63 =	vmul.f32 $1.428571490e-01, v61  }
0x19b: {  	v4 =	vadd.f32 $2.000000030e-01, v62  }
0x19c: {  	v5 =	vadd.f32 $2.000000030e-01, v63  }
0x19d: {  	v4 =	vmul.f32 v4, v60  }
0x19e: {  	v5 =	vmul.f32 v5, v61  }
0x19f: {  	v4 =	vadd.f32 $3.333333430e-01, v4  }
0x1a0: {  	v5 =	vadd.f32 $3.333333430e-01, v5  }
0x1a1: {  	v2 =	vmul.f32 v4, v60  }
0x1a2: {  	v3 =	vmul.f32 v5, v61  }
0x1a3: {  	v2 =	vadd.f32 $1.000000000e+00, v2;
	v1 =	vadd.f32 v58, v58  }
0x1a4: {  	v0 =	vadd.f32 v0, v0;
	v3 =	vadd.f32 $1.000000000e+00, v3;
	_ =	sdelay $0x1  }
0x1a5: {  	v1 =	vmul.f32 v2, v1;
	v0 =	vmul.f32 v3, v0;
	_ =	sdelay $0x1  }
0x1a6: {  	v0 =	vsub.f32 v1, v0;
	_ =	sdelay $0x1  }
0x1a7: {  	s6 =	sadd.s32 $0x18, s1;
	s7 =	simm.s32 @p1 $0x2088;
	[tilespmem:$0x2080] =	vst v0  }
0x1a8: {  	[hbm4b:s6+s5] =	stream.linear.scatter @p1 [tilespmem:s7], [sflag:$0x8], $0x8, $0x38;
	[tilespmem:$0x2100] =	vst v63  }
0x1a9: {  	s5 =	simm.s32 @p1 $0x8  }
0x1aa: {  	_ =	swait.ge @p1 [sflag:s5], $0x8  }
0x1ab: {  	[sflag:s5] =	ssyncset.done @p1 $0x0  }
0x1ac: {  	[sflag:s5] =	ssyncadd.s32 @p1 $0xFFFFFFF8;
	s5 =	simm.s32 @p1 $0x7  }
0x1ad: {  	_ =	swait.ge @p1 [sflag:s5], $0x400  }
0x1ae: {  	p2 =	sne.s32 @!p1 s2, $0x0;
	s2 =	simm.s32 @!p1 $0x2080;
	[sflag:s5] =	ssyncset.done @p1 $0x0  }
0x1af: {  	p2 =	por p2, p1;
	s1 =	sadd.s32 s1, s3;
	[sflag:s5] =	ssyncadd.s32 @p1 $0xFFFFFC00  }
0x1b0: {  	[hbm4b:s1+s4] =	stream.linear.scatter @!p1 [tilespmem:s2], [sflag:$0x8], $0x10, $0x38;
	[tilespmem:$0x2100] =	vst v63  }
0x1b1: {  	s1 =	simm.s32 @!p2 $0x9  }
0x1b2: {  	_ =	swait.ge @!p2 [sflag:s1], $0x80  }
0x1b3: {  	[sflag:s1] =	ssyncset.done @!p2 $0x0  }
0x1b4: {  	[sflag:s1] =	ssyncadd.s32 @!p2 $0xFFFFFF80;
	s1 =	simm.s32 @!p2 $0xA  }
0x1b5: {  	_ =	swait.ge @!p2 [sflag:s1], $0x80  }
0x1b6: {  	[sflag:s1] =	ssyncset.done @!p2 $0x0  }
0x1b7: {  	[sflag:s1] =	ssyncadd.s32 @!p2 $0xFFFFFF80;
	s1 =	simm.s32 @!p1 $0x8  }
0x1b8: {  	_ =	swait.ge @!p1 [sflag:s1], $0x10  }
0x1b9: {  	[sflag:s1] =	ssyncset.done @!p1 $0x0  }
0x1ba: {  	[sflag:s1] =	ssyncadd.s32 @!p1 $0xFFFFFFF0;
	s1 =	simm.s32 @!p1 $0x7  }
0x1bb: {  	_ =	swait.ge @!p1 [sflag:s1], $0x800  }
0x1bc: {  	[sflag:s1] =	ssyncset.done @!p1 $0x0  }
0x1bd: {  	[sflag:s1] =	ssyncadd.s32 @!p1 $0xFFFFF800  }
.LBB2_2:
0x1be: {  	_ =	sfence.sel $0x180000  }
0x1bf: {  	[bflag:$0x0] =	sbarrier.arrive $0xFFFF  }
0x1c0: {  	_ =	strace $0x90000047  }
0x1c1: {  	s0 =	sadd.s32 @!p0 $0x100000, s0;
	[bflag:$0x2] =	sbarrier.arrive $0xFFFF  }
0x1c2: {  	[sflag:s0] =	ssyncadd.tile.s32 @!p0 $0x1;
	_ =	shalt  }
.Lfunc_end2:
_tile_overlayer_lowered:
.L_overlay_start_2:
0x1c3: {  	(tag) =	ssettag $0x2  }
0x1c4: {  	s0 =	rddreg [dreg:$0x0];
	s2 =	stileid.u32  }
0x1c5: {  	s1 =	rddreg [dreg:$0x1];
	p0 =	sne.s32 s2, $0x0  }
0x1c6: {  	s3 =	rddreg [dreg:$0x2];
	[bflag:$0x3] =	sbarrier.arrive $0xFFFF;
	s2 =	simm.s32 @!p0 $0x1C0B  }
0x1c7: {  	[timem:s3], [sflag:s2] =	dma.local @!p0 [hbm:s0], s1  }
0x1c8: {  	s0 =	simm.s32 @!p0 $0xB  }
0x1c9: {  	_ =	swait.ge @!p0 [sflag:s0], s1  }
0x1ca: {  	s1 =	ssub.s32 @!p0 $0x0, s1;
	[sflag:s0] =	ssyncset.done @!p0 $0x0  }
0x1cb: {  	[sflag:s0] =	ssyncadd.s32 @!p0 s1  }
0x1cc: {  	[bflag:$0x3] =	sbarrier.arrive $0xFFFF  }
0x1cd: {  	_ =	shalt  }

</sc_bundles>
